<compile_context>
chip_gen: v7x
topology: tpu7x:2x2x1
jax: 0.10.2.dev20260603
libtpu: 0.0.44.dev20260713+nightly
codegen_flags: <defaults>
</compile_context>

<pallas_src>
import functools

import jax
import jax.numpy as jnp
from jax import lax
from jax.experimental import pallas as pl
from jax.experimental.pallas import tpu as pltpu
from jax.experimental.pallas import tpu_sc as plsc

T, K_MAX, D = 256, 128, 128
L = T * K_MAX
NH, DH = 4, 32
DFF = 256
BLK = 256
NB = L // BLK
NKEY = 128
EPS = 1e-5
NEG = -1e9
NBUF = 3


SC_NC, SC_NS = 2, 16
SC_NW = SC_NC * SC_NS
RPW = L // SC_NW
CH = 128
NCH = RPW // CH

@functools.cache
def _sc_kernels():
    mesh = plsc.VectorSubcoreMesh(core_axis_name="c", subcore_axis_name="s")

    @functools.partial(
        pl.kernel,
        out_type=jax.ShapeDtypeStruct((L, D), jnp.float32),
        mesh=mesh,
        scratch_types=[pltpu.VMEM((CH, D), jnp.float32),
                       pltpu.VMEM((CH, D), jnp.float32),
                       pltpu.VMEM((CH,), jnp.int32),
                       pltpu.VMEM((CH,), jnp.int32),
                       pltpu.SemaphoreType.DMA,
                       pltpu.SemaphoreType.DMA,
                       pltpu.SemaphoreType.DMA,
                       pltpu.SemaphoreType.DMA],
    )
    def sc_scatter_rows(x_hbm, pos_hbm, xs_hbm,
                        rb0, rb1, pb0, pb1, sr0, sr1, sp0, sp1):
        wid = lax.axis_index("s") * SC_NC + lax.axis_index("c")
        base = wid * RPW
        rbufs, pbufs = (rb0, rb1), (pb0, pb1)
        rsems, psems = (sr0, sr1), (sp0, sp1)

        def start(ch):
            r0 = base + ch * CH
            s = ch % 2
            pltpu.async_copy(pos_hbm.at[pl.ds(r0, CH)], pbufs[s], psems[s])
            pltpu.async_copy(x_hbm.at[pl.ds(r0, CH)], rbufs[s], rsems[s])

        start(0)
        start(1)
        for ch in range(NCH):
            s = ch % 2
            r0 = base + ch * CH
            pltpu.make_async_copy(pos_hbm.at[pl.ds(r0, CH)], pbufs[s],
                                  psems[s]).wait()
            pltpu.make_async_copy(x_hbm.at[pl.ds(r0, CH)], rbufs[s],
                                  rsems[s]).wait()
            pltpu.async_copy(rbufs[s], xs_hbm.at[pbufs[s]], rsems[s]).wait()
            if ch + 2 < NCH:
                start(ch + 2)

    @functools.partial(
        pl.kernel,
        out_type=jax.ShapeDtypeStruct((L, D), jnp.float32),
        mesh=mesh,
        scratch_types=[pltpu.VMEM((CH, D), jnp.float32),
                       pltpu.VMEM((CH, D), jnp.float32),
                       pltpu.VMEM((CH,), jnp.int32),
                       pltpu.VMEM((CH,), jnp.int32),
                       pltpu.SemaphoreType.DMA,
                       pltpu.SemaphoreType.DMA,
                       pltpu.SemaphoreType.DMA,
                       pltpu.SemaphoreType.DMA],
    )
    def sc_gather_rows(y_hbm, pos_hbm, out_hbm,
                       rb0, rb1, pb0, pb1, sr0, sr1, sp0, sp1):
        wid = lax.axis_index("s") * SC_NC + lax.axis_index("c")
        base = wid * RPW
        rbufs, pbufs = (rb0, rb1), (pb0, pb1)
        rsems, psems = (sr0, sr1), (sp0, sp1)

        def start(ch):
            r0 = base + ch * CH
            s = ch % 2
            pltpu.async_copy(pos_hbm.at[pl.ds(r0, CH)], pbufs[s], psems[s])

        def fire_gather(ch):
            s = ch % 2
            r0 = base + ch * CH
            pltpu.make_async_copy(pos_hbm.at[pl.ds(r0, CH)], pbufs[s],
                                  psems[s]).wait()
            pltpu.async_copy(y_hbm.at[pbufs[s]], rbufs[s], rsems[s])

        start(0)
        start(1)
        fire_gather(0)
        for ch in range(NCH):
            s = ch % 2
            r0 = base + ch * CH
            if ch + 1 < NCH:
                fire_gather(ch + 1)
            pltpu.make_async_copy(y_hbm.at[pbufs[s]], rbufs[s], rsems[s]).wait()
            pltpu.sync_copy(rbufs[s], out_hbm.at[pl.ds(r0, CH)])
            if ch + 2 < NCH:
                start(ch + 2)

    return sc_scatter_rows, sc_gather_rows


def _onehot_t(keys_ref):
    krow = keys_ref[...].reshape(1, BLK).astype(jnp.float32)
    crow = jax.lax.broadcasted_iota(jnp.int32, (256, BLK), 0).astype(jnp.float32)
    return (crow == krow).astype(jnp.float32)


def _count_p0_kernel(keys_ref, pw_ref, offs_ref, hist_ref, offacc_ref):
    b = pl.program_id(0)
    krow = keys_ref[...].reshape(1, BLK).astype(jnp.float32)
    crow = (jax.lax.broadcasted_iota(jnp.int32, (256, BLK), 0)
            .astype(jnp.float32))
    oht = (crow == krow).astype(jnp.float32)

    @pl.when(b == 0)
    def _init():
        hist_ref[...] = jnp.zeros((256, 1), jnp.float32)
        offacc_ref[...] = jnp.zeros((256, 1), jnp.float32)

    r1 = jax.lax.broadcasted_iota(jnp.int32, (BLK, BLK), 0)
    c1 = jax.lax.broadcasted_iota(jnp.int32, (BLK, BLK), 1)
    ut = (r1 < c1).astype(jnp.bfloat16)
    csum_t = jax.lax.dot_general(oht.astype(jnp.bfloat16), ut,
                                 (((1,), (0,)), ((), ())),
                                 preferred_element_type=jnp.float32)
    rank_row = jnp.sum(oht * csum_t, axis=0, keepdims=True)
    run_row = jnp.sum(oht * hist_ref[...], axis=0, keepdims=True)
    pw_ref[...] = (rank_row + run_row).reshape(1, 1, BLK)
    hist_ref[...] += jnp.sum(oht, axis=1, keepdims=True)
    offacc_ref[...] += jnp.sum((krow < crow).astype(jnp.float32),
                               axis=1, keepdims=True)

    @pl.when(b == NB - 1)
    def _offsets():
        offs_ref[...] = (offacc_ref[...] + 0.5).astype(jnp.int32)


def _count_p1_kernel(keys_ref, pw_ref, offs_ref, pos_ref, ks_ref):
    b = pl.program_id(0)
    oht = _onehot_t(keys_ref)
    offs_col = offs_ref[...].astype(jnp.float32)
    run_row = jnp.sum(oht * offs_col, axis=0, keepdims=True)
    pos_ref[...] = (pw_ref[...].reshape(1, BLK)
                    + run_row + 0.5).astype(jnp.int32).reshape(1, 1, BLK)
    jrow = (b * BLK
            + jax.lax.broadcasted_iota(jnp.int32, (1, BLK), 1))
    le = (offs_ref[...] <= jrow).astype(jnp.float32)
    ks = jnp.sum(le, axis=0, keepdims=True) - 1.0
    ks_ref[...] = (ks + 0.5).astype(jnp.int32).reshape(1, 1, BLK)


def _count_sort(keys3):
    blk_spec = pl.BlockSpec((1, 1, BLK), lambda i: (i, 0, 0))
    offs_spec = pl.BlockSpec((256, 1), lambda i: (0, 0))
    pw3, offsc = pl.pallas_call(
        _count_p0_kernel,
        grid=(NB,),
        in_specs=[blk_spec],
        out_specs=[blk_spec, offs_spec],
        out_shape=[jax.ShapeDtypeStruct((NB, 1, BLK), jnp.float32),
                   jax.ShapeDtypeStruct((256, 1), jnp.int32)],
        scratch_shapes=[pltpu.VMEM((256, 1), jnp.float32),
                        pltpu.VMEM((256, 1), jnp.float32)],
    )(keys3)
    pos3, ks3 = pl.pallas_call(
        _count_p1_kernel,
        grid=(NB,),
        in_specs=[blk_spec, blk_spec, offs_spec],
        out_specs=[blk_spec, blk_spec],
        out_shape=[jax.ShapeDtypeStruct((NB, 1, BLK), jnp.int32),
                   jax.ShapeDtypeStruct((NB, 1, BLK), jnp.int32)],
    )(keys3, pw3, offsc)
    return pos3, ks3, offsc


def _ln(x, g, b):
    mu = jnp.mean(x, axis=-1, keepdims=True)
    xc = x - mu
    var = jnp.mean(xc * xc, axis=-1, keepdims=True)
    return xc * jax.lax.rsqrt(var + EPS) * g + b


def _transpose_col(vec_1xn):
    n = vec_1xn.shape[1]
    rows = jax.lax.broadcasted_iota(jnp.int32, (n, n), 0)
    cols = jax.lax.broadcasted_iota(jnp.int32, (n, n), 1)
    eye = (rows == cols).astype(jnp.float32)
    return jax.lax.dot_general(eye, vec_1xn, (((1,), (1,)), ((), ())),
                               preferred_element_type=jnp.float32)


def _tx_kernel(nv_ref, lo_ref, hi_ref, x_any, xq_ref, keys_ref,
               wqkvT_ref, bqkv_ref, woT_ref, bo_ref,
               ln1g_ref, ln1b_ref, ln2g_ref, ln2b_ref,
               w1T_ref, b1_ref, w2T_ref, b2_ref, lnfg_ref, lnfb_ref,
               y_ref, xkv_ref, sems):
    qb = pl.program_id(0)
    nv = nv_ref[0]
    bstart = qb * BLK

    @pl.when(bstart >= nv)
    def _zero():
        y_ref[...] = jnp.zeros((BLK, D), jnp.float32)

    @pl.when(bstart < nv)
    def _compute():
        kb_lo = lo_ref[qb]
        kb_hi = hi_ref[qb]
        trip = kb_hi - kb_lo

        def kb_of(idx):
            base = kb_lo + idx
            return base + (base >= qb).astype(jnp.int32)

        def start_fetch(idx):
            slot = jax.lax.rem(idx, NBUF)
            pltpu.make_async_copy(
                x_any.at[pl.ds(kb_of(idx) * BLK, BLK)],
                xkv_ref.at[slot], sems.at[slot]).start()

        @pl.when(trip > 0)
        def _p0():
            start_fetch(0)

        @pl.when(trip > 1)
        def _p1():
            start_fetch(1)

        ln1g = ln1g_ref[...]
        ln1b = ln1b_ref[...]
        wqkvT = wqkvT_ref[...]
        bqkv = bqkv_ref[...]
        inv_scale = jnp.float32(1.0) / jnp.float32(DH) ** 0.5

        xq = xq_ref[...]
        ln1q = _ln(xq, ln1g, ln1b)
        qkv = jnp.dot(ln1q, wqkvT, preferred_element_type=jnp.float32) + bqkv
        q = qkv[:, :D] * inv_scale
        k_own = qkv[:, D:2 * D]
        v_own = qkv[:, 2 * D:]

        kq = keys_ref[qb].astype(jnp.float32)
        kq_col = _transpose_col(kq)

        mask_own = kq_col == kq
        carry = []
        for h in range(NH):
            qh = q[:, h * DH:(h + 1) * DH]
            kh = k_own[:, h * DH:(h + 1) * DH]
            vh = v_own[:, h * DH:(h + 1) * DH]
            logits = jax.lax.dot_general(qh, kh, (((1,), (1,)), ((), ())),
                                         preferred_element_type=jnp.float32)
            logits = jnp.where(mask_own, logits, NEG)
            m0 = jnp.max(logits, axis=1, keepdims=True)
            p = jnp.exp(logits - m0)
            l0 = jnp.sum(p, axis=1, keepdims=True)
            a0 = jnp.dot(p, vh, preferred_element_type=jnp.float32)
            carry += [m0, l0, a0]

        def body(idx, carry):
            slot = jax.lax.rem(idx, NBUF)
            kb = kb_of(idx)

            @pl.when(idx + 2 < trip)
            def _pf():
                start_fetch(idx + 2)

            pltpu.make_async_copy(
                x_any.at[pl.ds(kb * BLK, BLK)],
                xkv_ref.at[slot], sems.at[slot]).wait()
            xk = xkv_ref[slot]
            lnk = _ln(xk, ln1g, ln1b)
            kv = jnp.dot(lnk, wqkvT[:, D:],
                         preferred_element_type=jnp.float32) + bqkv[:, D:]
            k = kv[:, :D]
            v = kv[:, D:]
            kk = keys_ref[kb].astype(jnp.float32)
            mask = kq_col == kk
            new = []
            for h in range(NH):
                m_h, l_h, a_h = carry[3 * h], carry[3 * h + 1], carry[3 * h + 2]
                qh = q[:, h * DH:(h + 1) * DH]
                kh = k[:, h * DH:(h + 1) * DH]
                vh = v[:, h * DH:(h + 1) * DH]
                logits = jax.lax.dot_general(qh, kh, (((1,), (1,)), ((), ())),
                                             preferred_element_type=jnp.float32)
                logits = jnp.where(mask, logits, NEG)
                m_new = jnp.maximum(m_h, jnp.max(logits, axis=1, keepdims=True))
                alpha = jnp.exp(m_h - m_new)
                p = jnp.exp(logits - m_new)
                l_new = l_h * alpha + jnp.sum(p, axis=1, keepdims=True)
                a_new = a_h * alpha + jnp.dot(p, vh,
                                              preferred_element_type=jnp.float32)
                new += [m_new, l_new, a_new]
            return tuple(new)

        carry = jax.lax.fori_loop(0, trip, body, tuple(carry))

        attn = jnp.concatenate(
            [carry[3 * h + 2] / carry[3 * h + 1] for h in range(NH)], axis=1)
        proj = jnp.dot(attn, woT_ref[...],
                       preferred_element_type=jnp.float32) + bo_ref[...]
        x1 = xq + proj
        h2 = _ln(x1, ln2g_ref[...], ln2b_ref[...])
        ff = jnp.maximum(jnp.dot(h2, w1T_ref[...],
                                 preferred_element_type=jnp.float32)
                         + b1_ref[...], 0.0)
        ff = jnp.dot(ff, w2T_ref[...],
                     preferred_element_type=jnp.float32) + b2_ref[...]
        x2 = x1 + ff
        y = _ln(x2, lnfg_ref[...], lnfb_ref[...])
        rows = bstart + jax.lax.broadcasted_iota(jnp.int32, (BLK, 1), 0)
        y_ref[...] = jnp.where(rows < nv, y, 0.0)


def _run_transformer(xs, keys3, nv, kb_lo, kb_hi, wqkvT, bqkv, woT, bo,
                     ln1g, ln1b, ln2g, ln2b, w1T, b1, w2T, b2, lnfg, lnfb):
    smem = pl.BlockSpec(memory_space=pltpu.MemorySpace.SMEM)
    hbm = pl.BlockSpec(memory_space=pltpu.MemorySpace.HBM)

    def full(shape):
        nd = len(shape)
        return pl.BlockSpec(shape, lambda i, _n=nd: (0,) * _n)

    return pl.pallas_call(
        _tx_kernel,
        grid=(NB,),
        in_specs=[
            smem, smem, smem, hbm,
            pl.BlockSpec((BLK, D), lambda i: (i, 0)),
            full((NB, 1, BLK)),
            full((D, 3 * D)), full((1, 3 * D)), full((D, D)), full((1, D)),
            full((1, D)), full((1, D)), full((1, D)), full((1, D)),
            full((D, DFF)), full((1, DFF)), full((DFF, D)), full((1, D)),
            full((1, D)), full((1, D)),
        ],
        out_specs=pl.BlockSpec((BLK, D), lambda i: (i, 0)),
        out_shape=jax.ShapeDtypeStruct((L, D), jnp.float32),
        scratch_shapes=[pltpu.VMEM((NBUF, BLK, D), jnp.float32),
                        pltpu.SemaphoreType.DMA((NBUF,))],
    )(nv, kb_lo, kb_hi, xs, xs, keys3, wqkvT, bqkv, woT, bo,
      ln1g, ln1b, ln2g, ln2b, w1T, b1, w2T, b2, lnfg, lnfb)


def kernel(rel_tokens_all, pe, Wqkv, bqkv, Wo, bo, ln1_g, ln1_b, ln2_g, ln2_b,
           W1, b1, W2, b2, lnf_g, lnf_b, pair_valid, padded_pidx, padded_oidx):
    keys = (padded_pidx.astype(jnp.int32) * 16
            + padded_oidx.astype(jnp.int32)).reshape(-1)
    valid = pair_valid.reshape(-1)
    keys = jnp.where(valid, keys, NKEY)

    pos3, ks3, offs2 = _count_sort(keys.reshape(NB, 1, BLK))
    pos = pos3.reshape(L)
    offsets = offs2.reshape(256)
    n_valid = offsets[NKEY:NKEY + 1]

    x = (rel_tokens_all + pe[:T][:, None, :]).reshape(L, D)
    sc_scatter_rows, _ = _sc_kernels()
    xs = sc_scatter_rows(x, pos)
    ks2 = ks3.reshape(NB, BLK)
    kfirst = ks2[:, 0]
    klast = ks2[:, -1]
    bstart = jnp.arange(NB, dtype=jnp.int32) * BLK
    lo = jnp.where(kfirst < NKEY, offsets[kfirst], bstart)
    hi = jnp.where(klast < NKEY, offsets[klast + 1], bstart + BLK)
    kb_lo = lo // BLK
    kb_hi = (hi - 1) // BLK

    keys3 = ks3

    y = _run_transformer(
        xs, keys3, n_valid, kb_lo, kb_hi,
        Wqkv.T, bqkv.reshape(1, -1), Wo.T, bo.reshape(1, -1),
        ln1_g.reshape(1, -1), ln1_b.reshape(1, -1),
        ln2_g.reshape(1, -1), ln2_b.reshape(1, -1),
        W1.T, b1.reshape(1, -1), W2.T, b2.reshape(1, -1),
        lnf_g.reshape(1, -1), lnf_b.reshape(1, -1))

    return _sc_kernels()[1](y, pos).reshape(T, K_MAX, D)

# --- scband reference (transcript-rebuilt; emitter-appended) ---
"""Pipeline reference for scband-temporal-edge-attention-39616778338539 (READ-ONLY COPY).

The authoritative reference and input builder live on the scoring server;
editing this copy changes nothing except your own understanding.
"""

import jax, jax.numpy as jnp
import numpy as np

T, K_MAX, D_REL, N_HEADS, MAX_TIME, D_FF = 256, 128, 128, 4, 300, 256
EPS = 1e-5
OIDX_BOUND = 16
ATTN_BLOCK = 256

def _build_indices(pair_valid, padded_pidx, padded_oidx):
    Tn, Kn = pair_valid.shape
    key_ids = (padded_pidx.astype(jnp.int32) * OIDX_BOUND + padded_oidx.astype(jnp.int32)).reshape(-1)
    valid_flat = pair_valid.reshape(-1)
    frame_ids = jnp.repeat(jnp.arange(Tn, dtype=jnp.int32), Kn)
    return valid_flat, key_ids, frame_ids

def _layer_norm(x, g, b):
    mu = jnp.mean(x, axis=-1, keepdims=True)
    var = jnp.mean((x - mu) ** 2, axis=-1, keepdims=True)
    return (x - mu) / jnp.sqrt(var + EPS) * g + b

def _mha(x, key_ids, valid, Wqkv, bqkv, Wo, bo):
    L, d = x.shape
    dh = d // N_HEADS
    qkv = x @ Wqkv.T + bqkv
    q, k, v = jnp.split(qkv, 3, axis=-1)
    q = q.reshape(L, N_HEADS, dh).transpose(1, 0, 2)
    k = k.reshape(L, N_HEADS, dh).transpose(1, 0, 2)
    v = v.reshape(L, N_HEADS, dh).transpose(1, 0, 2)
    scale = jnp.sqrt(jnp.asarray(dh, dtype=x.dtype))
    nb = L // ATTN_BLOCK
    qb = q.reshape(N_HEADS, nb, ATTN_BLOCK, dh).transpose(1, 0, 2, 3)
    kb_ids = key_ids.reshape(nb, ATTN_BLOCK)
    def block(args):
        qblk, kid = args
        logits = (qblk @ jnp.swapaxes(k, -1, -2)) / scale
        mask = (~valid)[None, :] | (key_ids[None, :] != kid[:, None])
        logits = jnp.where(mask[None, :, :], -1e9, logits)
        attn = jax.nn.softmax(logits, axis=-1)
        return attn @ v
    ob = jax.lax.map(block, (qb, kb_ids))
    out = ob.transpose(1, 0, 2, 3).reshape(N_HEADS, L, dh).transpose(1, 0, 2).reshape(L, d)
    return out @ Wo.T + bo

def _forward(rel_tokens_all, pe, Wqkv, bqkv, Wo, bo, ln1_g, ln1_b, ln2_g, ln2_b, W1, b1, W2, b2, lnf_g, lnf_b, valid_flat, key_ids, frame_ids):
    Tn, Kn, d = rel_tokens_all.shape
    flat_tokens = rel_tokens_all.reshape(-1, d)
    x = flat_tokens + pe[frame_ids]
    x = x + _mha(_layer_norm(x, ln1_g, ln1_b), key_ids, valid_flat, Wqkv, bqkv, Wo, bo)
    h = _layer_norm(x, ln2_g, ln2_b)
    x = x + (jax.nn.relu(h @ W1.T + b1) @ W2.T + b2)
    x = _layer_norm(x, lnf_g, lnf_b)
    enriched_flat = jnp.where(valid_flat[:, None], x, jnp.zeros_like(x))
    return enriched_flat.reshape(Tn, Kn, d)

def setup_inputs(seed: int = 0):
    key = jax.random.key(seed)
    ks = jax.random.split(key, 10)
    rel = jax.random.normal(ks[0], (T, K_MAX, D_REL), dtype=jnp.float32)
    pair_valid = jax.random.randint(ks[1], (T, K_MAX), 0, 2).astype(bool)
    pidx = jax.random.randint(ks[2], (T, K_MAX), 0, 8)
    oidx = jax.random.randint(ks[3], (T, K_MAX), 0, 16)
    def p(k, shape):
        return (0.02 * jax.random.normal(k, shape)).astype(jnp.float32)
    return {
        'rel_tokens_all': rel,
        'pe': p(ks[4], (MAX_TIME, D_REL)),
        'Wqkv': p(ks[5], (3 * D_REL, D_REL)),
        'bqkv': jnp.zeros((3 * D_REL,), jnp.float32),
        'Wo': p(ks[6], (D_REL, D_REL)),
        'bo': jnp.zeros((D_REL,), jnp.float32),
        'ln1_g': jnp.ones((D_REL,), jnp.float32),
        'ln1_b': jnp.zeros((D_REL,), jnp.float32),
        'ln2_g': jnp.ones((D_REL,), jnp.float32),
        'ln2_b': jnp.zeros((D_REL,), jnp.float32),
        'W1': p(ks[7], (D_FF, D_REL)),
        'b1': jnp.zeros((D_FF,), jnp.float32),
        'W2': p(ks[8], (D_REL, D_FF)),
        'b2': jnp.zeros((D_REL,), jnp.float32),
        'lnf_g': jnp.ones((D_REL,), jnp.float32),
        'lnf_b': jnp.zeros((D_REL,), jnp.float32),
        'pair_valid': pair_valid,
        'padded_pidx': pidx,
        'padded_oidx': oidx,
    }

def reference(rel_tokens_all, pe, Wqkv, bqkv, Wo, bo, ln1_g, ln1_b, ln2_g, ln2_b, W1, b1, W2, b2, lnf_g, lnf_b, pair_valid, padded_pidx, padded_oidx):
    valid_flat, key_ids, frame_ids = _build_indices(pair_valid, padded_pidx, padded_oidx)
    return _forward(rel_tokens_all, pe, Wqkv, bqkv, Wo, bo, ln1_g, ln1_b, ln2_g, ln2_b, W1, b1, W2, b2, lnf_g, lnf_b, valid_flat, key_ids, frame_ids)

if __name__ == "__main__":
    import jax
    _d = setup_inputs()
    print(jax.jit(kernel)(*tuple(_d.values())))

</pallas_src>

<mosaic_0001>
#map = affine_map<(d0, d1) -> (0, 0)>
#map1 = affine_map<(d0, d1) -> (0)>
module attributes {stable_mosaic.version = 14 : i64} {
  func.func @sc_scatter_rows(%arg0: i32, %arg1: i32, %arg2: memref<32768x128xf32, #tpu.memory_space<hbm>>, %arg3: memref<32768xi32, #tpu.memory_space<hbm>>, %arg4: memref<32768x128xf32, #tpu.memory_space<hbm>>, %arg5: memref<128x128xf32, #tpu.memory_space<vmem>>, %arg6: memref<128x128xf32, #tpu.memory_space<vmem>>, %arg7: memref<128xi32, #tpu.memory_space<vmem>>, %arg8: memref<128xi32, #tpu.memory_space<vmem>>, %arg9: memref<!tpu.dma_semaphore, #tpu.memory_space<semaphore_mem>>, %arg10: memref<!tpu.dma_semaphore, #tpu.memory_space<semaphore_mem>>, %arg11: memref<!tpu.dma_semaphore, #tpu.memory_space<semaphore_mem>>, %arg12: memref<!tpu.dma_semaphore, #tpu.memory_space<semaphore_mem>>) attributes {dimension_semantics = [#tpu.dimension_semantics<core_parallel>, #tpu.dimension_semantics<subcore_parallel>], iteration_bounds = array<i64: 2, 16>, scalar_prefetch = 0 : i64, scratch_operands = 8 : i64, tpu.core_type = #tpu.core_type<sc_vector_subcore>, window_params = [{transform_indices = #map}, {transform_indices = #map1}, {transform_indices = #map}]} {
    %mul3A = arith.constant 2 : i32
    %mul3A_0 = arith.muli %arg1, %mul3A : i32
    %add3A = arith.addi %mul3A_0, %arg0 : i32
    %mul3A_1 = arith.constant 1024 : i32
    %mul3A_2 = arith.muli %add3A, %mul3A_1 : i32
    %add3A_3 = arith.constant 0 : i32
    %add3A_4 = arith.addi %mul3A_2, %add3A_3 : i32
    %dma_start3A = tpu.memref_slice %arg3[%add3A_4] : memref<32768xi32, #tpu.memory_space<hbm>> -> memref<128xi32, #tpu.memory_space<hbm>>
    %dma_start3A_5 = tpu.memref_slice %arg3[%add3A_4] : memref<32768xi32, #tpu.memory_space<hbm>> -> memref<128xi32, #tpu.memory_space<hbm>>
    tpu.enqueue_dma source(%dma_start3A_5 : memref<128xi32, #tpu.memory_space<hbm>>) target(%arg7 : memref<128xi32, #tpu.memory_space<vmem>>) target_semaphore(%arg11 : memref<!tpu.dma_semaphore, #tpu.memory_space<semaphore_mem>>)
    %dma_start3A_6 = arith.constant 0 : i32
    %dma_start3A_7 = tpu.memref_slice %arg2[%add3A_4, %dma_start3A_6] : memref<32768x128xf32, #tpu.memory_space<hbm>> -> memref<128x128xf32, #tpu.memory_space<hbm>>
    %dma_start3A_8 = arith.constant 0 : i32
    %dma_start3A_9 = tpu.memref_slice %arg2[%add3A_4, %dma_start3A_8] : memref<32768x128xf32, #tpu.memory_space<hbm>> -> memref<128x128xf32, #tpu.memory_space<hbm>>
    tpu.enqueue_dma source(%dma_start3A_9 : memref<128x128xf32, #tpu.memory_space<hbm>>) target(%arg5 : memref<128x128xf32, #tpu.memory_space<vmem>>) target_semaphore(%arg9 : memref<!tpu.dma_semaphore, #tpu.memory_space<semaphore_mem>>)
    %add3A_10 = arith.constant 128 : i32
    %add3A_11 = arith.addi %mul3A_2, %add3A_10 : i32
    %dma_start3A_12 = tpu.memref_slice %arg3[%add3A_11] : memref<32768xi32, #tpu.memory_space<hbm>> -> memref<128xi32, #tpu.memory_space<hbm>>
    %dma_start3A_13 = tpu.memref_slice %arg3[%add3A_11] : memref<32768xi32, #tpu.memory_space<hbm>> -> memref<128xi32, #tpu.memory_space<hbm>>
    tpu.enqueue_dma source(%dma_start3A_13 : memref<128xi32, #tpu.memory_space<hbm>>) target(%arg8 : memref<128xi32, #tpu.memory_space<vmem>>) target_semaphore(%arg12 : memref<!tpu.dma_semaphore, #tpu.memory_space<semaphore_mem>>)
    %dma_start3A_14 = arith.constant 0 : i32
    %dma_start3A_15 = tpu.memref_slice %arg2[%add3A_11, %dma_start3A_14] : memref<32768x128xf32, #tpu.memory_space<hbm>> -> memref<128x128xf32, #tpu.memory_space<hbm>>
    %dma_start3A_16 = arith.constant 0 : i32
    %dma_start3A_17 = tpu.memref_slice %arg2[%add3A_11, %dma_start3A_16] : memref<32768x128xf32, #tpu.memory_space<hbm>> -> memref<128x128xf32, #tpu.memory_space<hbm>>
    tpu.enqueue_dma source(%dma_start3A_17 : memref<128x128xf32, #tpu.memory_space<hbm>>) target(%arg6 : memref<128x128xf32, #tpu.memory_space<vmem>>) target_semaphore(%arg10 : memref<!tpu.dma_semaphore, #tpu.memory_space<semaphore_mem>>)
    %add3A_18 = arith.constant 0 : i32
    %add3A_19 = arith.addi %mul3A_2, %add3A_18 : i32
    %dma_wait3A = tpu.memref_slice %arg3[%add3A_19] : memref<32768xi32, #tpu.memory_space<hbm>> -> memref<128xi32, #tpu.memory_space<hbm>>
    %dma_wait3A_20 = tpu.memref_slice %arg3[%add3A_19] : memref<32768xi32, #tpu.memory_space<hbm>> -> memref<128xi32, #tpu.memory_space<hbm>>
    tpu.wait_dma2 semaphore(%arg11 : memref<!tpu.dma_semaphore, #tpu.memory_space<semaphore_mem>>) src(%dma_wait3A_20 : memref<128xi32, #tpu.memory_space<hbm>>) dst(%arg7 : memref<128xi32, #tpu.memory_space<vmem>>)
    %dma_wait3A_21 = arith.constant 0 : i32
    %dma_wait3A_22 = tpu.memref_slice %arg2[%add3A_19, %dma_wait3A_21] : memref<32768x128xf32, #tpu.memory_space<hbm>> -> memref<128x128xf32, #tpu.memory_space<hbm>>
    %dma_wait3A_23 = arith.constant 0 : i32
    %dma_wait3A_24 = tpu.memref_slice %arg2[%add3A_19, %dma_wait3A_23] : memref<32768x128xf32, #tpu.memory_space<hbm>> -> memref<128x128xf32, #tpu.memory_space<hbm>>
    tpu.wait_dma2 semaphore(%arg9 : memref<!tpu.dma_semaphore, #tpu.memory_space<semaphore_mem>>) src(%dma_wait3A_24 : memref<128x128xf32, #tpu.memory_space<hbm>>) dst(%arg5 : memref<128x128xf32, #tpu.memory_space<vmem>>)
    %dma_start3A_25 = arith.constant 0 : i32
    %dma_start3A_26 = arith.constant 0 : i32
    %dma_start3A_27 = tpu.memref_slice %arg4[%dma_start3A_25, %dma_start3A_26] : memref<32768x128xf32, #tpu.memory_space<hbm>> -> memref<32768x128xf32, #tpu.memory_space<hbm>>
    tpu.enqueue_indirect_dma source(%arg5 : memref<128x128xf32, #tpu.memory_space<vmem>>) target(%dma_start3A_27 : memref<32768x128xf32, #tpu.memory_space<hbm>>) offsets(%arg7 : memref<128xi32, #tpu.memory_space<vmem>>) semaphore(%arg9 : memref<!tpu.dma_semaphore, #tpu.memory_space<semaphore_mem>>)
    %dma_wait3A_28 = arith.constant 0 : i32
    %dma_wait3A_29 = arith.constant 0 : i32
    %dma_wait3A_30 = tpu.memref_slice %arg4[%dma_wait3A_28, %dma_wait3A_29] : memref<32768x128xf32, #tpu.memory_space<hbm>> -> memref<32768x128xf32, #tpu.memory_space<hbm>>
    tpu.wait_indirect_dma semaphore(%arg9 : memref<!tpu.dma_semaphore, #tpu.memory_space<semaphore_mem>>) src(%arg5 : memref<128x128xf32, #tpu.memory_space<vmem>>) dst(%dma_wait3A_30 : memref<32768x128xf32, #tpu.memory_space<hbm>>)
    %add3A_31 = arith.constant 256 : i32
    %add3A_32 = arith.addi %mul3A_2, %add3A_31 : i32
    %dma_start3A_33 = tpu.memref_slice %arg3[%add3A_32] : memref<32768xi32, #tpu.memory_space<hbm>> -> memref<128xi32, #tpu.memory_space<hbm>>
    %dma_start3A_34 = tpu.memref_slice %arg3[%add3A_32] : memref<32768xi32, #tpu.memory_space<hbm>> -> memref<128xi32, #tpu.memory_space<hbm>>
    tpu.enqueue_dma source(%dma_start3A_34 : memref<128xi32, #tpu.memory_space<hbm>>) target(%arg7 : memref<128xi32, #tpu.memory_space<vmem>>) target_semaphore(%arg11 : memref<!tpu.dma_semaphore, #tpu.memory_space<semaphore_mem>>)
    %dma_start3A_35 = arith.constant 0 : i32
    %dma_start3A_36 = tpu.memref_slice %arg2[%add3A_32, %dma_start3A_35] : memref<32768x128xf32, #tpu.memory_space<hbm>> -> memref<128x128xf32, #tpu.memory_space<hbm>>
    %dma_start3A_37 = arith.constant 0 : i32
    %dma_start3A_38 = tpu.memref_slice %arg2[%add3A_32, %dma_start3A_37] : memref<32768x128xf32, #tpu.memory_space<hbm>> -> memref<128x128xf32, #tpu.memory_space<hbm>>
    tpu.enqueue_dma source(%dma_start3A_38 : memref<128x128xf32, #tpu.memory_space<hbm>>) target(%arg5 : memref<128x128xf32, #tpu.memory_space<vmem>>) target_semaphore(%arg9 : memref<!tpu.dma_semaphore, #tpu.memory_space<semaphore_mem>>)
    %add3A_39 = arith.constant 128 : i32
    %add3A_40 = arith.addi %mul3A_2, %add3A_39 : i32
    %dma_wait3A_41 = tpu.memref_slice %arg3[%add3A_40] : memref<32768xi32, #tpu.memory_space<hbm>> -> memref<128xi32, #tpu.memory_space<hbm>>
    %dma_wait3A_42 = tpu.memref_slice %arg3[%add3A_40] : memref<32768xi32, #tpu.memory_space<hbm>> -> memref<128xi32, #tpu.memory_space<hbm>>
    tpu.wait_dma2 semaphore(%arg12 : memref<!tpu.dma_semaphore, #tpu.memory_space<semaphore_mem>>) src(%dma_wait3A_42 : memref<128xi32, #tpu.memory_space<hbm>>) dst(%arg8 : memref<128xi32, #tpu.memory_space<vmem>>)
    %dma_wait3A_43 = arith.constant 0 : i32
    %dma_wait3A_44 = tpu.memref_slice %arg2[%add3A_40, %dma_wait3A_43] : memref<32768x128xf32, #tpu.memory_space<hbm>> -> memref<128x128xf32, #tpu.memory_space<hbm>>
    %dma_wait3A_45 = arith.constant 0 : i32
    %dma_wait3A_46 = tpu.memref_slice %arg2[%add3A_40, %dma_wait3A_45] : memref<32768x128xf32, #tpu.memory_space<hbm>> -> memref<128x128xf32, #tpu.memory_space<hbm>>
    tpu.wait_dma2 semaphore(%arg10 : memref<!tpu.dma_semaphore, #tpu.memory_space<semaphore_mem>>) src(%dma_wait3A_46 : memref<128x128xf32, #tpu.memory_space<hbm>>) dst(%arg6 : memref<128x128xf32, #tpu.memory_space<vmem>>)
    %dma_start3A_47 = arith.constant 0 : i32
    %dma_start3A_48 = arith.constant 0 : i32
    %dma_start3A_49 = tpu.memref_slice %arg4[%dma_start3A_47, %dma_start3A_48] : memref<32768x128xf32, #tpu.memory_space<hbm>> -> memref<32768x128xf32, #tpu.memory_space<hbm>>
    tpu.enqueue_indirect_dma source(%arg6 : memref<128x128xf32, #tpu.memory_space<vmem>>) target(%dma_start3A_49 : memref<32768x128xf32, #tpu.memory_space<hbm>>) offsets(%arg8 : memref<128xi32, #tpu.memory_space<vmem>>) semaphore(%arg10 : memref<!tpu.dma_semaphore, #tpu.memory_space<semaphore_mem>>)
    %dma_wait3A_50 = arith.constant 0 : i32
    %dma_wait3A_51 = arith.constant 0 : i32
    %dma_wait3A_52 = tpu.memref_slice %arg4[%dma_wait3A_50, %dma_wait3A_51] : memref<32768x128xf32, #tpu.memory_space<hbm>> -> memref<32768x128xf32, #tpu.memory_space<hbm>>
    tpu.wait_indirect_dma semaphore(%arg10 : memref<!tpu.dma_semaphore, #tpu.memory_space<semaphore_mem>>) src(%arg6 : memref<128x128xf32, #tpu.memory_space<vmem>>) dst(%dma_wait3A_52 : memref<32768x128xf32, #tpu.memory_space<hbm>>)
    %add3A_53 = arith.constant 384 : i32
    %add3A_54 = arith.addi %mul3A_2, %add3A_53 : i32
    %dma_start3A_55 = tpu.memref_slice %arg3[%add3A_54] : memref<32768xi32, #tpu.memory_space<hbm>> -> memref<128xi32, #tpu.memory_space<hbm>>
    %dma_start3A_56 = tpu.memref_slice %arg3[%add3A_54] : memref<32768xi32, #tpu.memory_space<hbm>> -> memref<128xi32, #tpu.memory_space<hbm>>
    tpu.enqueue_dma source(%dma_start3A_56 : memref<128xi32, #tpu.memory_space<hbm>>) target(%arg8 : memref<128xi32, #tpu.memory_space<vmem>>) target_semaphore(%arg12 : memref<!tpu.dma_semaphore, #tpu.memory_space<semaphore_mem>>)
    %dma_start3A_57 = arith.constant 0 : i32
    %dma_start3A_58 = tpu.memref_slice %arg2[%add3A_54, %dma_start3A_57] : memref<32768x128xf32, #tpu.memory_space<hbm>> -> memref<128x128xf32, #tpu.memory_space<hbm>>
    %dma_start3A_59 = arith.constant 0 : i32
    %dma_start3A_60 = tpu.memref_slice %arg2[%add3A_54, %dma_start3A_59] : memref<32768x128xf32, #tpu.memory_space<hbm>> -> memref<128x128xf32, #tpu.memory_space<hbm>>
    tpu.enqueue_dma source(%dma_start3A_60 : memref<128x128xf32, #tpu.memory_space<hbm>>) target(%arg6 : memref<128x128xf32, #tpu.memory_space<vmem>>) target_semaphore(%arg10 : memref<!tpu.dma_semaphore, #tpu.memory_space<semaphore_mem>>)
    %add3A_61 = arith.constant 256 : i32
    %add3A_62 = arith.addi %mul3A_2, %add3A_61 : i32
    %dma_wait3A_63 = tpu.memref_slice %arg3[%add3A_62] : memref<32768xi32, #tpu.memory_space<hbm>> -> memref<128xi32, #tpu.memory_space<hbm>>
    %dma_wait3A_64 = tpu.memref_slice %arg3[%add3A_62] : memref<32768xi32, #tpu.memory_space<hbm>> -> memref<128xi32, #tpu.memory_space<hbm>>
    tpu.wait_dma2 semaphore(%arg11 : memref<!tpu.dma_semaphore, #tpu.memory_space<semaphore_mem>>) src(%dma_wait3A_64 : memref<128xi32, #tpu.memory_space<hbm>>) dst(%arg7 : memref<128xi32, #tpu.memory_space<vmem>>)
    %dma_wait3A_65 = arith.constant 0 : i32
    %dma_wait3A_66 = tpu.memref_slice %arg2[%add3A_62, %dma_wait3A_65] : memref<32768x128xf32, #tpu.memory_space<hbm>> -> memref<128x128xf32, #tpu.memory_space<hbm>>
    %dma_wait3A_67 = arith.constant 0 : i32
    %dma_wait3A_68 = tpu.memref_slice %arg2[%add3A_62, %dma_wait3A_67] : memref<32768x128xf32, #tpu.memory_space<hbm>> -> memref<128x128xf32, #tpu.memory_space<hbm>>
    tpu.wait_dma2 semaphore(%arg9 : memref<!tpu.dma_semaphore, #tpu.memory_space<semaphore_mem>>) src(%dma_wait3A_68 : memref<128x128xf32, #tpu.memory_space<hbm>>) dst(%arg5 : memref<128x128xf32, #tpu.memory_space<vmem>>)
    %dma_start3A_69 = arith.constant 0 : i32
    %dma_start3A_70 = arith.constant 0 : i32
    %dma_start3A_71 = tpu.memref_slice %arg4[%dma_start3A_69, %dma_start3A_70] : memref<32768x128xf32, #tpu.memory_space<hbm>> -> memref<32768x128xf32, #tpu.memory_space<hbm>>
    tpu.enqueue_indirect_dma source(%arg5 : memref<128x128xf32, #tpu.memory_space<vmem>>) target(%dma_start3A_71 : memref<32768x128xf32, #tpu.memory_space<hbm>>) offsets(%arg7 : memref<128xi32, #tpu.memory_space<vmem>>) semaphore(%arg9 : memref<!tpu.dma_semaphore, #tpu.memory_space<semaphore_mem>>)
    %dma_wait3A_72 = arith.constant 0 : i32
    %dma_wait3A_73 = arith.constant 0 : i32
    %dma_wait3A_74 = tpu.memref_slice %arg4[%dma_wait3A_72, %dma_wait3A_73] : memref<32768x128xf32, #tpu.memory_space<hbm>> -> memref<32768x128xf32, #tpu.memory_space<hbm>>
    tpu.wait_indirect_dma semaphore(%arg9 : memref<!tpu.dma_semaphore, #tpu.memory_space<semaphore_mem>>) src(%arg5 : memref<128x128xf32, #tpu.memory_space<vmem>>) dst(%dma_wait3A_74 : memref<32768x128xf32, #tpu.memory_space<hbm>>)
    %add3A_75 = arith.constant 512 : i32
    %add3A_76 = arith.addi %mul3A_2, %add3A_75 : i32
    %dma_start3A_77 = tpu.memref_slice %arg3[%add3A_76] : memref<32768xi32, #tpu.memory_space<hbm>> -> memref<128xi32, #tpu.memory_space<hbm>>
    %dma_start3A_78 = tpu.memref_slice %arg3[%add3A_76] : memref<32768xi32, #tpu.memory_space<hbm>> -> memref<128xi32, #tpu.memory_space<hbm>>
    tpu.enqueue_dma source(%dma_start3A_78 : memref<128xi32, #tpu.memory_space<hbm>>) target(%arg7 : memref<128xi32, #tpu.memory_space<vmem>>) target_semaphore(%arg11 : memref<!tpu.dma_semaphore, #tpu.memory_space<semaphore_mem>>)
    %dma_start3A_79 = arith.constant 0 : i32
    %dma_start3A_80 = tpu.memref_slice %arg2[%add3A_76, %dma_start3A_79] : memref<32768x128xf32, #tpu.memory_space<hbm>> -> memref<128x128xf32, #tpu.memory_space<hbm>>
    %dma_start3A_81 = arith.constant 0 : i32
    %dma_start3A_82 = tpu.memref_slice %arg2[%add3A_76, %dma_start3A_81] : memref<32768x128xf32, #tpu.memory_space<hbm>> -> memref<128x128xf32, #tpu.memory_space<hbm>>
    tpu.enqueue_dma source(%dma_start3A_82 : memref<128x128xf32, #tpu.memory_space<hbm>>) target(%arg5 : memref<128x128xf32, #tpu.memory_space<vmem>>) target_semaphore(%arg9 : memref<!tpu.dma_semaphore, #tpu.memory_space<semaphore_mem>>)
    %add3A_83 = arith.constant 384 : i32
    %add3A_84 = arith.addi %mul3A_2, %add3A_83 : i32
    %dma_wait3A_85 = tpu.memref_slice %arg3[%add3A_84] : memref<32768xi32, #tpu.memory_space<hbm>> -> memref<128xi32, #tpu.memory_space<hbm>>
    %dma_wait3A_86 = tpu.memref_slice %arg3[%add3A_84] : memref<32768xi32, #tpu.memory_space<hbm>> -> memref<128xi32, #tpu.memory_space<hbm>>
    tpu.wait_dma2 semaphore(%arg12 : memref<!tpu.dma_semaphore, #tpu.memory_space<semaphore_mem>>) src(%dma_wait3A_86 : memref<128xi32, #tpu.memory_space<hbm>>) dst(%arg8 : memref<128xi32, #tpu.memory_space<vmem>>)
    %dma_wait3A_87 = arith.constant 0 : i32
    %dma_wait3A_88 = tpu.memref_slice %arg2[%add3A_84, %dma_wait3A_87] : memref<32768x128xf32, #tpu.memory_space<hbm>> -> memref<128x128xf32, #tpu.memory_space<hbm>>
    %dma_wait3A_89 = arith.constant 0 : i32
    %dma_wait3A_90 = tpu.memref_slice %arg2[%add3A_84, %dma_wait3A_89] : memref<32768x128xf32, #tpu.memory_space<hbm>> -> memref<128x128xf32, #tpu.memory_space<hbm>>
    tpu.wait_dma2 semaphore(%arg10 : memref<!tpu.dma_semaphore, #tpu.memory_space<semaphore_mem>>) src(%dma_wait3A_90 : memref<128x128xf32, #tpu.memory_space<hbm>>) dst(%arg6 : memref<128x128xf32, #tpu.memory_space<vmem>>)
    %dma_start3A_91 = arith.constant 0 : i32
    %dma_start3A_92 = arith.constant 0 : i32
    %dma_start3A_93 = tpu.memref_slice %arg4[%dma_start3A_91, %dma_start3A_92] : memref<32768x128xf32, #tpu.memory_space<hbm>> -> memref<32768x128xf32, #tpu.memory_space<hbm>>
    tpu.enqueue_indirect_dma source(%arg6 : memref<128x128xf32, #tpu.memory_space<vmem>>) target(%dma_start3A_93 : memref<32768x128xf32, #tpu.memory_space<hbm>>) offsets(%arg8 : memref<128xi32, #tpu.memory_space<vmem>>) semaphore(%arg10 : memref<!tpu.dma_semaphore, #tpu.memory_space<semaphore_mem>>)
    %dma_wait3A_94 = arith.constant 0 : i32
    %dma_wait3A_95 = arith.constant 0 : i32
    %dma_wait3A_96 = tpu.memref_slice %arg4[%dma_wait3A_94, %dma_wait3A_95] : memref<32768x128xf32, #tpu.memory_space<hbm>> -> memref<32768x128xf32, #tpu.memory_space<hbm>>
    tpu.wait_indirect_dma semaphore(%arg10 : memref<!tpu.dma_semaphore, #tpu.memory_space<semaphore_mem>>) src(%arg6 : memref<128x128xf32, #tpu.memory_space<vmem>>) dst(%dma_wait3A_96 : memref<32768x128xf32, #tpu.memory_space<hbm>>)
    %add3A_97 = arith.constant 640 : i32
    %add3A_98 = arith.addi %mul3A_2, %add3A_97 : i32
    %dma_start3A_99 = tpu.memref_slice %arg3[%add3A_98] : memref<32768xi32, #tpu.memory_space<hbm>> -> memref<128xi32, #tpu.memory_space<hbm>>
    %dma_start3A_100 = tpu.memref_slice %arg3[%add3A_98] : memref<32768xi32, #tpu.memory_space<hbm>> -> memref<128xi32, #tpu.memory_space<hbm>>
    tpu.enqueue_dma source(%dma_start3A_100 : memref<128xi32, #tpu.memory_space<hbm>>) target(%arg8 : memref<128xi32, #tpu.memory_space<vmem>>) target_semaphore(%arg12 : memref<!tpu.dma_semaphore, #tpu.memory_space<semaphore_mem>>)
    %dma_start3A_101 = arith.constant 0 : i32
    %dma_start3A_102 = tpu.memref_slice %arg2[%add3A_98, %dma_start3A_101] : memref<32768x128xf32, #tpu.memory_space<hbm>> -> memref<128x128xf32, #tpu.memory_space<hbm>>
    %dma_start3A_103 = arith.constant 0 : i32
    %dma_start3A_104 = tpu.memref_slice %arg2[%add3A_98, %dma_start3A_103] : memref<32768x128xf32, #tpu.memory_space<hbm>> -> memref<128x128xf32, #tpu.memory_space<hbm>>
    tpu.enqueue_dma source(%dma_start3A_104 : memref<128x128xf32, #tpu.memory_space<hbm>>) target(%arg6 : memref<128x128xf32, #tpu.memory_space<vmem>>) target_semaphore(%arg10 : memref<!tpu.dma_semaphore, #tpu.memory_space<semaphore_mem>>)
    %add3A_105 = arith.constant 512 : i32
    %add3A_106 = arith.addi %mul3A_2, %add3A_105 : i32
    %dma_wait3A_107 = tpu.memref_slice %arg3[%add3A_106] : memref<32768xi32, #tpu.memory_space<hbm>> -> memref<128xi32, #tpu.memory_space<hbm>>
    %dma_wait3A_108 = tpu.memref_slice %arg3[%add3A_106] : memref<32768xi32, #tpu.memory_space<hbm>> -> memref<128xi32, #tpu.memory_space<hbm>>
    tpu.wait_dma2 semaphore(%arg11 : memref<!tpu.dma_semaphore, #tpu.memory_space<semaphore_mem>>) src(%dma_wait3A_108 : memref<128xi32, #tpu.memory_space<hbm>>) dst(%arg7 : memref<128xi32, #tpu.memory_space<vmem>>)
    %dma_wait3A_109 = arith.constant 0 : i32
    %dma_wait3A_110 = tpu.memref_slice %arg2[%add3A_106, %dma_wait3A_109] : memref<32768x128xf32, #tpu.memory_space<hbm>> -> memref<128x128xf32, #tpu.memory_space<hbm>>
    %dma_wait3A_111 = arith.constant 0 : i32
    %dma_wait3A_112 = tpu.memref_slice %arg2[%add3A_106, %dma_wait3A_111] : memref<32768x128xf32, #tpu.memory_space<hbm>> -> memref<128x128xf32, #tpu.memory_space<hbm>>
    tpu.wait_dma2 semaphore(%arg9 : memref<!tpu.dma_semaphore, #tpu.memory_space<semaphore_mem>>) src(%dma_wait3A_112 : memref<128x128xf32, #tpu.memory_space<hbm>>) dst(%arg5 : memref<128x128xf32, #tpu.memory_space<vmem>>)
    %dma_start3A_113 = arith.constant 0 : i32
    %dma_start3A_114 = arith.constant 0 : i32
    %dma_start3A_115 = tpu.memref_slice %arg4[%dma_start3A_113, %dma_start3A_114] : memref<32768x128xf32, #tpu.memory_space<hbm>> -> memref<32768x128xf32, #tpu.memory_space<hbm>>
    tpu.enqueue_indirect_dma source(%arg5 : memref<128x128xf32, #tpu.memory_space<vmem>>) target(%dma_start3A_115 : memref<32768x128xf32, #tpu.memory_space<hbm>>) offsets(%arg7 : memref<128xi32, #tpu.memory_space<vmem>>) semaphore(%arg9 : memref<!tpu.dma_semaphore, #tpu.memory_space<semaphore_mem>>)
    %dma_wait3A_116 = arith.constant 0 : i32
    %dma_wait3A_117 = arith.constant 0 : i32
    %dma_wait3A_118 = tpu.memref_slice %arg4[%dma_wait3A_116, %dma_wait3A_117] : memref<32768x128xf32, #tpu.memory_space<hbm>> -> memref<32768x128xf32, #tpu.memory_space<hbm>>
    tpu.wait_indirect_dma semaphore(%arg9 : memref<!tpu.dma_semaphore, #tpu.memory_space<semaphore_mem>>) src(%arg5 : memref<128x128xf32, #tpu.memory_space<vmem>>) dst(%dma_wait3A_118 : memref<32768x128xf32, #tpu.memory_space<hbm>>)
    %add3A_119 = arith.constant 768 : i32
    %add3A_120 = arith.addi %mul3A_2, %add3A_119 : i32
    %dma_start3A_121 = tpu.memref_slice %arg3[%add3A_120] : memref<32768xi32, #tpu.memory_space<hbm>> -> memref<128xi32, #tpu.memory_space<hbm>>
    %dma_start3A_122 = tpu.memref_slice %arg3[%add3A_120] : memref<32768xi32, #tpu.memory_space<hbm>> -> memref<128xi32, #tpu.memory_space<hbm>>
    tpu.enqueue_dma source(%dma_start3A_122 : memref<128xi32, #tpu.memory_space<hbm>>) target(%arg7 : memref<128xi32, #tpu.memory_space<vmem>>) target_semaphore(%arg11 : memref<!tpu.dma_semaphore, #tpu.memory_space<semaphore_mem>>)
    %dma_start3A_123 = arith.constant 0 : i32
    %dma_start3A_124 = tpu.memref_slice %arg2[%add3A_120, %dma_start3A_123] : memref<32768x128xf32, #tpu.memory_space<hbm>> -> memref<128x128xf32, #tpu.memory_space<hbm>>
    %dma_start3A_125 = arith.constant 0 : i32
    %dma_start3A_126 = tpu.memref_slice %arg2[%add3A_120, %dma_start3A_125] : memref<32768x128xf32, #tpu.memory_space<hbm>> -> memref<128x128xf32, #tpu.memory_space<hbm>>
    tpu.enqueue_dma source(%dma_start3A_126 : memref<128x128xf32, #tpu.memory_space<hbm>>) target(%arg5 : memref<128x128xf32, #tpu.memory_space<vmem>>) target_semaphore(%arg9 : memref<!tpu.dma_semaphore, #tpu.memory_space<semaphore_mem>>)
    %add3A_127 = arith.constant 640 : i32
    %add3A_128 = arith.addi %mul3A_2, %add3A_127 : i32
    %dma_wait3A_129 = tpu.memref_slice %arg3[%add3A_128] : memref<32768xi32, #tpu.memory_space<hbm>> -> memref<128xi32, #tpu.memory_space<hbm>>
    %dma_wait3A_130 = tpu.memref_slice %arg3[%add3A_128] : memref<32768xi32, #tpu.memory_space<hbm>> -> memref<128xi32, #tpu.memory_space<hbm>>
    tpu.wait_dma2 semaphore(%arg12 : memref<!tpu.dma_semaphore, #tpu.memory_space<semaphore_mem>>) src(%dma_wait3A_130 : memref<128xi32, #tpu.memory_space<hbm>>) dst(%arg8 : memref<128xi32, #tpu.memory_space<vmem>>)
    %dma_wait3A_131 = arith.constant 0 : i32
    %dma_wait3A_132 = tpu.memref_slice %arg2[%add3A_128, %dma_wait3A_131] : memref<32768x128xf32, #tpu.memory_space<hbm>> -> memref<128x128xf32, #tpu.memory_space<hbm>>
    %dma_wait3A_133 = arith.constant 0 : i32
    %dma_wait3A_134 = tpu.memref_slice %arg2[%add3A_128, %dma_wait3A_133] : memref<32768x128xf32, #tpu.memory_space<hbm>> -> memref<128x128xf32, #tpu.memory_space<hbm>>
    tpu.wait_dma2 semaphore(%arg10 : memref<!tpu.dma_semaphore, #tpu.memory_space<semaphore_mem>>) src(%dma_wait3A_134 : memref<128x128xf32, #tpu.memory_space<hbm>>) dst(%arg6 : memref<128x128xf32, #tpu.memory_space<vmem>>)
    %dma_start3A_135 = arith.constant 0 : i32
    %dma_start3A_136 = arith.constant 0 : i32
    %dma_start3A_137 = tpu.memref_slice %arg4[%dma_start3A_135, %dma_start3A_136] : memref<32768x128xf32, #tpu.memory_space<hbm>> -> memref<32768x128xf32, #tpu.memory_space<hbm>>
    tpu.enqueue_indirect_dma source(%arg6 : memref<128x128xf32, #tpu.memory_space<vmem>>) target(%dma_start3A_137 : memref<32768x128xf32, #tpu.memory_space<hbm>>) offsets(%arg8 : memref<128xi32, #tpu.memory_space<vmem>>) semaphore(%arg10 : memref<!tpu.dma_semaphore, #tpu.memory_space<semaphore_mem>>)
    %dma_wait3A_138 = arith.constant 0 : i32
    %dma_wait3A_139 = arith.constant 0 : i32
    %dma_wait3A_140 = tpu.memref_slice %arg4[%dma_wait3A_138, %dma_wait3A_139] : memref<32768x128xf32, #tpu.memory_space<hbm>> -> memref<32768x128xf32, #tpu.memory_space<hbm>>
    tpu.wait_indirect_dma semaphore(%arg10 : memref<!tpu.dma_semaphore, #tpu.memory_space<semaphore_mem>>) src(%arg6 : memref<128x128xf32, #tpu.memory_space<vmem>>) dst(%dma_wait3A_140 : memref<32768x128xf32, #tpu.memory_space<hbm>>)
    %add3A_141 = arith.constant 896 : i32
    %add3A_142 = arith.addi %mul3A_2, %add3A_141 : i32
    %dma_start3A_143 = tpu.memref_slice %arg3[%add3A_142] : memref<32768xi32, #tpu.memory_space<hbm>> -> memref<128xi32, #tpu.memory_space<hbm>>
    %dma_start3A_144 = tpu.memref_slice %arg3[%add3A_142] : memref<32768xi32, #tpu.memory_space<hbm>> -> memref<128xi32, #tpu.memory_space<hbm>>
    tpu.enqueue_dma source(%dma_start3A_144 : memref<128xi32, #tpu.memory_space<hbm>>) target(%arg8 : memref<128xi32, #tpu.memory_space<vmem>>) target_semaphore(%arg12 : memref<!tpu.dma_semaphore, #tpu.memory_space<semaphore_mem>>)
    %dma_start3A_145 = arith.constant 0 : i32
    %dma_start3A_146 = tpu.memref_slice %arg2[%add3A_142, %dma_start3A_145] : memref<32768x128xf32, #tpu.memory_space<hbm>> -> memref<128x128xf32, #tpu.memory_space<hbm>>
    %dma_start3A_147 = arith.constant 0 : i32
    %dma_start3A_148 = tpu.memref_slice %arg2[%add3A_142, %dma_start3A_147] : memref<32768x128xf32, #tpu.memory_space<hbm>> -> memref<128x128xf32, #tpu.memory_space<hbm>>
    tpu.enqueue_dma source(%dma_start3A_148 : memref<128x128xf32, #tpu.memory_space<hbm>>) target(%arg6 : memref<128x128xf32, #tpu.memory_space<vmem>>) target_semaphore(%arg10 : memref<!tpu.dma_semaphore, #tpu.memory_space<semaphore_mem>>)
    %add3A_149 = arith.constant 768 : i32
    %add3A_150 = arith.addi %mul3A_2, %add3A_149 : i32
    %dma_wait3A_151 = tpu.memref_slice %arg3[%add3A_150] : memref<32768xi32, #tpu.memory_space<hbm>> -> memref<128xi32, #tpu.memory_space<hbm>>
    %dma_wait3A_152 = tpu.memref_slice %arg3[%add3A_150] : memref<32768xi32, #tpu.memory_space<hbm>> -> memref<128xi32, #tpu.memory_space<hbm>>
    tpu.wait_dma2 semaphore(%arg11 : memref<!tpu.dma_semaphore, #tpu.memory_space<semaphore_mem>>) src(%dma_wait3A_152 : memref<128xi32, #tpu.memory_space<hbm>>) dst(%arg7 : memref<128xi32, #tpu.memory_space<vmem>>)
    %dma_wait3A_153 = arith.constant 0 : i32
    %dma_wait3A_154 = tpu.memref_slice %arg2[%add3A_150, %dma_wait3A_153] : memref<32768x128xf32, #tpu.memory_space<hbm>> -> memref<128x128xf32, #tpu.memory_space<hbm>>
    %dma_wait3A_155 = arith.constant 0 : i32
    %dma_wait3A_156 = tpu.memref_slice %arg2[%add3A_150, %dma_wait3A_155] : memref<32768x128xf32, #tpu.memory_space<hbm>> -> memref<128x128xf32, #tpu.memory_space<hbm>>
    tpu.wait_dma2 semaphore(%arg9 : memref<!tpu.dma_semaphore, #tpu.memory_space<semaphore_mem>>) src(%dma_wait3A_156 : memref<128x128xf32, #tpu.memory_space<hbm>>) dst(%arg5 : memref<128x128xf32, #tpu.memory_space<vmem>>)
    %dma_start3A_157 = arith.constant 0 : i32
    %dma_start3A_158 = arith.constant 0 : i32
    %dma_start3A_159 = tpu.memref_slice %arg4[%dma_start3A_157, %dma_start3A_158] : memref<32768x128xf32, #tpu.memory_space<hbm>> -> memref<32768x128xf32, #tpu.memory_space<hbm>>
    tpu.enqueue_indirect_dma source(%arg5 : memref<128x128xf32, #tpu.memory_space<vmem>>) target(%dma_start3A_159 : memref<32768x128xf32, #tpu.memory_space<hbm>>) offsets(%arg7 : memref<128xi32, #tpu.memory_space<vmem>>) semaphore(%arg9 : memref<!tpu.dma_semaphore, #tpu.memory_space<semaphore_mem>>)
    %dma_wait3A_160 = arith.constant 0 : i32
    %dma_wait3A_161 = arith.constant 0 : i32
    %dma_wait3A_162 = tpu.memref_slice %arg4[%dma_wait3A_160, %dma_wait3A_161] : memref<32768x128xf32, #tpu.memory_space<hbm>> -> memref<32768x128xf32, #tpu.memory_space<hbm>>
    tpu.wait_indirect_dma semaphore(%arg9 : memref<!tpu.dma_semaphore, #tpu.memory_space<semaphore_mem>>) src(%arg5 : memref<128x128xf32, #tpu.memory_space<vmem>>) dst(%dma_wait3A_162 : memref<32768x128xf32, #tpu.memory_space<hbm>>)
    %add3A_163 = arith.constant 896 : i32
    %add3A_164 = arith.addi %mul3A_2, %add3A_163 : i32
    %dma_wait3A_165 = tpu.memref_slice %arg3[%add3A_164] : memref<32768xi32, #tpu.memory_space<hbm>> -> memref<128xi32, #tpu.memory_space<hbm>>
    %dma_wait3A_166 = tpu.memref_slice %arg3[%add3A_164] : memref<32768xi32, #tpu.memory_space<hbm>> -> memref<128xi32, #tpu.memory_space<hbm>>
    tpu.wait_dma2 semaphore(%arg12 : memref<!tpu.dma_semaphore, #tpu.memory_space<semaphore_mem>>) src(%dma_wait3A_166 : memref<128xi32, #tpu.memory_space<hbm>>) dst(%arg8 : memref<128xi32, #tpu.memory_space<vmem>>)
    %dma_wait3A_167 = arith.constant 0 : i32
    %dma_wait3A_168 = tpu.memref_slice %arg2[%add3A_164, %dma_wait3A_167] : memref<32768x128xf32, #tpu.memory_space<hbm>> -> memref<128x128xf32, #tpu.memory_space<hbm>>
    %dma_wait3A_169 = arith.constant 0 : i32
    %dma_wait3A_170 = tpu.memref_slice %arg2[%add3A_164, %dma_wait3A_169] : memref<32768x128xf32, #tpu.memory_space<hbm>> -> memref<128x128xf32, #tpu.memory_space<hbm>>
    tpu.wait_dma2 semaphore(%arg10 : memref<!tpu.dma_semaphore, #tpu.memory_space<semaphore_mem>>) src(%dma_wait3A_170 : memref<128x128xf32, #tpu.memory_space<hbm>>) dst(%arg6 : memref<128x128xf32, #tpu.memory_space<vmem>>)
    %dma_start3A_171 = arith.constant 0 : i32
    %dma_start3A_172 = arith.constant 0 : i32
    %dma_start3A_173 = tpu.memref_slice %arg4[%dma_start3A_171, %dma_start3A_172] : memref<32768x128xf32, #tpu.memory_space<hbm>> -> memref<32768x128xf32, #tpu.memory_space<hbm>>
    tpu.enqueue_indirect_dma source(%arg6 : memref<128x128xf32, #tpu.memory_space<vmem>>) target(%dma_start3A_173 : memref<32768x128xf32, #tpu.memory_space<hbm>>) offsets(%arg8 : memref<128xi32, #tpu.memory_space<vmem>>) semaphore(%arg10 : memref<!tpu.dma_semaphore, #tpu.memory_space<semaphore_mem>>)
    %dma_wait3A_174 = arith.constant 0 : i32
    %dma_wait3A_175 = arith.constant 0 : i32
    %dma_wait3A_176 = tpu.memref_slice %arg4[%dma_wait3A_174, %dma_wait3A_175] : memref<32768x128xf32, #tpu.memory_space<hbm>> -> memref<32768x128xf32, #tpu.memory_space<hbm>>
    tpu.wait_indirect_dma semaphore(%arg10 : memref<!tpu.dma_semaphore, #tpu.memory_space<semaphore_mem>>) src(%arg6 : memref<128x128xf32, #tpu.memory_space<vmem>>) dst(%dma_wait3A_176 : memref<32768x128xf32, #tpu.memory_space<hbm>>)
    return
  }
}

#map = affine_map<(d0, d1) -> (0, 0)>
#map1 = affine_map<(d0, d1) -> (0)>
module attributes {stable_mosaic.version = 14 : i64} {
  func.func @sc_gather_rows(%arg0: i32, %arg1: i32, %arg2: memref<32768x128xf32, #tpu.memory_space<hbm>>, %arg3: memref<32768xi32, #tpu.memory_space<hbm>>, %arg4: memref<32768x128xf32, #tpu.memory_space<hbm>>, %arg5: memref<128x128xf32, #tpu.memory_space<vmem>>, %arg6: memref<128x128xf32, #tpu.memory_space<vmem>>, %arg7: memref<128xi32, #tpu.memory_space<vmem>>, %arg8: memref<128xi32, #tpu.memory_space<vmem>>, %arg9: memref<!tpu.dma_semaphore, #tpu.memory_space<semaphore_mem>>, %arg10: memref<!tpu.dma_semaphore, #tpu.memory_space<semaphore_mem>>, %arg11: memref<!tpu.dma_semaphore, #tpu.memory_space<semaphore_mem>>, %arg12: memref<!tpu.dma_semaphore, #tpu.memory_space<semaphore_mem>>) attributes {dimension_semantics = [#tpu.dimension_semantics<core_parallel>, #tpu.dimension_semantics<subcore_parallel>], iteration_bounds = array<i64: 2, 16>, scalar_prefetch = 0 : i64, scratch_operands = 8 : i64, tpu.core_type = #tpu.core_type<sc_vector_subcore>, window_params = [{transform_indices = #map}, {transform_indices = #map1}, {transform_indices = #map}]} {
    %mul3A = arith.constant 2 : i32
    %mul3A_0 = arith.muli %arg1, %mul3A : i32
    %add3A = arith.addi %mul3A_0, %arg0 : i32
    %mul3A_1 = arith.constant 1024 : i32
    %mul3A_2 = arith.muli %add3A, %mul3A_1 : i32
    %add3A_3 = arith.constant 0 : i32
    %add3A_4 = arith.addi %mul3A_2, %add3A_3 : i32
    %dma_start3A = tpu.memref_slice %arg3[%add3A_4] : memref<32768xi32, #tpu.memory_space<hbm>> -> memref<128xi32, #tpu.memory_space<hbm>>
    %dma_start3A_5 = tpu.memref_slice %arg3[%add3A_4] : memref<32768xi32, #tpu.memory_space<hbm>> -> memref<128xi32, #tpu.memory_space<hbm>>
    tpu.enqueue_dma source(%dma_start3A_5 : memref<128xi32, #tpu.memory_space<hbm>>) target(%arg7 : memref<128xi32, #tpu.memory_space<vmem>>) target_semaphore(%arg11 : memref<!tpu.dma_semaphore, #tpu.memory_space<semaphore_mem>>)
    %add3A_6 = arith.constant 128 : i32
    %add3A_7 = arith.addi %mul3A_2, %add3A_6 : i32
    %dma_start3A_8 = tpu.memref_slice %arg3[%add3A_7] : memref<32768xi32, #tpu.memory_space<hbm>> -> memref<128xi32, #tpu.memory_space<hbm>>
    %dma_start3A_9 = tpu.memref_slice %arg3[%add3A_7] : memref<32768xi32, #tpu.memory_space<hbm>> -> memref<128xi32, #tpu.memory_space<hbm>>
    tpu.enqueue_dma source(%dma_start3A_9 : memref<128xi32, #tpu.memory_space<hbm>>) target(%arg8 : memref<128xi32, #tpu.memory_space<vmem>>) target_semaphore(%arg12 : memref<!tpu.dma_semaphore, #tpu.memory_space<semaphore_mem>>)
    %add3A_10 = arith.constant 0 : i32
    %add3A_11 = arith.addi %mul3A_2, %add3A_10 : i32
    %dma_wait3A = tpu.memref_slice %arg3[%add3A_11] : memref<32768xi32, #tpu.memory_space<hbm>> -> memref<128xi32, #tpu.memory_space<hbm>>
    %dma_wait3A_12 = tpu.memref_slice %arg3[%add3A_11] : memref<32768xi32, #tpu.memory_space<hbm>> -> memref<128xi32, #tpu.memory_space<hbm>>
    tpu.wait_dma2 semaphore(%arg11 : memref<!tpu.dma_semaphore, #tpu.memory_space<semaphore_mem>>) src(%dma_wait3A_12 : memref<128xi32, #tpu.memory_space<hbm>>) dst(%arg7 : memref<128xi32, #tpu.memory_space<vmem>>)
    %dma_start3A_13 = arith.constant 0 : i32
    %dma_start3A_14 = arith.constant 0 : i32
    %dma_start3A_15 = tpu.memref_slice %arg2[%dma_start3A_13, %dma_start3A_14] : memref<32768x128xf32, #tpu.memory_space<hbm>> -> memref<32768x128xf32, #tpu.memory_space<hbm>>
    tpu.enqueue_indirect_dma source(%dma_start3A_15 : memref<32768x128xf32, #tpu.memory_space<hbm>>) target(%arg5 : memref<128x128xf32, #tpu.memory_space<vmem>>) offsets(%arg7 : memref<128xi32, #tpu.memory_space<vmem>>) semaphore(%arg9 : memref<!tpu.dma_semaphore, #tpu.memory_space<semaphore_mem>>)
    %add3A_16 = arith.constant 0 : i32
    %add3A_17 = arith.addi %mul3A_2, %add3A_16 : i32
    %add3A_18 = arith.constant 128 : i32
    %add3A_19 = arith.addi %mul3A_2, %add3A_18 : i32
    %dma_wait3A_20 = tpu.memref_slice %arg3[%add3A_19] : memref<32768xi32, #tpu.memory_space<hbm>> -> memref<128xi32, #tpu.memory_space<hbm>>
    %dma_wait3A_21 = tpu.memref_slice %arg3[%add3A_19] : memref<32768xi32, #tpu.memory_space<hbm>> -> memref<128xi32, #tpu.memory_space<hbm>>
    tpu.wait_dma2 semaphore(%arg12 : memref<!tpu.dma_semaphore, #tpu.memory_space<semaphore_mem>>) src(%dma_wait3A_21 : memref<128xi32, #tpu.memory_space<hbm>>) dst(%arg8 : memref<128xi32, #tpu.memory_space<vmem>>)
    %dma_start3A_22 = arith.constant 0 : i32
    %dma_start3A_23 = arith.constant 0 : i32
    %dma_start3A_24 = tpu.memref_slice %arg2[%dma_start3A_22, %dma_start3A_23] : memref<32768x128xf32, #tpu.memory_space<hbm>> -> memref<32768x128xf32, #tpu.memory_space<hbm>>
    tpu.enqueue_indirect_dma source(%dma_start3A_24 : memref<32768x128xf32, #tpu.memory_space<hbm>>) target(%arg6 : memref<128x128xf32, #tpu.memory_space<vmem>>) offsets(%arg8 : memref<128xi32, #tpu.memory_space<vmem>>) semaphore(%arg10 : memref<!tpu.dma_semaphore, #tpu.memory_space<semaphore_mem>>)
    %dma_wait3A_25 = arith.constant 0 : i32
    %dma_wait3A_26 = arith.constant 0 : i32
    %dma_wait3A_27 = tpu.memref_slice %arg2[%dma_wait3A_25, %dma_wait3A_26] : memref<32768x128xf32, #tpu.memory_space<hbm>> -> memref<32768x128xf32, #tpu.memory_space<hbm>>
    tpu.wait_indirect_dma semaphore(%arg9 : memref<!tpu.dma_semaphore, #tpu.memory_space<semaphore_mem>>) src(%dma_wait3A_27 : memref<32768x128xf32, #tpu.memory_space<hbm>>) dst(%arg5 : memref<128x128xf32, #tpu.memory_space<vmem>>)
    "tpu.region"() ({
      %run_scoped3A = tpu.sem_alloc : memref<!tpu.dma_semaphore, #tpu.memory_space<semaphore_mem>>
      %dma_start3A_129 = arith.constant 0 : i32
      %dma_start3A_130 = tpu.memref_slice %arg4[%add3A_17, %dma_start3A_129] : memref<32768x128xf32, #tpu.memory_space<hbm>> -> memref<128x128xf32, #tpu.memory_space<hbm>>
      %dma_start3A_131 = arith.constant 0 : i32
      %dma_start3A_132 = tpu.memref_slice %arg4[%add3A_17, %dma_start3A_131] : memref<32768x128xf32, #tpu.memory_space<hbm>> -> memref<128x128xf32, #tpu.memory_space<hbm>>
      tpu.enqueue_dma source(%arg5 : memref<128x128xf32, #tpu.memory_space<vmem>>) target(%dma_start3A_132 : memref<128x128xf32, #tpu.memory_space<hbm>>) target_semaphore(%run_scoped3A : memref<!tpu.dma_semaphore, #tpu.memory_space<semaphore_mem>>)
      %dma_wait3A_133 = arith.constant 0 : i32
      %dma_wait3A_134 = tpu.memref_slice %arg4[%add3A_17, %dma_wait3A_133] : memref<32768x128xf32, #tpu.memory_space<hbm>> -> memref<128x128xf32, #tpu.memory_space<hbm>>
      %dma_wait3A_135 = arith.constant 0 : i32
      %dma_wait3A_136 = tpu.memref_slice %arg4[%add3A_17, %dma_wait3A_135] : memref<32768x128xf32, #tpu.memory_space<hbm>> -> memref<128x128xf32, #tpu.memory_space<hbm>>
      tpu.wait_dma2 semaphore(%run_scoped3A : memref<!tpu.dma_semaphore, #tpu.memory_space<semaphore_mem>>) src(%arg5 : memref<128x128xf32, #tpu.memory_space<vmem>>) dst(%dma_wait3A_136 : memref<128x128xf32, #tpu.memory_space<hbm>>)
      tpu.yield
    }) : () -> ()
    %add3A_28 = arith.constant 256 : i32
    %add3A_29 = arith.addi %mul3A_2, %add3A_28 : i32
    %dma_start3A_30 = tpu.memref_slice %arg3[%add3A_29] : memref<32768xi32, #tpu.memory_space<hbm>> -> memref<128xi32, #tpu.memory_space<hbm>>
    %dma_start3A_31 = tpu.memref_slice %arg3[%add3A_29] : memref<32768xi32, #tpu.memory_space<hbm>> -> memref<128xi32, #tpu.memory_space<hbm>>
    tpu.enqueue_dma source(%dma_start3A_31 : memref<128xi32, #tpu.memory_space<hbm>>) target(%arg7 : memref<128xi32, #tpu.memory_space<vmem>>) target_semaphore(%arg11 : memref<!tpu.dma_semaphore, #tpu.memory_space<semaphore_mem>>)
    %add3A_32 = arith.constant 128 : i32
    %add3A_33 = arith.addi %mul3A_2, %add3A_32 : i32
    %add3A_34 = arith.constant 256 : i32
    %add3A_35 = arith.addi %mul3A_2, %add3A_34 : i32
    %dma_wait3A_36 = tpu.memref_slice %arg3[%add3A_35] : memref<32768xi32, #tpu.memory_space<hbm>> -> memref<128xi32, #tpu.memory_space<hbm>>
    %dma_wait3A_37 = tpu.memref_slice %arg3[%add3A_35] : memref<32768xi32, #tpu.memory_space<hbm>> -> memref<128xi32, #tpu.memory_space<hbm>>
    tpu.wait_dma2 semaphore(%arg11 : memref<!tpu.dma_semaphore, #tpu.memory_space<semaphore_mem>>) src(%dma_wait3A_37 : memref<128xi32, #tpu.memory_space<hbm>>) dst(%arg7 : memref<128xi32, #tpu.memory_space<vmem>>)
    %dma_start3A_38 = arith.constant 0 : i32
    %dma_start3A_39 = arith.constant 0 : i32
    %dma_start3A_40 = tpu.memref_slice %arg2[%dma_start3A_38, %dma_start3A_39] : memref<32768x128xf32, #tpu.memory_space<hbm>> -> memref<32768x128xf32, #tpu.memory_space<hbm>>
    tpu.enqueue_indirect_dma source(%dma_start3A_40 : memref<32768x128xf32, #tpu.memory_space<hbm>>) target(%arg5 : memref<128x128xf32, #tpu.memory_space<vmem>>) offsets(%arg7 : memref<128xi32, #tpu.memory_space<vmem>>) semaphore(%arg9 : memref<!tpu.dma_semaphore, #tpu.memory_space<semaphore_mem>>)
    %dma_wait3A_41 = arith.constant 0 : i32
    %dma_wait3A_42 = arith.constant 0 : i32
    %dma_wait3A_43 = tpu.memref_slice %arg2[%dma_wait3A_41, %dma_wait3A_42] : memref<32768x128xf32, #tpu.memory_space<hbm>> -> memref<32768x128xf32, #tpu.memory_space<hbm>>
    tpu.wait_indirect_dma semaphore(%arg10 : memref<!tpu.dma_semaphore, #tpu.memory_space<semaphore_mem>>) src(%dma_wait3A_43 : memref<32768x128xf32, #tpu.memory_space<hbm>>) dst(%arg6 : memref<128x128xf32, #tpu.memory_space<vmem>>)
    "tpu.region"() ({
      %run_scoped3A = tpu.sem_alloc : memref<!tpu.dma_semaphore, #tpu.memory_space<semaphore_mem>>
      %dma_start3A_129 = arith.constant 0 : i32
      %dma_start3A_130 = tpu.memref_slice %arg4[%add3A_33, %dma_start3A_129] : memref<32768x128xf32, #tpu.memory_space<hbm>> -> memref<128x128xf32, #tpu.memory_space<hbm>>
      %dma_start3A_131 = arith.constant 0 : i32
      %dma_start3A_132 = tpu.memref_slice %arg4[%add3A_33, %dma_start3A_131] : memref<32768x128xf32, #tpu.memory_space<hbm>> -> memref<128x128xf32, #tpu.memory_space<hbm>>
      tpu.enqueue_dma source(%arg6 : memref<128x128xf32, #tpu.memory_space<vmem>>) target(%dma_start3A_132 : memref<128x128xf32, #tpu.memory_space<hbm>>) target_semaphore(%run_scoped3A : memref<!tpu.dma_semaphore, #tpu.memory_space<semaphore_mem>>)
      %dma_wait3A_133 = arith.constant 0 : i32
      %dma_wait3A_134 = tpu.memref_slice %arg4[%add3A_33, %dma_wait3A_133] : memref<32768x128xf32, #tpu.memory_space<hbm>> -> memref<128x128xf32, #tpu.memory_space<hbm>>
      %dma_wait3A_135 = arith.constant 0 : i32
      %dma_wait3A_136 = tpu.memref_slice %arg4[%add3A_33, %dma_wait3A_135] : memref<32768x128xf32, #tpu.memory_space<hbm>> -> memref<128x128xf32, #tpu.memory_space<hbm>>
      tpu.wait_dma2 semaphore(%run_scoped3A : memref<!tpu.dma_semaphore, #tpu.memory_space<semaphore_mem>>) src(%arg6 : memref<128x128xf32, #tpu.memory_space<vmem>>) dst(%dma_wait3A_136 : memref<128x128xf32, #tpu.memory_space<hbm>>)
      tpu.yield
    }) : () -> ()
    %add3A_44 = arith.constant 384 : i32
    %add3A_45 = arith.addi %mul3A_2, %add3A_44 : i32
    %dma_start3A_46 = tpu.memref_slice %arg3[%add3A_45] : memref<32768xi32, #tpu.memory_space<hbm>> -> memref<128xi32, #tpu.memory_space<hbm>>
    %dma_start3A_47 = tpu.memref_slice %arg3[%add3A_45] : memref<32768xi32, #tpu.memory_space<hbm>> -> memref<128xi32, #tpu.memory_space<hbm>>
    tpu.enqueue_dma source(%dma_start3A_47 : memref<128xi32, #tpu.memory_space<hbm>>) target(%arg8 : memref<128xi32, #tpu.memory_space<vmem>>) target_semaphore(%arg12 : memref<!tpu.dma_semaphore, #tpu.memory_space<semaphore_mem>>)
    %add3A_48 = arith.constant 256 : i32
    %add3A_49 = arith.addi %mul3A_2, %add3A_48 : i32
    %add3A_50 = arith.constant 384 : i32
    %add3A_51 = arith.addi %mul3A_2, %add3A_50 : i32
    %dma_wait3A_52 = tpu.memref_slice %arg3[%add3A_51] : memref<32768xi32, #tpu.memory_space<hbm>> -> memref<128xi32, #tpu.memory_space<hbm>>
    %dma_wait3A_53 = tpu.memref_slice %arg3[%add3A_51] : memref<32768xi32, #tpu.memory_space<hbm>> -> memref<128xi32, #tpu.memory_space<hbm>>
    tpu.wait_dma2 semaphore(%arg12 : memref<!tpu.dma_semaphore, #tpu.memory_space<semaphore_mem>>) src(%dma_wait3A_53 : memref<128xi32, #tpu.memory_space<hbm>>) dst(%arg8 : memref<128xi32, #tpu.memory_space<vmem>>)
    %dma_start3A_54 = arith.constant 0 : i32
    %dma_start3A_55 = arith.constant 0 : i32
    %dma_start3A_56 = tpu.memref_slice %arg2[%dma_start3A_54, %dma_start3A_55] : memref<32768x128xf32, #tpu.memory_space<hbm>> -> memref<32768x128xf32, #tpu.memory_space<hbm>>
    tpu.enqueue_indirect_dma source(%dma_start3A_56 : memref<32768x128xf32, #tpu.memory_space<hbm>>) target(%arg6 : memref<128x128xf32, #tpu.memory_space<vmem>>) offsets(%arg8 : memref<128xi32, #tpu.memory_space<vmem>>) semaphore(%arg10 : memref<!tpu.dma_semaphore, #tpu.memory_space<semaphore_mem>>)
    %dma_wait3A_57 = arith.constant 0 : i32
    %dma_wait3A_58 = arith.constant 0 : i32
    %dma_wait3A_59 = tpu.memref_slice %arg2[%dma_wait3A_57, %dma_wait3A_58] : memref<32768x128xf32, #tpu.memory_space<hbm>> -> memref<32768x128xf32, #tpu.memory_space<hbm>>
    tpu.wait_indirect_dma semaphore(%arg9 : memref<!tpu.dma_semaphore, #tpu.memory_space<semaphore_mem>>) src(%dma_wait3A_59 : memref<32768x128xf32, #tpu.memory_space<hbm>>) dst(%arg5 : memref<128x128xf32, #tpu.memory_space<vmem>>)
    "tpu.region"() ({
      %run_scoped3A = tpu.sem_alloc : memref<!tpu.dma_semaphore, #tpu.memory_space<semaphore_mem>>
      %dma_start3A_129 = arith.constant 0 : i32
      %dma_start3A_130 = tpu.memref_slice %arg4[%add3A_49, %dma_start3A_129] : memref<32768x128xf32, #tpu.memory_space<hbm>> -> memref<128x128xf32, #tpu.memory_space<hbm>>
      %dma_start3A_131 = arith.constant 0 : i32
      %dma_start3A_132 = tpu.memref_slice %arg4[%add3A_49, %dma_start3A_131] : memref<32768x128xf32, #tpu.memory_space<hbm>> -> memref<128x128xf32, #tpu.memory_space<hbm>>
      tpu.enqueue_dma source(%arg5 : memref<128x128xf32, #tpu.memory_space<vmem>>) target(%dma_start3A_132 : memref<128x128xf32, #tpu.memory_space<hbm>>) target_semaphore(%run_scoped3A : memref<!tpu.dma_semaphore, #tpu.memory_space<semaphore_mem>>)
      %dma_wait3A_133 = arith.constant 0 : i32
      %dma_wait3A_134 = tpu.memref_slice %arg4[%add3A_49, %dma_wait3A_133] : memref<32768x128xf32, #tpu.memory_space<hbm>> -> memref<128x128xf32, #tpu.memory_space<hbm>>
      %dma_wait3A_135 = arith.constant 0 : i32
      %dma_wait3A_136 = tpu.memref_slice %arg4[%add3A_49, %dma_wait3A_135] : memref<32768x128xf32, #tpu.memory_space<hbm>> -> memref<128x128xf32, #tpu.memory_space<hbm>>
      tpu.wait_dma2 semaphore(%run_scoped3A : memref<!tpu.dma_semaphore, #tpu.memory_space<semaphore_mem>>) src(%arg5 : memref<128x128xf32, #tpu.memory_space<vmem>>) dst(%dma_wait3A_136 : memref<128x128xf32, #tpu.memory_space<hbm>>)
      tpu.yield
    }) : () -> ()
    %add3A_60 = arith.constant 512 : i32
    %add3A_61 = arith.addi %mul3A_2, %add3A_60 : i32
    %dma_start3A_62 = tpu.memref_slice %arg3[%add3A_61] : memref<32768xi32, #tpu.memory_space<hbm>> -> memref<128xi32, #tpu.memory_space<hbm>>
    %dma_start3A_63 = tpu.memref_slice %arg3[%add3A_61] : memref<32768xi32, #tpu.memory_space<hbm>> -> memref<128xi32, #tpu.memory_space<hbm>>
    tpu.enqueue_dma source(%dma_start3A_63 : memref<128xi32, #tpu.memory_space<hbm>>) target(%arg7 : memref<128xi32, #tpu.memory_space<vmem>>) target_semaphore(%arg11 : memref<!tpu.dma_semaphore, #tpu.memory_space<semaphore_mem>>)
    %add3A_64 = arith.constant 384 : i32
    %add3A_65 = arith.addi %mul3A_2, %add3A_64 : i32
    %add3A_66 = arith.constant 512 : i32
    %add3A_67 = arith.addi %mul3A_2, %add3A_66 : i32
    %dma_wait3A_68 = tpu.memref_slice %arg3[%add3A_67] : memref<32768xi32, #tpu.memory_space<hbm>> -> memref<128xi32, #tpu.memory_space<hbm>>
    %dma_wait3A_69 = tpu.memref_slice %arg3[%add3A_67] : memref<32768xi32, #tpu.memory_space<hbm>> -> memref<128xi32, #tpu.memory_space<hbm>>
    tpu.wait_dma2 semaphore(%arg11 : memref<!tpu.dma_semaphore, #tpu.memory_space<semaphore_mem>>) src(%dma_wait3A_69 : memref<128xi32, #tpu.memory_space<hbm>>) dst(%arg7 : memref<128xi32, #tpu.memory_space<vmem>>)
    %dma_start3A_70 = arith.constant 0 : i32
    %dma_start3A_71 = arith.constant 0 : i32
    %dma_start3A_72 = tpu.memref_slice %arg2[%dma_start3A_70, %dma_start3A_71] : memref<32768x128xf32, #tpu.memory_space<hbm>> -> memref<32768x128xf32, #tpu.memory_space<hbm>>
    tpu.enqueue_indirect_dma source(%dma_start3A_72 : memref<32768x128xf32, #tpu.memory_space<hbm>>) target(%arg5 : memref<128x128xf32, #tpu.memory_space<vmem>>) offsets(%arg7 : memref<128xi32, #tpu.memory_space<vmem>>) semaphore(%arg9 : memref<!tpu.dma_semaphore, #tpu.memory_space<semaphore_mem>>)
    %dma_wait3A_73 = arith.constant 0 : i32
    %dma_wait3A_74 = arith.constant 0 : i32
    %dma_wait3A_75 = tpu.memref_slice %arg2[%dma_wait3A_73, %dma_wait3A_74] : memref<32768x128xf32, #tpu.memory_space<hbm>> -> memref<32768x128xf32, #tpu.memory_space<hbm>>
    tpu.wait_indirect_dma semaphore(%arg10 : memref<!tpu.dma_semaphore, #tpu.memory_space<semaphore_mem>>) src(%dma_wait3A_75 : memref<32768x128xf32, #tpu.memory_space<hbm>>) dst(%arg6 : memref<128x128xf32, #tpu.memory_space<vmem>>)
    "tpu.region"() ({
      %run_scoped3A = tpu.sem_alloc : memref<!tpu.dma_semaphore, #tpu.memory_space<semaphore_mem>>
      %dma_start3A_129 = arith.constant 0 : i32
      %dma_start3A_130 = tpu.memref_slice %arg4[%add3A_65, %dma_start3A_129] : memref<32768x128xf32, #tpu.memory_space<hbm>> -> memref<128x128xf32, #tpu.memory_space<hbm>>
      %dma_start3A_131 = arith.constant 0 : i32
      %dma_start3A_132 = tpu.memref_slice %arg4[%add3A_65, %dma_start3A_131] : memref<32768x128xf32, #tpu.memory_space<hbm>> -> memref<128x128xf32, #tpu.memory_space<hbm>>
      tpu.enqueue_dma source(%arg6 : memref<128x128xf32, #tpu.memory_space<vmem>>) target(%dma_start3A_132 : memref<128x128xf32, #tpu.memory_space<hbm>>) target_semaphore(%run_scoped3A : memref<!tpu.dma_semaphore, #tpu.memory_space<semaphore_mem>>)
      %dma_wait3A_133 = arith.constant 0 : i32
      %dma_wait3A_134 = tpu.memref_slice %arg4[%add3A_65, %dma_wait3A_133] : memref<32768x128xf32, #tpu.memory_space<hbm>> -> memref<128x128xf32, #tpu.memory_space<hbm>>
      %dma_wait3A_135 = arith.constant 0 : i32
      %dma_wait3A_136 = tpu.memref_slice %arg4[%add3A_65, %dma_wait3A_135] : memref<32768x128xf32, #tpu.memory_space<hbm>> -> memref<128x128xf32, #tpu.memory_space<hbm>>
      tpu.wait_dma2 semaphore(%run_scoped3A : memref<!tpu.dma_semaphore, #tpu.memory_space<semaphore_mem>>) src(%arg6 : memref<128x128xf32, #tpu.memory_space<vmem>>) dst(%dma_wait3A_136 : memref<128x128xf32, #tpu.memory_space<hbm>>)
      tpu.yield
    }) : () -> ()
    %add3A_76 = arith.constant 640 : i32
    %add3A_77 = arith.addi %mul3A_2, %add3A_76 : i32
    %dma_start3A_78 = tpu.memref_slice %arg3[%add3A_77] : memref<32768xi32, #tpu.memory_space<hbm>> -> memref<128xi32, #tpu.memory_space<hbm>>
    %dma_start3A_79 = tpu.memref_slice %arg3[%add3A_77] : memref<32768xi32, #tpu.memory_space<hbm>> -> memref<128xi32, #tpu.memory_space<hbm>>
    tpu.enqueue_dma source(%dma_start3A_79 : memref<128xi32, #tpu.memory_space<hbm>>) target(%arg8 : memref<128xi32, #tpu.memory_space<vmem>>) target_semaphore(%arg12 : memref<!tpu.dma_semaphore, #tpu.memory_space<semaphore_mem>>)
    %add3A_80 = arith.constant 512 : i32
    %add3A_81 = arith.addi %mul3A_2, %add3A_80 : i32
    %add3A_82 = arith.constant 640 : i32
    %add3A_83 = arith.addi %mul3A_2, %add3A_82 : i32
    %dma_wait3A_84 = tpu.memref_slice %arg3[%add3A_83] : memref<32768xi32, #tpu.memory_space<hbm>> -> memref<128xi32, #tpu.memory_space<hbm>>
    %dma_wait3A_85 = tpu.memref_slice %arg3[%add3A_83] : memref<32768xi32, #tpu.memory_space<hbm>> -> memref<128xi32, #tpu.memory_space<hbm>>
    tpu.wait_dma2 semaphore(%arg12 : memref<!tpu.dma_semaphore, #tpu.memory_space<semaphore_mem>>) src(%dma_wait3A_85 : memref<128xi32, #tpu.memory_space<hbm>>) dst(%arg8 : memref<128xi32, #tpu.memory_space<vmem>>)
    %dma_start3A_86 = arith.constant 0 : i32
    %dma_start3A_87 = arith.constant 0 : i32
    %dma_start3A_88 = tpu.memref_slice %arg2[%dma_start3A_86, %dma_start3A_87] : memref<32768x128xf32, #tpu.memory_space<hbm>> -> memref<32768x128xf32, #tpu.memory_space<hbm>>
    tpu.enqueue_indirect_dma source(%dma_start3A_88 : memref<32768x128xf32, #tpu.memory_space<hbm>>) target(%arg6 : memref<128x128xf32, #tpu.memory_space<vmem>>) offsets(%arg8 : memref<128xi32, #tpu.memory_space<vmem>>) semaphore(%arg10 : memref<!tpu.dma_semaphore, #tpu.memory_space<semaphore_mem>>)
    %dma_wait3A_89 = arith.constant 0 : i32
    %dma_wait3A_90 = arith.constant 0 : i32
    %dma_wait3A_91 = tpu.memref_slice %arg2[%dma_wait3A_89, %dma_wait3A_90] : memref<32768x128xf32, #tpu.memory_space<hbm>> -> memref<32768x128xf32, #tpu.memory_space<hbm>>
    tpu.wait_indirect_dma semaphore(%arg9 : memref<!tpu.dma_semaphore, #tpu.memory_space<semaphore_mem>>) src(%dma_wait3A_91 : memref<32768x128xf32, #tpu.memory_space<hbm>>) dst(%arg5 : memref<128x128xf32, #tpu.memory_space<vmem>>)
    "tpu.region"() ({
      %run_scoped3A = tpu.sem_alloc : memref<!tpu.dma_semaphore, #tpu.memory_space<semaphore_mem>>
      %dma_start3A_129 = arith.constant 0 : i32
      %dma_start3A_130 = tpu.memref_slice %arg4[%add3A_81, %dma_start3A_129] : memref<32768x128xf32, #tpu.memory_space<hbm>> -> memref<128x128xf32, #tpu.memory_space<hbm>>
      %dma_start3A_131 = arith.constant 0 : i32
      %dma_start3A_132 = tpu.memref_slice %arg4[%add3A_81, %dma_start3A_131] : memref<32768x128xf32, #tpu.memory_space<hbm>> -> memref<128x128xf32, #tpu.memory_space<hbm>>
      tpu.enqueue_dma source(%arg5 : memref<128x128xf32, #tpu.memory_space<vmem>>) target(%dma_start3A_132 : memref<128x128xf32, #tpu.memory_space<hbm>>) target_semaphore(%run_scoped3A : memref<!tpu.dma_semaphore, #tpu.memory_space<semaphore_mem>>)
      %dma_wait3A_133 = arith.constant 0 : i32
      %dma_wait3A_134 = tpu.memref_slice %arg4[%add3A_81, %dma_wait3A_133] : memref<32768x128xf32, #tpu.memory_space<hbm>> -> memref<128x128xf32, #tpu.memory_space<hbm>>
      %dma_wait3A_135 = arith.constant 0 : i32
      %dma_wait3A_136 = tpu.memref_slice %arg4[%add3A_81, %dma_wait3A_135] : memref<32768x128xf32, #tpu.memory_space<hbm>> -> memref<128x128xf32, #tpu.memory_space<hbm>>
      tpu.wait_dma2 semaphore(%run_scoped3A : memref<!tpu.dma_semaphore, #tpu.memory_space<semaphore_mem>>) src(%arg5 : memref<128x128xf32, #tpu.memory_space<vmem>>) dst(%dma_wait3A_136 : memref<128x128xf32, #tpu.memory_space<hbm>>)
      tpu.yield
    }) : () -> ()
    %add3A_92 = arith.constant 768 : i32
    %add3A_93 = arith.addi %mul3A_2, %add3A_92 : i32
    %dma_start3A_94 = tpu.memref_slice %arg3[%add3A_93] : memref<32768xi32, #tpu.memory_space<hbm>> -> memref<128xi32, #tpu.memory_space<hbm>>
    %dma_start3A_95 = tpu.memref_slice %arg3[%add3A_93] : memref<32768xi32, #tpu.memory_space<hbm>> -> memref<128xi32, #tpu.memory_space<hbm>>
    tpu.enqueue_dma source(%dma_start3A_95 : memref<128xi32, #tpu.memory_space<hbm>>) target(%arg7 : memref<128xi32, #tpu.memory_space<vmem>>) target_semaphore(%arg11 : memref<!tpu.dma_semaphore, #tpu.memory_space<semaphore_mem>>)
    %add3A_96 = arith.constant 640 : i32
    %add3A_97 = arith.addi %mul3A_2, %add3A_96 : i32
    %add3A_98 = arith.constant 768 : i32
    %add3A_99 = arith.addi %mul3A_2, %add3A_98 : i32
    %dma_wait3A_100 = tpu.memref_slice %arg3[%add3A_99] : memref<32768xi32, #tpu.memory_space<hbm>> -> memref<128xi32, #tpu.memory_space<hbm>>
    %dma_wait3A_101 = tpu.memref_slice %arg3[%add3A_99] : memref<32768xi32, #tpu.memory_space<hbm>> -> memref<128xi32, #tpu.memory_space<hbm>>
    tpu.wait_dma2 semaphore(%arg11 : memref<!tpu.dma_semaphore, #tpu.memory_space<semaphore_mem>>) src(%dma_wait3A_101 : memref<128xi32, #tpu.memory_space<hbm>>) dst(%arg7 : memref<128xi32, #tpu.memory_space<vmem>>)
    %dma_start3A_102 = arith.constant 0 : i32
    %dma_start3A_103 = arith.constant 0 : i32
    %dma_start3A_104 = tpu.memref_slice %arg2[%dma_start3A_102, %dma_start3A_103] : memref<32768x128xf32, #tpu.memory_space<hbm>> -> memref<32768x128xf32, #tpu.memory_space<hbm>>
    tpu.enqueue_indirect_dma source(%dma_start3A_104 : memref<32768x128xf32, #tpu.memory_space<hbm>>) target(%arg5 : memref<128x128xf32, #tpu.memory_space<vmem>>) offsets(%arg7 : memref<128xi32, #tpu.memory_space<vmem>>) semaphore(%arg9 : memref<!tpu.dma_semaphore, #tpu.memory_space<semaphore_mem>>)
    %dma_wait3A_105 = arith.constant 0 : i32
    %dma_wait3A_106 = arith.constant 0 : i32
    %dma_wait3A_107 = tpu.memref_slice %arg2[%dma_wait3A_105, %dma_wait3A_106] : memref<32768x128xf32, #tpu.memory_space<hbm>> -> memref<32768x128xf32, #tpu.memory_space<hbm>>
    tpu.wait_indirect_dma semaphore(%arg10 : memref<!tpu.dma_semaphore, #tpu.memory_space<semaphore_mem>>) src(%dma_wait3A_107 : memref<32768x128xf32, #tpu.memory_space<hbm>>) dst(%arg6 : memref<128x128xf32, #tpu.memory_space<vmem>>)
    "tpu.region"() ({
      %run_scoped3A = tpu.sem_alloc : memref<!tpu.dma_semaphore, #tpu.memory_space<semaphore_mem>>
      %dma_start3A_129 = arith.constant 0 : i32
      %dma_start3A_130 = tpu.memref_slice %arg4[%add3A_97, %dma_start3A_129] : memref<32768x128xf32, #tpu.memory_space<hbm>> -> memref<128x128xf32, #tpu.memory_space<hbm>>
      %dma_start3A_131 = arith.constant 0 : i32
      %dma_start3A_132 = tpu.memref_slice %arg4[%add3A_97, %dma_start3A_131] : memref<32768x128xf32, #tpu.memory_space<hbm>> -> memref<128x128xf32, #tpu.memory_space<hbm>>
      tpu.enqueue_dma source(%arg6 : memref<128x128xf32, #tpu.memory_space<vmem>>) target(%dma_start3A_132 : memref<128x128xf32, #tpu.memory_space<hbm>>) target_semaphore(%run_scoped3A : memref<!tpu.dma_semaphore, #tpu.memory_space<semaphore_mem>>)
      %dma_wait3A_133 = arith.constant 0 : i32
      %dma_wait3A_134 = tpu.memref_slice %arg4[%add3A_97, %dma_wait3A_133] : memref<32768x128xf32, #tpu.memory_space<hbm>> -> memref<128x128xf32, #tpu.memory_space<hbm>>
      %dma_wait3A_135 = arith.constant 0 : i32
      %dma_wait3A_136 = tpu.memref_slice %arg4[%add3A_97, %dma_wait3A_135] : memref<32768x128xf32, #tpu.memory_space<hbm>> -> memref<128x128xf32, #tpu.memory_space<hbm>>
      tpu.wait_dma2 semaphore(%run_scoped3A : memref<!tpu.dma_semaphore, #tpu.memory_space<semaphore_mem>>) src(%arg6 : memref<128x128xf32, #tpu.memory_space<vmem>>) dst(%dma_wait3A_136 : memref<128x128xf32, #tpu.memory_space<hbm>>)
      tpu.yield
    }) : () -> ()
    %add3A_108 = arith.constant 896 : i32
    %add3A_109 = arith.addi %mul3A_2, %add3A_108 : i32
    %dma_start3A_110 = tpu.memref_slice %arg3[%add3A_109] : memref<32768xi32, #tpu.memory_space<hbm>> -> memref<128xi32, #tpu.memory_space<hbm>>
    %dma_start3A_111 = tpu.memref_slice %arg3[%add3A_109] : memref<32768xi32, #tpu.memory_space<hbm>> -> memref<128xi32, #tpu.memory_space<hbm>>
    tpu.enqueue_dma source(%dma_start3A_111 : memref<128xi32, #tpu.memory_space<hbm>>) target(%arg8 : memref<128xi32, #tpu.memory_space<vmem>>) target_semaphore(%arg12 : memref<!tpu.dma_semaphore, #tpu.memory_space<semaphore_mem>>)
    %add3A_112 = arith.constant 768 : i32
    %add3A_113 = arith.addi %mul3A_2, %add3A_112 : i32
    %add3A_114 = arith.constant 896 : i32
    %add3A_115 = arith.addi %mul3A_2, %add3A_114 : i32
    %dma_wait3A_116 = tpu.memref_slice %arg3[%add3A_115] : memref<32768xi32, #tpu.memory_space<hbm>> -> memref<128xi32, #tpu.memory_space<hbm>>
    %dma_wait3A_117 = tpu.memref_slice %arg3[%add3A_115] : memref<32768xi32, #tpu.memory_space<hbm>> -> memref<128xi32, #tpu.memory_space<hbm>>
    tpu.wait_dma2 semaphore(%arg12 : memref<!tpu.dma_semaphore, #tpu.memory_space<semaphore_mem>>) src(%dma_wait3A_117 : memref<128xi32, #tpu.memory_space<hbm>>) dst(%arg8 : memref<128xi32, #tpu.memory_space<vmem>>)
    %dma_start3A_118 = arith.constant 0 : i32
    %dma_start3A_119 = arith.constant 0 : i32
    %dma_start3A_120 = tpu.memref_slice %arg2[%dma_start3A_118, %dma_start3A_119] : memref<32768x128xf32, #tpu.memory_space<hbm>> -> memref<32768x128xf32, #tpu.memory_space<hbm>>
    tpu.enqueue_indirect_dma source(%dma_start3A_120 : memref<32768x128xf32, #tpu.memory_space<hbm>>) target(%arg6 : memref<128x128xf32, #tpu.memory_space<vmem>>) offsets(%arg8 : memref<128xi32, #tpu.memory_space<vmem>>) semaphore(%arg10 : memref<!tpu.dma_semaphore, #tpu.memory_space<semaphore_mem>>)
    %dma_wait3A_121 = arith.constant 0 : i32
    %dma_wait3A_122 = arith.constant 0 : i32
    %dma_wait3A_123 = tpu.memref_slice %arg2[%dma_wait3A_121, %dma_wait3A_122] : memref<32768x128xf32, #tpu.memory_space<hbm>> -> memref<32768x128xf32, #tpu.memory_space<hbm>>
    tpu.wait_indirect_dma semaphore(%arg9 : memref<!tpu.dma_semaphore, #tpu.memory_space<semaphore_mem>>) src(%dma_wait3A_123 : memref<32768x128xf32, #tpu.memory_space<hbm>>) dst(%arg5 : memref<128x128xf32, #tpu.memory_space<vmem>>)
    "tpu.region"() ({
      %run_scoped3A = tpu.sem_alloc : memref<!tpu.dma_semaphore, #tpu.memory_space<semaphore_mem>>
      %dma_start3A_129 = arith.constant 0 : i32
      %dma_start3A_130 = tpu.memref_slice %arg4[%add3A_113, %dma_start3A_129] : memref<32768x128xf32, #tpu.memory_space<hbm>> -> memref<128x128xf32, #tpu.memory_space<hbm>>
      %dma_start3A_131 = arith.constant 0 : i32
      %dma_start3A_132 = tpu.memref_slice %arg4[%add3A_113, %dma_start3A_131] : memref<32768x128xf32, #tpu.memory_space<hbm>> -> memref<128x128xf32, #tpu.memory_space<hbm>>
      tpu.enqueue_dma source(%arg5 : memref<128x128xf32, #tpu.memory_space<vmem>>) target(%dma_start3A_132 : memref<128x128xf32, #tpu.memory_space<hbm>>) target_semaphore(%run_scoped3A : memref<!tpu.dma_semaphore, #tpu.memory_space<semaphore_mem>>)
      %dma_wait3A_133 = arith.constant 0 : i32
      %dma_wait3A_134 = tpu.memref_slice %arg4[%add3A_113, %dma_wait3A_133] : memref<32768x128xf32, #tpu.memory_space<hbm>> -> memref<128x128xf32, #tpu.memory_space<hbm>>
      %dma_wait3A_135 = arith.constant 0 : i32
      %dma_wait3A_136 = tpu.memref_slice %arg4[%add3A_113, %dma_wait3A_135] : memref<32768x128xf32, #tpu.memory_space<hbm>> -> memref<128x128xf32, #tpu.memory_space<hbm>>
      tpu.wait_dma2 semaphore(%run_scoped3A : memref<!tpu.dma_semaphore, #tpu.memory_space<semaphore_mem>>) src(%arg5 : memref<128x128xf32, #tpu.memory_space<vmem>>) dst(%dma_wait3A_136 : memref<128x128xf32, #tpu.memory_space<hbm>>)
      tpu.yield
    }) : () -> ()
    %add3A_124 = arith.constant 896 : i32
    %add3A_125 = arith.addi %mul3A_2, %add3A_124 : i32
    %dma_wait3A_126 = arith.constant 0 : i32
    %dma_wait3A_127 = arith.constant 0 : i32
    %dma_wait3A_128 = tpu.memref_slice %arg2[%dma_wait3A_126, %dma_wait3A_127] : memref<32768x128xf32, #tpu.memory_space<hbm>> -> memref<32768x128xf32, #tpu.memory_space<hbm>>
    tpu.wait_indirect_dma semaphore(%arg10 : memref<!tpu.dma_semaphore, #tpu.memory_space<semaphore_mem>>) src(%dma_wait3A_128 : memref<32768x128xf32, #tpu.memory_space<hbm>>) dst(%arg6 : memref<128x128xf32, #tpu.memory_space<vmem>>)
    "tpu.region"() ({
      %run_scoped3A = tpu.sem_alloc : memref<!tpu.dma_semaphore, #tpu.memory_space<semaphore_mem>>
      %dma_start3A_129 = arith.constant 0 : i32
      %dma_start3A_130 = tpu.memref_slice %arg4[%add3A_125, %dma_start3A_129] : memref<32768x128xf32, #tpu.memory_space<hbm>> -> memref<128x128xf32, #tpu.memory_space<hbm>>
      %dma_start3A_131 = arith.constant 0 : i32
      %dma_start3A_132 = tpu.memref_slice %arg4[%add3A_125, %dma_start3A_131] : memref<32768x128xf32, #tpu.memory_space<hbm>> -> memref<128x128xf32, #tpu.memory_space<hbm>>
      tpu.enqueue_dma source(%arg6 : memref<128x128xf32, #tpu.memory_space<vmem>>) target(%dma_start3A_132 : memref<128x128xf32, #tpu.memory_space<hbm>>) target_semaphore(%run_scoped3A : memref<!tpu.dma_semaphore, #tpu.memory_space<semaphore_mem>>)
      %dma_wait3A_133 = arith.constant 0 : i32
      %dma_wait3A_134 = tpu.memref_slice %arg4[%add3A_125, %dma_wait3A_133] : memref<32768x128xf32, #tpu.memory_space<hbm>> -> memref<128x128xf32, #tpu.memory_space<hbm>>
      %dma_wait3A_135 = arith.constant 0 : i32
      %dma_wait3A_136 = tpu.memref_slice %arg4[%add3A_125, %dma_wait3A_135] : memref<32768x128xf32, #tpu.memory_space<hbm>> -> memref<128x128xf32, #tpu.memory_space<hbm>>
      tpu.wait_dma2 semaphore(%run_scoped3A : memref<!tpu.dma_semaphore, #tpu.memory_space<semaphore_mem>>) src(%arg6 : memref<128x128xf32, #tpu.memory_space<vmem>>) dst(%dma_wait3A_136 : memref<128x128xf32, #tpu.memory_space<hbm>>)
      tpu.yield
    }) : () -> ()
    return
  }
}

module attributes {stable_mosaic.version = 14 : i64} {
  func.func @_count_p0_kernel(%arg0: i32, %arg1: memref<1x1x256xi32, #tpu.memory_space<vmem>>, %arg2: memref<1x1x256xf32, #tpu.memory_space<vmem>>, %arg3: memref<256x1xi32, #tpu.memory_space<vmem>>, %arg4: memref<256x1xf32, #tpu.memory_space<vmem>>, %arg5: memref<256x1xf32, #tpu.memory_space<vmem>>) attributes {dimension_semantics = [#tpu.dimension_semantics<arbitrary>], iteration_bounds = array<i64: 128>, scalar_prefetch = 0 : i64, scratch_operands = 2 : i64, tpu.core_type = #tpu.core_type<tc>, window_params = [{transform_indices = @transform_0, window_bounds = array<i64: 1, 1, 256>}, {transform_indices = @transform_1, window_bounds = array<i64: 1, 1, 256>}, {pipeline_mode = #tpu.pipeline_mode<synchronous>, transform_indices = @transform_2, window_bounds = array<i64: 256, 1>}]} {
    %get3A = arith.constant 0 : index
    %get3A_0 = arith.constant 0 : index
    %get3A_1 = arith.constant 0 : index
    %get3A_2 = vector.load %arg1[%get3A, %get3A_0, %get3A_1] : memref<1x1x256xi32, #tpu.memory_space<vmem>>, vector<1x1x256xi32>
    %reshape3A = vector.shape_cast %get3A_2 : vector<1x1x256xi32> to vector<1x256xi32>
    %convert_element_type3A = arith.sitofp %reshape3A : vector<1x256xi32> to vector<1x256xf32>
    %iota3A = tpu.iota {dimensions = array<i32: 0>} : vector<256x256xi32>
    %convert_element_type3A_3 = arith.sitofp %iota3A : vector<256x256xi32> to vector<256x256xf32>
    %eq3A = vector.broadcast %convert_element_type3A : vector<1x256xf32> to vector<256x256xf32>
    %eq3A_4 = arith.cmpf oeq, %convert_element_type3A_3, %eq3A : vector<256x256xf32>
    %convert_element_type3A_5 = arith.extui %eq3A_4 : vector<256x256xi1> to vector<256x256xi32>
    %convert_element_type3A_6 = arith.sitofp %convert_element_type3A_5 : vector<256x256xi32> to vector<256x256xf32>
    %eq3A_7 = arith.constant 0 : i32
    %eq3A_8 = arith.cmpi eq, %arg0, %eq3A_7 : i32
    %convert_element_type3A_9 = arith.extui %eq3A_8 : i1 to i32
    %cond3A = arith.constant 0 : i32
    %cond3A_10 = arith.cmpi ne, %convert_element_type3A_9, %cond3A : i32
    scf.if %cond3A_10 {
      %broadcast_in_dim3A_60 = arith.constant 0.000000e+00 : f32
      %broadcast_in_dim3A_61 = vector.broadcast %broadcast_in_dim3A_60 : f32 to vector<256x1xf32>
      %swap3A_62 = arith.constant 0 : index
      %swap3A_63 = arith.constant 0 : index
      %swap3A_64 = vector.load %arg4[%swap3A_62, %swap3A_63] : memref<256x1xf32, #tpu.memory_space<vmem>>, vector<256x1xf32>
      tpu.vector_store %arg4[%swap3A_62, %swap3A_63], %broadcast_in_dim3A_61 {strides = array<i32>} : memref<256x1xf32, #tpu.memory_space<vmem>>, vector<256x1xf32>,
      %broadcast_in_dim3A_65 = arith.constant 0.000000e+00 : f32
      %broadcast_in_dim3A_66 = vector.broadcast %broadcast_in_dim3A_65 : f32 to vector<256x1xf32>
      %swap3A_67 = arith.constant 0 : index
      %swap3A_68 = arith.constant 0 : index
      %swap3A_69 = vector.load %arg5[%swap3A_67, %swap3A_68] : memref<256x1xf32, #tpu.memory_space<vmem>>, vector<256x1xf32>
      tpu.vector_store %arg5[%swap3A_67, %swap3A_68], %broadcast_in_dim3A_66 {strides = array<i32>} : memref<256x1xf32, #tpu.memory_space<vmem>>, vector<256x1xf32>,
    } else {
    }
    %iota3A_11 = tpu.iota {dimensions = array<i32: 0>} : vector<256x256xi32>
    %iota3A_12 = tpu.iota {dimensions = array<i32: 1>} : vector<256x256xi32>
    %lt3A = arith.cmpi slt, %iota3A_11, %iota3A_12 : vector<256x256xi32>
    %convert_element_type3A_13 = arith.extui %lt3A : vector<256x256xi1> to vector<256x256xi32>
    %convert_element_type3A_14 = arith.sitofp %convert_element_type3A_13 : vector<256x256xi32> to vector<256x256xf32>
    %convert_element_type3A_15 = arith.truncf %convert_element_type3A_14 : vector<256x256xf32> to vector<256x256xbf16>
    %convert_element_type3A_16 = arith.truncf %convert_element_type3A_6 : vector<256x256xf32> to vector<256x256xbf16>
    %dot_general3A = arith.constant dense<0.000000e+00> : vector<256x256xf32>
    %dot_general3A_17 = tpu.matmul %convert_element_type3A_16, %convert_element_type3A_15, %dot_general3A {dimension_numbers = #tpu.dot_dimension_numbers<[1], [0], [0], [1], [0, 0, 1, 1], [], []>, transpose_lhs_hint = false} : vector<256x256xbf16>, vector<256x256xbf16>, vector<256x256xf32> -> vector<256x256xf32>
    %mul3A = arith.mulf %convert_element_type3A_6, %dot_general3A_17 : vector<256x256xf32>
    %reduce_sum3A = arith.constant dense<0.000000e+00> : vector<256xf32>
    %reduce_sum3A_18 = vector.multi_reduction <add>, %mul3A, %reduce_sum3A [0] : vector<256x256xf32> to vector<256xf32>
    %broadcast_in_dim3A = vector.shape_cast %reduce_sum3A_18 : vector<256xf32> to vector<1x256xf32>
    %get3A_19 = arith.constant 0 : index
    %get3A_20 = arith.constant 0 : index
    %get3A_21 = vector.load %arg4[%get3A_19, %get3A_20] : memref<256x1xf32, #tpu.memory_space<vmem>>, vector<256x1xf32>
    %mul3A_22 = vector.broadcast %get3A_21 : vector<256x1xf32> to vector<256x256xf32>
    %mul3A_23 = arith.mulf %convert_element_type3A_6, %mul3A_22 : vector<256x256xf32>
    %reduce_sum3A_24 = arith.constant dense<0.000000e+00> : vector<256xf32>
    %reduce_sum3A_25 = vector.multi_reduction <add>, %mul3A_23, %reduce_sum3A_24 [0] : vector<256x256xf32> to vector<256xf32>
    %broadcast_in_dim3A_26 = vector.shape_cast %reduce_sum3A_25 : vector<256xf32> to vector<1x256xf32>
    %add3A = arith.addf %broadcast_in_dim3A, %broadcast_in_dim3A_26 : vector<1x256xf32>
    %reshape3A_27 = vector.shape_cast %add3A : vector<1x256xf32> to vector<1x1x256xf32>
    %swap3A = arith.constant 0 : index
    %swap3A_28 = arith.constant 0 : index
    %swap3A_29 = arith.constant 0 : index
    %swap3A_30 = vector.load %arg2[%swap3A, %swap3A_28, %swap3A_29] : memref<1x1x256xf32, #tpu.memory_space<vmem>>, vector<1x1x256xf32>
    tpu.vector_store %arg2[%swap3A, %swap3A_28, %swap3A_29], %reshape3A_27 {strides = array<i32>} : memref<1x1x256xf32, #tpu.memory_space<vmem>>, vector<1x1x256xf32>,
    %get3A_31 = arith.constant 0 : index
    %get3A_32 = arith.constant 0 : index
    %get3A_33 = vector.load %arg4[%get3A_31, %get3A_32] : memref<256x1xf32, #tpu.memory_space<vmem>>, vector<256x1xf32>
    %reduce_sum3A_34 = arith.constant dense<0.000000e+00> : vector<256xf32>
    %reduce_sum3A_35 = vector.multi_reduction <add>, %convert_element_type3A_6, %reduce_sum3A_34 [1] : vector<256x256xf32> to vector<256xf32>
    %broadcast_in_dim3A_36 = vector.shape_cast %reduce_sum3A_35 : vector<256xf32> to vector<256x1xf32>
    %add3A_37 = arith.addf %get3A_33, %broadcast_in_dim3A_36 : vector<256x1xf32>
    %swap3A_38 = arith.constant 0 : index
    %swap3A_39 = arith.constant 0 : index
    %swap3A_40 = vector.load %arg4[%swap3A_38, %swap3A_39] : memref<256x1xf32, #tpu.memory_space<vmem>>, vector<256x1xf32>
    tpu.vector_store %arg4[%swap3A_38, %swap3A_39], %add3A_37 {strides = array<i32>} : memref<256x1xf32, #tpu.memory_space<vmem>>, vector<256x1xf32>,
    %get3A_41 = arith.constant 0 : index
    %get3A_42 = arith.constant 0 : index
    %get3A_43 = vector.load %arg5[%get3A_41, %get3A_42] : memref<256x1xf32, #tpu.memory_space<vmem>>, vector<256x1xf32>
    %lt3A_44 = vector.broadcast %convert_element_type3A : vector<1x256xf32> to vector<256x256xf32>
    %lt3A_45 = arith.cmpf olt, %lt3A_44, %convert_element_type3A_3 : vector<256x256xf32>
    %convert_element_type3A_46 = arith.extui %lt3A_45 : vector<256x256xi1> to vector<256x256xi32>
    %convert_element_type3A_47 = arith.sitofp %convert_element_type3A_46 : vector<256x256xi32> to vector<256x256xf32>
    %reduce_sum3A_48 = arith.constant dense<0.000000e+00> : vector<256xf32>
    %reduce_sum3A_49 = vector.multi_reduction <add>, %convert_element_type3A_47, %reduce_sum3A_48 [1] : vector<256x256xf32> to vector<256xf32>
    %broadcast_in_dim3A_50 = vector.shape_cast %reduce_sum3A_49 : vector<256xf32> to vector<256x1xf32>
    %add3A_51 = arith.addf %get3A_43, %broadcast_in_dim3A_50 : vector<256x1xf32>
    %swap3A_52 = arith.constant 0 : index
    %swap3A_53 = arith.constant 0 : index
    %swap3A_54 = vector.load %arg5[%swap3A_52, %swap3A_53] : memref<256x1xf32, #tpu.memory_space<vmem>>, vector<256x1xf32>
    tpu.vector_store %arg5[%swap3A_52, %swap3A_53], %add3A_51 {strides = array<i32>} : memref<256x1xf32, #tpu.memory_space<vmem>>, vector<256x1xf32>,
    %eq3A_55 = arith.constant 127 : i32
    %eq3A_56 = arith.cmpi eq, %arg0, %eq3A_55 : i32
    %convert_element_type3A_57 = arith.extui %eq3A_56 : i1 to i32
    %cond3A_58 = arith.constant 0 : i32
    %cond3A_59 = arith.cmpi ne, %convert_element_type3A_57, %cond3A_58 : i32
    scf.if %cond3A_59 {
      %get3A_60 = arith.constant 0 : index
      %get3A_61 = arith.constant 0 : index
      %get3A_62 = vector.load %arg5[%get3A_60, %get3A_61] : memref<256x1xf32, #tpu.memory_space<vmem>>, vector<256x1xf32>
      %add3A_63 = arith.constant 5.000000e-01 : f32
      %add3A_64 = vector.broadcast %add3A_63 : f32 to vector<256x1xf32>
      %add3A_65 = arith.addf %get3A_62, %add3A_64 : vector<256x1xf32>
      %convert_element_type3A_66 = arith.fptosi %add3A_65 : vector<256x1xf32> to vector<256x1xi32>
      %swap3A_67 = arith.constant 0 : index
      %swap3A_68 = arith.constant 0 : index
      %swap3A_69 = vector.load %arg3[%swap3A_67, %swap3A_68] : memref<256x1xi32, #tpu.memory_space<vmem>>, vector<256x1xi32>
      tpu.vector_store %arg3[%swap3A_67, %swap3A_68], %convert_element_type3A_66 {strides = array<i32>} : memref<256x1xi32, #tpu.memory_space<vmem>>, vector<256x1xi32>,
    } else {
    }
    return
  }
  func.func @transform_0(%arg0: i32) -> (i32, i32, i32) {
    %c0_i32 = arith.constant 0 : i32
    %c0_i32_0 = arith.constant 0 : i32
    %c0_i32_1 = arith.constant 0 : i32
    return %arg0, %c0_i32, %c0_i32_0 : i32, i32, i32
  }
  func.func @transform_1(%arg0: i32) -> (i32, i32, i32) {
    %c0_i32 = arith.constant 0 : i32
    %c0_i32_0 = arith.constant 0 : i32
    %c0_i32_1 = arith.constant 0 : i32
    return %arg0, %c0_i32, %c0_i32_0 : i32, i32, i32
  }
  func.func @transform_2(%arg0: i32) -> (i32, i32) {
    %c0_i32 = arith.constant 0 : i32
    %c0_i32_0 = arith.constant 0 : i32
    %c0_i32_1 = arith.constant 0 : i32
    return %c0_i32, %c0_i32_0 : i32, i32
  }
}

module attributes {stable_mosaic.version = 14 : i64} {
  func.func @_count_p1_kernel(%arg0: i32, %arg1: memref<1x1x256xi32, #tpu.memory_space<vmem>>, %arg2: memref<1x1x256xf32, #tpu.memory_space<vmem>>, %arg3: memref<256x1xi32, #tpu.memory_space<vmem>>, %arg4: memref<1x1x256xi32, #tpu.memory_space<vmem>>, %arg5: memref<1x1x256xi32, #tpu.memory_space<vmem>>) attributes {dimension_semantics = [#tpu.dimension_semantics<arbitrary>], iteration_bounds = array<i64: 128>, scalar_prefetch = 0 : i64, scratch_operands = 0 : i64, tpu.core_type = #tpu.core_type<tc>, window_params = [{transform_indices = @transform_0, window_bounds = array<i64: 1, 1, 256>}, {transform_indices = @transform_1, window_bounds = array<i64: 1, 1, 256>}, {pipeline_mode = #tpu.pipeline_mode<synchronous>, transform_indices = @transform_2, window_bounds = array<i64: 256, 1>}, {transform_indices = @transform_3, window_bounds = array<i64: 1, 1, 256>}, {transform_indices = @transform_4, window_bounds = array<i64: 1, 1, 256>}]} {
    %get3A = arith.constant 0 : index
    %get3A_0 = arith.constant 0 : index
    %get3A_1 = arith.constant 0 : index
    %get3A_2 = vector.load %arg1[%get3A, %get3A_0, %get3A_1] : memref<1x1x256xi32, #tpu.memory_space<vmem>>, vector<1x1x256xi32>
    %reshape3A = vector.shape_cast %get3A_2 : vector<1x1x256xi32> to vector<1x256xi32>
    %convert_element_type3A = arith.sitofp %reshape3A : vector<1x256xi32> to vector<1x256xf32>
    %iota3A = tpu.iota {dimensions = array<i32: 0>} : vector<256x256xi32>
    %convert_element_type3A_3 = arith.sitofp %iota3A : vector<256x256xi32> to vector<256x256xf32>
    %eq3A = vector.broadcast %convert_element_type3A : vector<1x256xf32> to vector<256x256xf32>
    %eq3A_4 = arith.cmpf oeq, %convert_element_type3A_3, %eq3A : vector<256x256xf32>
    %convert_element_type3A_5 = arith.extui %eq3A_4 : vector<256x256xi1> to vector<256x256xi32>
    %convert_element_type3A_6 = arith.sitofp %convert_element_type3A_5 : vector<256x256xi32> to vector<256x256xf32>
    %get3A_7 = arith.constant 0 : index
    %get3A_8 = arith.constant 0 : index
    %get3A_9 = vector.load %arg3[%get3A_7, %get3A_8] : memref<256x1xi32, #tpu.memory_space<vmem>>, vector<256x1xi32>
    %convert_element_type3A_10 = arith.sitofp %get3A_9 : vector<256x1xi32> to vector<256x1xf32>
    %mul3A = vector.broadcast %convert_element_type3A_10 : vector<256x1xf32> to vector<256x256xf32>
    %mul3A_11 = arith.mulf %convert_element_type3A_6, %mul3A : vector<256x256xf32>
    %reduce_sum3A = arith.constant dense<0.000000e+00> : vector<256xf32>
    %reduce_sum3A_12 = vector.multi_reduction <add>, %mul3A_11, %reduce_sum3A [0] : vector<256x256xf32> to vector<256xf32>
    %broadcast_in_dim3A = vector.shape_cast %reduce_sum3A_12 : vector<256xf32> to vector<1x256xf32>
    %get3A_13 = arith.constant 0 : index
    %get3A_14 = arith.constant 0 : index
    %get3A_15 = arith.constant 0 : index
    %get3A_16 = vector.load %arg2[%get3A_13, %get3A_14, %get3A_15] : memref<1x1x256xf32, #tpu.memory_space<vmem>>, vector<1x1x256xf32>
    %reshape3A_17 = vector.shape_cast %get3A_16 : vector<1x1x256xf32> to vector<1x256xf32>
    %add3A = arith.addf %reshape3A_17, %broadcast_in_dim3A : vector<1x256xf32>
    %add3A_18 = arith.constant 5.000000e-01 : f32
    %add3A_19 = vector.broadcast %add3A_18 : f32 to vector<1x256xf32>
    %add3A_20 = arith.addf %add3A, %add3A_19 : vector<1x256xf32>
    %convert_element_type3A_21 = arith.fptosi %add3A_20 : vector<1x256xf32> to vector<1x256xi32>
    %reshape3A_22 = vector.shape_cast %convert_element_type3A_21 : vector<1x256xi32> to vector<1x1x256xi32>
    %swap3A = arith.constant 0 : index
    %swap3A_23 = arith.constant 0 : index
    %swap3A_24 = arith.constant 0 : index
    %swap3A_25 = vector.load %arg4[%swap3A, %swap3A_23, %swap3A_24] : memref<1x1x256xi32, #tpu.memory_space<vmem>>, vector<1x1x256xi32>
    tpu.vector_store %arg4[%swap3A, %swap3A_23, %swap3A_24], %reshape3A_22 {strides = array<i32>} : memref<1x1x256xi32, #tpu.memory_space<vmem>>, vector<1x1x256xi32>,
    %mul3A_26 = arith.constant 256 : i32
    %mul3A_27 = arith.muli %arg0, %mul3A_26 : i32
    %iota3A_28 = tpu.iota {dimensions = array<i32: 1>} : vector<1x256xi32>
    %add3A_29 = vector.broadcast %mul3A_27 : i32 to vector<1x256xi32>
    %add3A_30 = arith.addi %add3A_29, %iota3A_28 : vector<1x256xi32>
    %get3A_31 = arith.constant 0 : index
    %get3A_32 = arith.constant 0 : index
    %get3A_33 = vector.load %arg3[%get3A_31, %get3A_32] : memref<256x1xi32, #tpu.memory_space<vmem>>, vector<256x1xi32>
    %le3A = vector.broadcast %get3A_33 : vector<256x1xi32> to vector<256x256xi32>
    %le3A_34 = vector.broadcast %add3A_30 : vector<1x256xi32> to vector<256x256xi32>
    %le3A_35 = arith.cmpi sle, %le3A, %le3A_34 : vector<256x256xi32>
    %convert_element_type3A_36 = arith.extui %le3A_35 : vector<256x256xi1> to vector<256x256xi32>
    %convert_element_type3A_37 = arith.sitofp %convert_element_type3A_36 : vector<256x256xi32> to vector<256x256xf32>
    %reduce_sum3A_38 = arith.constant dense<0.000000e+00> : vector<256xf32>
    %reduce_sum3A_39 = vector.multi_reduction <add>, %convert_element_type3A_37, %reduce_sum3A_38 [0] : vector<256x256xf32> to vector<256xf32>
    %broadcast_in_dim3A_40 = vector.shape_cast %reduce_sum3A_39 : vector<256xf32> to vector<1x256xf32>
    %sub3A = arith.constant 1.000000e+00 : f32
    %sub3A_41 = vector.broadcast %sub3A : f32 to vector<1x256xf32>
    %sub3A_42 = arith.subf %broadcast_in_dim3A_40, %sub3A_41 : vector<1x256xf32>
    %add3A_43 = arith.constant 5.000000e-01 : f32
    %add3A_44 = vector.broadcast %add3A_43 : f32 to vector<1x256xf32>
    %add3A_45 = arith.addf %sub3A_42, %add3A_44 : vector<1x256xf32>
    %convert_element_type3A_46 = arith.fptosi %add3A_45 : vector<1x256xf32> to vector<1x256xi32>
    %reshape3A_47 = vector.shape_cast %convert_element_type3A_46 : vector<1x256xi32> to vector<1x1x256xi32>
    %swap3A_48 = arith.constant 0 : index
    %swap3A_49 = arith.constant 0 : index
    %swap3A_50 = arith.constant 0 : index
    %swap3A_51 = vector.load %arg5[%swap3A_48, %swap3A_49, %swap3A_50] : memref<1x1x256xi32, #tpu.memory_space<vmem>>, vector<1x1x256xi32>
    tpu.vector_store %arg5[%swap3A_48, %swap3A_49, %swap3A_50], %reshape3A_47 {strides = array<i32>} : memref<1x1x256xi32, #tpu.memory_space<vmem>>, vector<1x1x256xi32>,
    return
  }
  func.func @transform_0(%arg0: i32) -> (i32, i32, i32) {
    %c0_i32 = arith.constant 0 : i32
    %c0_i32_0 = arith.constant 0 : i32
    %c0_i32_1 = arith.constant 0 : i32
    return %arg0, %c0_i32, %c0_i32_0 : i32, i32, i32
  }
  func.func @transform_1(%arg0: i32) -> (i32, i32, i32) {
    %c0_i32 = arith.constant 0 : i32
    %c0_i32_0 = arith.constant 0 : i32
    %c0_i32_1 = arith.constant 0 : i32
    return %arg0, %c0_i32, %c0_i32_0 : i32, i32, i32
  }
  func.func @transform_2(%arg0: i32) -> (i32, i32) {
    %c0_i32 = arith.constant 0 : i32
    %c0_i32_0 = arith.constant 0 : i32
    %c0_i32_1 = arith.constant 0 : i32
    return %c0_i32, %c0_i32_0 : i32, i32
  }
  func.func @transform_3(%arg0: i32) -> (i32, i32, i32) {
    %c0_i32 = arith.constant 0 : i32
    %c0_i32_0 = arith.constant 0 : i32
    %c0_i32_1 = arith.constant 0 : i32
    return %arg0, %c0_i32, %c0_i32_0 : i32, i32, i32
  }
  func.func @transform_4(%arg0: i32) -> (i32, i32, i32) {
    %c0_i32 = arith.constant 0 : i32
    %c0_i32_0 = arith.constant 0 : i32
    %c0_i32_1 = arith.constant 0 : i32
    return %arg0, %c0_i32, %c0_i32_0 : i32, i32, i32
  }
}

module attributes {stable_mosaic.version = 14 : i64} {
  func.func @_tx_kernel(%arg0: i32, %arg1: memref<1xi32, #tpu.memory_space<smem>>, %arg2: memref<128xi32, #tpu.memory_space<smem>>, %arg3: memref<128xi32, #tpu.memory_space<smem>>, %arg4: memref<32768x128xf32, #tpu.memory_space<hbm>>, %arg5: memref<256x128xf32, #tpu.memory_space<vmem>>, %arg6: memref<128x1x256xi32, #tpu.memory_space<vmem>>, %arg7: memref<128x384xf32, #tpu.memory_space<vmem>>, %arg8: memref<1x384xf32, #tpu.memory_space<vmem>>, %arg9: memref<128x128xf32, #tpu.memory_space<vmem>>, %arg10: memref<1x128xf32, #tpu.memory_space<vmem>>, %arg11: memref<1x128xf32, #tpu.memory_space<vmem>>, %arg12: memref<1x128xf32, #tpu.memory_space<vmem>>, %arg13: memref<1x128xf32, #tpu.memory_space<vmem>>, %arg14: memref<1x128xf32, #tpu.memory_space<vmem>>, %arg15: memref<128x256xf32, #tpu.memory_space<vmem>>, %arg16: memref<1x256xf32, #tpu.memory_space<vmem>>, %arg17: memref<256x128xf32, #tpu.memory_space<vmem>>, %arg18: memref<1x128xf32, #tpu.memory_space<vmem>>, %arg19: memref<1x128xf32, #tpu.memory_space<vmem>>, %arg20: memref<1x128xf32, #tpu.memory_space<vmem>>, %arg21: memref<256x128xf32, #tpu.memory_space<vmem>>, %arg22: memref<3x256x128xf32, #tpu.memory_space<vmem>>, %arg23: memref<3x!tpu.dma_semaphore, #tpu.memory_space<semaphore_mem>>) attributes {dimension_semantics = [#tpu.dimension_semantics<arbitrary>], iteration_bounds = array<i64: 128>, scalar_prefetch = 0 : i64, scratch_operands = 2 : i64, tpu.core_type = #tpu.core_type<tc>, window_params = [{transform_indices = @transform_0, window_bounds = array<i64: 1>}, {transform_indices = @transform_1, window_bounds = array<i64: 128>}, {transform_indices = @transform_2, window_bounds = array<i64: 128>}, {}, {transform_indices = @transform_4, window_bounds = array<i64: 256, 128>}, {pipeline_mode = #tpu.pipeline_mode<synchronous>, transform_indices = @transform_5, window_bounds = array<i64: 128, 1, 256>}, {pipeline_mode = #tpu.pipeline_mode<synchronous>, transform_indices = @transform_6, window_bounds = array<i64: 128, 384>}, {pipeline_mode = #tpu.pipeline_mode<synchronous>, transform_indices = @transform_7, window_bounds = array<i64: 1, 384>}, {pipeline_mode = #tpu.pipeline_mode<synchronous>, transform_indices = @transform_8, window_bounds = array<i64: 128, 128>}, {pipeline_mode = #tpu.pipeline_mode<synchronous>, transform_indices = @transform_9, window_bounds = array<i64: 1, 128>}, {pipeline_mode = #tpu.pipeline_mode<synchronous>, transform_indices = @transform_10, window_bounds = array<i64: 1, 128>}, {pipeline_mode = #tpu.pipeline_mode<synchronous>, transform_indices = @transform_11, window_bounds = array<i64: 1, 128>}, {pipeline_mode = #tpu.pipeline_mode<synchronous>, transform_indices = @transform_12, window_bounds = array<i64: 1, 128>}, {pipeline_mode = #tpu.pipeline_mode<synchronous>, transform_indices = @transform_13, window_bounds = array<i64: 1, 128>}, {pipeline_mode = #tpu.pipeline_mode<synchronous>, transform_indices = @transform_14, window_bounds = array<i64: 128, 256>}, {pipeline_mode = #tpu.pipeline_mode<synchronous>, transform_indices = @transform_15, window_bounds = array<i64: 1, 256>}, {pipeline_mode = #tpu.pipeline_mode<synchronous>, transform_indices = @transform_16, window_bounds = array<i64: 256, 128>}, {pipeline_mode = #tpu.pipeline_mode<synchronous>, transform_indices = @transform_17, window_bounds = array<i64: 1, 128>}, {pipeline_mode = #tpu.pipeline_mode<synchronous>, transform_indices = @transform_18, window_bounds = array<i64: 1, 128>}, {pipeline_mode = #tpu.pipeline_mode<synchronous>, transform_indices = @transform_19, window_bounds = array<i64: 1, 128>}, {transform_indices = @transform_20, window_bounds = array<i64: 256, 128>}]} {
    %get3A = arith.constant 0 : index
    %get3A_0 = memref.load %arg1[%get3A] : memref<1xi32, #tpu.memory_space<smem>>
    %mul3A = arith.constant 256 : i32
    %mul3A_1 = arith.muli %arg0, %mul3A : i32
    %ge3A = arith.cmpi sge, %mul3A_1, %get3A_0 : i32
    %convert_element_type3A = arith.extui %ge3A : i1 to i32
    %cond3A = arith.constant 0 : i32
    %cond3A_2 = arith.cmpi ne, %convert_element_type3A, %cond3A : i32
    scf.if %cond3A_2 {
      %broadcast_in_dim3A = arith.constant 0.000000e+00 : f32
      %broadcast_in_dim3A_6 = vector.broadcast %broadcast_in_dim3A : f32 to vector<256x128xf32>
      %swap3A = arith.constant 0 : index
      %swap3A_7 = arith.constant 0 : index
      %swap3A_8 = vector.load %arg21[%swap3A, %swap3A_7] : memref<256x128xf32, #tpu.memory_space<vmem>>, vector<256x128xf32>
      tpu.vector_store %arg21[%swap3A, %swap3A_7], %broadcast_in_dim3A_6 {strides = array<i32>} : memref<256x128xf32, #tpu.memory_space<vmem>>, vector<256x128xf32>,
    } else {
    }
    %lt3A = arith.cmpi slt, %mul3A_1, %get3A_0 : i32
    %convert_element_type3A_3 = arith.extui %lt3A : i1 to i32
    %cond3A_4 = arith.constant 0 : i32
    %cond3A_5 = arith.cmpi ne, %convert_element_type3A_3, %cond3A_4 : i32
    scf.if %cond3A_5 {
      %get3A_6 = arith.index_cast %arg0 : i32 to index
      %get3A_7 = memref.load %arg2[%get3A_6] : memref<128xi32, #tpu.memory_space<smem>>
      %get3A_8 = arith.index_cast %arg0 : i32 to index
      %get3A_9 = memref.load %arg3[%get3A_8] : memref<128xi32, #tpu.memory_space<smem>>
      %sub3A = arith.subi %get3A_9, %get3A_7 : i32
      %gt3A = arith.constant 0 : i32
      %gt3A_10 = arith.cmpi sgt, %sub3A, %gt3A : i32
      %convert_element_type3A_11 = arith.extui %gt3A_10 : i1 to i32
      %cond3A_12 = arith.constant 0 : i32
      %cond3A_13 = arith.cmpi ne, %convert_element_type3A_11, %cond3A_12 : i32
      scf.if %cond3A_13 {
        %rem3A = arith.constant 0 : i32
        %rem3A_277 = arith.constant 3 : i32
        %rem3A_278 = arith.remsi %rem3A, %rem3A_277 : i32
        %add3A_279 = arith.constant 0 : i32
        %add3A_280 = arith.addi %get3A_7, %add3A_279 : i32
        %ge3A_281 = arith.cmpi sge, %add3A_280, %arg0 : i32
        %convert_element_type3A_282 = arith.extui %ge3A_281 : i1 to i32
        %add3A_283 = arith.addi %add3A_280, %convert_element_type3A_282 : i32
        %mul3A_284 = arith.constant 256 : i32
        %mul3A_285 = arith.muli %add3A_283, %mul3A_284 : i32
        %dma_start3A = tpu.memref_slice %arg23[%rem3A_278] : memref<3x!tpu.dma_semaphore, #tpu.memory_space<semaphore_mem>> -> memref<1x!tpu.dma_semaphore, #tpu.memory_space<semaphore_mem>>
        %dma_start3A_286 = tpu.memref_squeeze %dma_start3A : memref<1x!tpu.dma_semaphore, #tpu.memory_space<semaphore_mem>> -> memref<!tpu.dma_semaphore, #tpu.memory_space<semaphore_mem>>
        %dma_start3A_287 = arith.constant 0 : i32
        %dma_start3A_288 = arith.constant 0 : i32
        %dma_start3A_289 = tpu.memref_slice %arg22[%rem3A_278, %dma_start3A_287, %dma_start3A_288] : memref<3x256x128xf32, #tpu.memory_space<vmem>> -> memref<1x256x128xf32, #tpu.memory_space<vmem>>
        %dma_start3A_290 = tpu.memref_squeeze %dma_start3A_289 : memref<1x256x128xf32, #tpu.memory_space<vmem>> -> memref<256x128xf32, #tpu.memory_space<vmem>>
        %dma_start3A_291 = arith.constant 0 : i32
        %dma_start3A_292 = tpu.memref_slice %arg4[%mul3A_285, %dma_start3A_291] : memref<32768x128xf32, #tpu.memory_space<hbm>> -> memref<256x128xf32, #tpu.memory_space<hbm>>
        tpu.enqueue_dma source(%dma_start3A_292 : memref<256x128xf32, #tpu.memory_space<hbm>>) target(%dma_start3A_290 : memref<256x128xf32, #tpu.memory_space<vmem>>) target_semaphore(%dma_start3A_286 : memref<!tpu.dma_semaphore, #tpu.memory_space<semaphore_mem>>)
      } else {
      }
      %gt3A_14 = arith.constant 1 : i32
      %gt3A_15 = arith.cmpi sgt, %sub3A, %gt3A_14 : i32
      %convert_element_type3A_16 = arith.extui %gt3A_15 : i1 to i32
      %cond3A_17 = arith.constant 0 : i32
      %cond3A_18 = arith.cmpi ne, %convert_element_type3A_16, %cond3A_17 : i32
      scf.if %cond3A_18 {
        %rem3A = arith.constant 1 : i32
        %rem3A_277 = arith.constant 3 : i32
        %rem3A_278 = arith.remsi %rem3A, %rem3A_277 : i32
        %add3A_279 = arith.constant 1 : i32
        %add3A_280 = arith.addi %get3A_7, %add3A_279 : i32
        %ge3A_281 = arith.cmpi sge, %add3A_280, %arg0 : i32
        %convert_element_type3A_282 = arith.extui %ge3A_281 : i1 to i32
        %add3A_283 = arith.addi %add3A_280, %convert_element_type3A_282 : i32
        %mul3A_284 = arith.constant 256 : i32
        %mul3A_285 = arith.muli %add3A_283, %mul3A_284 : i32
        %dma_start3A = tpu.memref_slice %arg23[%rem3A_278] : memref<3x!tpu.dma_semaphore, #tpu.memory_space<semaphore_mem>> -> memref<1x!tpu.dma_semaphore, #tpu.memory_space<semaphore_mem>>
        %dma_start3A_286 = tpu.memref_squeeze %dma_start3A : memref<1x!tpu.dma_semaphore, #tpu.memory_space<semaphore_mem>> -> memref<!tpu.dma_semaphore, #tpu.memory_space<semaphore_mem>>
        %dma_start3A_287 = arith.constant 0 : i32
        %dma_start3A_288 = arith.constant 0 : i32
        %dma_start3A_289 = tpu.memref_slice %arg22[%rem3A_278, %dma_start3A_287, %dma_start3A_288] : memref<3x256x128xf32, #tpu.memory_space<vmem>> -> memref<1x256x128xf32, #tpu.memory_space<vmem>>
        %dma_start3A_290 = tpu.memref_squeeze %dma_start3A_289 : memref<1x256x128xf32, #tpu.memory_space<vmem>> -> memref<256x128xf32, #tpu.memory_space<vmem>>
        %dma_start3A_291 = arith.constant 0 : i32
        %dma_start3A_292 = tpu.memref_slice %arg4[%mul3A_285, %dma_start3A_291] : memref<32768x128xf32, #tpu.memory_space<hbm>> -> memref<256x128xf32, #tpu.memory_space<hbm>>
        tpu.enqueue_dma source(%dma_start3A_292 : memref<256x128xf32, #tpu.memory_space<hbm>>) target(%dma_start3A_290 : memref<256x128xf32, #tpu.memory_space<vmem>>) target_semaphore(%dma_start3A_286 : memref<!tpu.dma_semaphore, #tpu.memory_space<semaphore_mem>>)
      } else {
      }
      %get3A_19 = arith.constant 0 : index
      %get3A_20 = arith.constant 0 : index
      %get3A_21 = vector.load %arg11[%get3A_19, %get3A_20] : memref<1x128xf32, #tpu.memory_space<vmem>>, vector<1x128xf32>
      %get3A_22 = arith.constant 0 : index
      %get3A_23 = arith.constant 0 : index
      %get3A_24 = vector.load %arg12[%get3A_22, %get3A_23] : memref<1x128xf32, #tpu.memory_space<vmem>>, vector<1x128xf32>
      %get3A_25 = arith.constant 0 : index
      %get3A_26 = arith.constant 0 : index
      %get3A_27 = vector.load %arg7[%get3A_25, %get3A_26] : memref<128x384xf32, #tpu.memory_space<vmem>>, vector<128x384xf32>
      %get3A_28 = arith.constant 0 : index
      %get3A_29 = arith.constant 0 : index
      %get3A_30 = vector.load %arg8[%get3A_28, %get3A_29] : memref<1x384xf32, #tpu.memory_space<vmem>>, vector<1x384xf32>
      %pow3A = arith.constant 3.200000e+01 : f32
      %pow3A_31 = arith.constant 5.000000e-01 : f32
      %pow3A_32 = math.powf %pow3A, %pow3A_31 : f32
      %div3A = arith.constant 1.000000e+00 : f32
      %div3A_33 = arith.divf %div3A, %pow3A_32 : f32
      %get3A_34 = arith.constant 0 : index
      %get3A_35 = arith.constant 0 : index
      %get3A_36 = vector.load %arg5[%get3A_34, %get3A_35] : memref<256x128xf32, #tpu.memory_space<vmem>>, vector<256x128xf32>
      %reduce_sum3A = arith.constant dense<0.000000e+00> : vector<256xf32>
      %reduce_sum3A_37 = vector.multi_reduction <add>, %get3A_36, %reduce_sum3A [1] : vector<256x128xf32> to vector<256xf32>
      %broadcast_in_dim3A = vector.shape_cast %reduce_sum3A_37 : vector<256xf32> to vector<256x1xf32>
      %div3A_38 = arith.constant 1.280000e+02 : f32
      %div3A_39 = vector.broadcast %div3A_38 : f32 to vector<256x1xf32>
      %div3A_40 = arith.divf %broadcast_in_dim3A, %div3A_39 : vector<256x1xf32>
      %sub3A_41 = vector.broadcast %div3A_40 : vector<256x1xf32> to vector<256x128xf32>
      %sub3A_42 = arith.subf %get3A_36, %sub3A_41 : vector<256x128xf32>
      %mul3A_43 = arith.mulf %sub3A_42, %sub3A_42 : vector<256x128xf32>
      %reduce_sum3A_44 = arith.constant dense<0.000000e+00> : vector<256xf32>
      %reduce_sum3A_45 = vector.multi_reduction <add>, %mul3A_43, %reduce_sum3A_44 [1] : vector<256x128xf32> to vector<256xf32>
      %broadcast_in_dim3A_46 = vector.shape_cast %reduce_sum3A_45 : vector<256xf32> to vector<256x1xf32>
      %div3A_47 = arith.constant 1.280000e+02 : f32
      %div3A_48 = vector.broadcast %div3A_47 : f32 to vector<256x1xf32>
      %div3A_49 = arith.divf %broadcast_in_dim3A_46, %div3A_48 : vector<256x1xf32>
      %add3A = arith.constant 9.99999974E-6 : f32
      %add3A_50 = vector.broadcast %add3A : f32 to vector<256x1xf32>
      %add3A_51 = arith.addf %div3A_49, %add3A_50 : vector<256x1xf32>
      %rsqrt3A = math.rsqrt %add3A_51 : vector<256x1xf32>
      %mul3A_52 = vector.broadcast %rsqrt3A : vector<256x1xf32> to vector<256x128xf32>
      %mul3A_53 = arith.mulf %sub3A_42, %mul3A_52 : vector<256x128xf32>
      %mul3A_54 = vector.broadcast %get3A_21 : vector<1x128xf32> to vector<256x128xf32>
      %mul3A_55 = arith.mulf %mul3A_53, %mul3A_54 : vector<256x128xf32>
      %add3A_56 = vector.broadcast %get3A_24 : vector<1x128xf32> to vector<256x128xf32>
      %add3A_57 = arith.addf %mul3A_55, %add3A_56 : vector<256x128xf32>
      %dot_general3A = arith.constant dense<0.000000e+00> : vector<256x384xf32>
      %dot_general3A_58 = tpu.matmul %add3A_57, %get3A_27, %dot_general3A {dimension_numbers = #tpu.dot_dimension_numbers<[1], [0], [0], [1], [0, 0, 1, 1], [], []>, transpose_lhs_hint = false} : vector<256x128xf32>, vector<128x384xf32>, vector<256x384xf32> -> vector<256x384xf32>
      %add3A_59 = vector.broadcast %get3A_30 : vector<1x384xf32> to vector<256x384xf32>
      %add3A_60 = arith.addf %dot_general3A_58, %add3A_59 : vector<256x384xf32>
      %slice3A = vector.extract_strided_slice %add3A_60 {offsets = [0, 0], sizes = [256, 128], strides = [1, 1]} : vector<256x384xf32> to vector<256x128xf32>
      %mul3A_61 = vector.broadcast %div3A_33 : f32 to vector<256x128xf32>
      %mul3A_62 = arith.mulf %slice3A, %mul3A_61 : vector<256x128xf32>
      %slice3A_63 = vector.extract_strided_slice %add3A_60 {offsets = [0, 128], sizes = [256, 128], strides = [1, 1]} : vector<256x384xf32> to vector<256x128xf32>
      %slice3A_64 = vector.extract_strided_slice %add3A_60 {offsets = [0, 256], sizes = [256, 128], strides = [1, 1]} : vector<256x384xf32> to vector<256x128xf32>
      %get3A_65 = arith.index_cast %arg0 : i32 to index
      %get3A_66 = arith.constant 0 : index
      %get3A_67 = arith.constant 0 : index
      %get3A_68 = vector.load %arg6[%get3A_65, %get3A_66, %get3A_67] : memref<128x1x256xi32, #tpu.memory_space<vmem>>, vector<1x1x256xi32>
      %get3A_69 = vector.shape_cast %get3A_68 : vector<1x1x256xi32> to vector<1x256xi32>
      %convert_element_type3A_70 = arith.sitofp %get3A_69 : vector<1x256xi32> to vector<1x256xf32>
      %iota3A = tpu.iota {dimensions = array<i32: 0>} : vector<256x256xi32>
      %iota3A_71 = tpu.iota {dimensions = array<i32: 1>} : vector<256x256xi32>
      %eq3A = arith.cmpi eq, %iota3A, %iota3A_71 : vector<256x256xi32>
      %convert_element_type3A_72 = arith.extui %eq3A : vector<256x256xi1> to vector<256x256xi32>
      %convert_element_type3A_73 = arith.sitofp %convert_element_type3A_72 : vector<256x256xi32> to vector<256x256xf32>
      %dot_general3A_74 = arith.constant dense<0.000000e+00> : vector<256x1xf32>
      %dot_general3A_75 = tpu.matmul %convert_element_type3A_73, %convert_element_type3A_70, %dot_general3A_74 {dimension_numbers = #tpu.dot_dimension_numbers<[1], [1], [0], [0], [0, 0, 1, 0], [], []>, transpose_lhs_hint = false} : vector<256x256xf32>, vector<1x256xf32>, vector<256x1xf32> -> vector<256x1xf32>
      %eq3A_76 = vector.broadcast %dot_general3A_75 : vector<256x1xf32> to vector<256x256xf32>
      %eq3A_77 = vector.broadcast %convert_element_type3A_70 : vector<1x256xf32> to vector<256x256xf32>
      %eq3A_78 = arith.cmpf oeq, %eq3A_76, %eq3A_77 : vector<256x256xf32>
      %slice3A_79 = vector.extract_strided_slice %mul3A_62 {offsets = [0, 0], sizes = [256, 32], strides = [1, 1]} : vector<256x128xf32> to vector<256x32xf32>
      %slice3A_80 = vector.extract_strided_slice %slice3A_63 {offsets = [0, 0], sizes = [256, 32], strides = [1, 1]} : vector<256x128xf32> to vector<256x32xf32>
      %slice3A_81 = vector.extract_strided_slice %slice3A_64 {offsets = [0, 0], sizes = [256, 32], strides = [1, 1]} : vector<256x128xf32> to vector<256x32xf32>
      %dot_general3A_82 = arith.constant dense<0.000000e+00> : vector<256x256xf32>
      %dot_general3A_83 = tpu.matmul %slice3A_79, %slice3A_80, %dot_general3A_82 {dimension_numbers = #tpu.dot_dimension_numbers<[1], [1], [0], [0], [0, 0, 1, 0], [], []>, transpose_lhs_hint = false} : vector<256x32xf32>, vector<256x32xf32>, vector<256x256xf32> -> vector<256x256xf32>
      %jit3A = arith.constant -1.000000e+09 : f32
      %broadcast_in_dim3A_84 = vector.broadcast %jit3A : f32 to vector<256x256xf32>
      %select_n3A = arith.select %eq3A_78, %dot_general3A_83, %broadcast_in_dim3A_84 : vector<256x256xi1>, vector<256x256xf32>
      %reduce_max3A = arith.constant dense<0xFF800000> : vector<256xf32>
      %reduce_max3A_85 = vector.multi_reduction <maximumf>, %select_n3A, %reduce_max3A [1] : vector<256x256xf32> to vector<256xf32>
      %broadcast_in_dim3A_86 = vector.shape_cast %reduce_max3A_85 : vector<256xf32> to vector<256x1xf32>
      %sub3A_87 = vector.broadcast %broadcast_in_dim3A_86 : vector<256x1xf32> to vector<256x256xf32>
      %sub3A_88 = arith.subf %select_n3A, %sub3A_87 : vector<256x256xf32>
      %exp3A = math.exp %sub3A_88 : vector<256x256xf32>
      %reduce_sum3A_89 = arith.constant dense<0.000000e+00> : vector<256xf32>
      %reduce_sum3A_90 = vector.multi_reduction <add>, %exp3A, %reduce_sum3A_89 [1] : vector<256x256xf32> to vector<256xf32>
      %broadcast_in_dim3A_91 = vector.shape_cast %reduce_sum3A_90 : vector<256xf32> to vector<256x1xf32>
      %dot_general3A_92 = arith.constant dense<0.000000e+00> : vector<256x32xf32>
      %dot_general3A_93 = tpu.matmul %exp3A, %slice3A_81, %dot_general3A_92 {dimension_numbers = #tpu.dot_dimension_numbers<[1], [0], [0], [1], [0, 0, 1, 1], [], []>, transpose_lhs_hint = false} : vector<256x256xf32>, vector<256x32xf32>, vector<256x32xf32> -> vector<256x32xf32>
      %slice3A_94 = vector.extract_strided_slice %mul3A_62 {offsets = [0, 32], sizes = [256, 32], strides = [1, 1]} : vector<256x128xf32> to vector<256x32xf32>
      %slice3A_95 = vector.extract_strided_slice %slice3A_63 {offsets = [0, 32], sizes = [256, 32], strides = [1, 1]} : vector<256x128xf32> to vector<256x32xf32>
      %slice3A_96 = vector.extract_strided_slice %slice3A_64 {offsets = [0, 32], sizes = [256, 32], strides = [1, 1]} : vector<256x128xf32> to vector<256x32xf32>
      %dot_general3A_97 = arith.constant dense<0.000000e+00> : vector<256x256xf32>
      %dot_general3A_98 = tpu.matmul %slice3A_94, %slice3A_95, %dot_general3A_97 {dimension_numbers = #tpu.dot_dimension_numbers<[1], [1], [0], [0], [0, 0, 1, 0], [], []>, transpose_lhs_hint = false} : vector<256x32xf32>, vector<256x32xf32>, vector<256x256xf32> -> vector<256x256xf32>
      %jit3A_99 = arith.constant -1.000000e+09 : f32
      %broadcast_in_dim3A_100 = vector.broadcast %jit3A_99 : f32 to vector<256x256xf32>
      %select_n3A_101 = arith.select %eq3A_78, %dot_general3A_98, %broadcast_in_dim3A_100 : vector<256x256xi1>, vector<256x256xf32>
      %reduce_max3A_102 = arith.constant dense<0xFF800000> : vector<256xf32>
      %reduce_max3A_103 = vector.multi_reduction <maximumf>, %select_n3A_101, %reduce_max3A_102 [1] : vector<256x256xf32> to vector<256xf32>
      %broadcast_in_dim3A_104 = vector.shape_cast %reduce_max3A_103 : vector<256xf32> to vector<256x1xf32>
      %sub3A_105 = vector.broadcast %broadcast_in_dim3A_104 : vector<256x1xf32> to vector<256x256xf32>
      %sub3A_106 = arith.subf %select_n3A_101, %sub3A_105 : vector<256x256xf32>
      %exp3A_107 = math.exp %sub3A_106 : vector<256x256xf32>
      %reduce_sum3A_108 = arith.constant dense<0.000000e+00> : vector<256xf32>
      %reduce_sum3A_109 = vector.multi_reduction <add>, %exp3A_107, %reduce_sum3A_108 [1] : vector<256x256xf32> to vector<256xf32>
      %broadcast_in_dim3A_110 = vector.shape_cast %reduce_sum3A_109 : vector<256xf32> to vector<256x1xf32>
      %dot_general3A_111 = arith.constant dense<0.000000e+00> : vector<256x32xf32>
      %dot_general3A_112 = tpu.matmul %exp3A_107, %slice3A_96, %dot_general3A_111 {dimension_numbers = #tpu.dot_dimension_numbers<[1], [0], [0], [1], [0, 0, 1, 1], [], []>, transpose_lhs_hint = false} : vector<256x256xf32>, vector<256x32xf32>, vector<256x32xf32> -> vector<256x32xf32>
      %slice3A_113 = vector.extract_strided_slice %mul3A_62 {offsets = [0, 64], sizes = [256, 32], strides = [1, 1]} : vector<256x128xf32> to vector<256x32xf32>
      %slice3A_114 = vector.extract_strided_slice %slice3A_63 {offsets = [0, 64], sizes = [256, 32], strides = [1, 1]} : vector<256x128xf32> to vector<256x32xf32>
      %slice3A_115 = vector.extract_strided_slice %slice3A_64 {offsets = [0, 64], sizes = [256, 32], strides = [1, 1]} : vector<256x128xf32> to vector<256x32xf32>
      %dot_general3A_116 = arith.constant dense<0.000000e+00> : vector<256x256xf32>
      %dot_general3A_117 = tpu.matmul %slice3A_113, %slice3A_114, %dot_general3A_116 {dimension_numbers = #tpu.dot_dimension_numbers<[1], [1], [0], [0], [0, 0, 1, 0], [], []>, transpose_lhs_hint = false} : vector<256x32xf32>, vector<256x32xf32>, vector<256x256xf32> -> vector<256x256xf32>
      %jit3A_118 = arith.constant -1.000000e+09 : f32
      %broadcast_in_dim3A_119 = vector.broadcast %jit3A_118 : f32 to vector<256x256xf32>
      %select_n3A_120 = arith.select %eq3A_78, %dot_general3A_117, %broadcast_in_dim3A_119 : vector<256x256xi1>, vector<256x256xf32>
      %reduce_max3A_121 = arith.constant dense<0xFF800000> : vector<256xf32>
      %reduce_max3A_122 = vector.multi_reduction <maximumf>, %select_n3A_120, %reduce_max3A_121 [1] : vector<256x256xf32> to vector<256xf32>
      %broadcast_in_dim3A_123 = vector.shape_cast %reduce_max3A_122 : vector<256xf32> to vector<256x1xf32>
      %sub3A_124 = vector.broadcast %broadcast_in_dim3A_123 : vector<256x1xf32> to vector<256x256xf32>
      %sub3A_125 = arith.subf %select_n3A_120, %sub3A_124 : vector<256x256xf32>
      %exp3A_126 = math.exp %sub3A_125 : vector<256x256xf32>
      %reduce_sum3A_127 = arith.constant dense<0.000000e+00> : vector<256xf32>
      %reduce_sum3A_128 = vector.multi_reduction <add>, %exp3A_126, %reduce_sum3A_127 [1] : vector<256x256xf32> to vector<256xf32>
      %broadcast_in_dim3A_129 = vector.shape_cast %reduce_sum3A_128 : vector<256xf32> to vector<256x1xf32>
      %dot_general3A_130 = arith.constant dense<0.000000e+00> : vector<256x32xf32>
      %dot_general3A_131 = tpu.matmul %exp3A_126, %slice3A_115, %dot_general3A_130 {dimension_numbers = #tpu.dot_dimension_numbers<[1], [0], [0], [1], [0, 0, 1, 1], [], []>, transpose_lhs_hint = false} : vector<256x256xf32>, vector<256x32xf32>, vector<256x32xf32> -> vector<256x32xf32>
      %slice3A_132 = vector.extract_strided_slice %mul3A_62 {offsets = [0, 96], sizes = [256, 32], strides = [1, 1]} : vector<256x128xf32> to vector<256x32xf32>
      %slice3A_133 = vector.extract_strided_slice %slice3A_63 {offsets = [0, 96], sizes = [256, 32], strides = [1, 1]} : vector<256x128xf32> to vector<256x32xf32>
      %slice3A_134 = vector.extract_strided_slice %slice3A_64 {offsets = [0, 96], sizes = [256, 32], strides = [1, 1]} : vector<256x128xf32> to vector<256x32xf32>
      %dot_general3A_135 = arith.constant dense<0.000000e+00> : vector<256x256xf32>
      %dot_general3A_136 = tpu.matmul %slice3A_132, %slice3A_133, %dot_general3A_135 {dimension_numbers = #tpu.dot_dimension_numbers<[1], [1], [0], [0], [0, 0, 1, 0], [], []>, transpose_lhs_hint = false} : vector<256x32xf32>, vector<256x32xf32>, vector<256x256xf32> -> vector<256x256xf32>
      %jit3A_137 = arith.constant -1.000000e+09 : f32
      %broadcast_in_dim3A_138 = vector.broadcast %jit3A_137 : f32 to vector<256x256xf32>
      %select_n3A_139 = arith.select %eq3A_78, %dot_general3A_136, %broadcast_in_dim3A_138 : vector<256x256xi1>, vector<256x256xf32>
      %reduce_max3A_140 = arith.constant dense<0xFF800000> : vector<256xf32>
      %reduce_max3A_141 = vector.multi_reduction <maximumf>, %select_n3A_139, %reduce_max3A_140 [1] : vector<256x256xf32> to vector<256xf32>
      %broadcast_in_dim3A_142 = vector.shape_cast %reduce_max3A_141 : vector<256xf32> to vector<256x1xf32>
      %sub3A_143 = vector.broadcast %broadcast_in_dim3A_142 : vector<256x1xf32> to vector<256x256xf32>
      %sub3A_144 = arith.subf %select_n3A_139, %sub3A_143 : vector<256x256xf32>
      %exp3A_145 = math.exp %sub3A_144 : vector<256x256xf32>
      %reduce_sum3A_146 = arith.constant dense<0.000000e+00> : vector<256xf32>
      %reduce_sum3A_147 = vector.multi_reduction <add>, %exp3A_145, %reduce_sum3A_146 [1] : vector<256x256xf32> to vector<256xf32>
      %broadcast_in_dim3A_148 = vector.shape_cast %reduce_sum3A_147 : vector<256xf32> to vector<256x1xf32>
      %dot_general3A_149 = arith.constant dense<0.000000e+00> : vector<256x32xf32>
      %dot_general3A_150 = tpu.matmul %exp3A_145, %slice3A_134, %dot_general3A_149 {dimension_numbers = #tpu.dot_dimension_numbers<[1], [0], [0], [1], [0, 0, 1, 1], [], []>, transpose_lhs_hint = false} : vector<256x256xf32>, vector<256x32xf32>, vector<256x32xf32> -> vector<256x32xf32>
      %while3A = arith.constant 0 : i32
      %while3A_151 = arith.subi %sub3A, %while3A : i32
      %while3A_152 = arith.addi %while3A, %while3A_151 : i32
      %while3A_153 = arith.constant 1 : i32
      %while3A_154 = arith.divsi %while3A_151, %while3A_153 : i32
      %while3A_155 = arith.muli %while3A_154, %while3A_153 : i32
      %while3A_156 = arith.addi %while3A, %while3A_155 : i32
      %while3A_157 = arith.constant 1 : i32
      %while3A_158:12 = scf.for %while3A_277 = %while3A to %while3A_156 step %while3A_157 iter_args(%while3A_278 = %broadcast_in_dim3A_86, %while3A_279 = %broadcast_in_dim3A_91, %while3A_280 = %dot_general3A_93, %while3A_281 = %broadcast_in_dim3A_104, %while3A_282 = %broadcast_in_dim3A_110, %while3A_283 = %dot_general3A_112, %while3A_284 = %broadcast_in_dim3A_123, %while3A_285 = %broadcast_in_dim3A_129, %while3A_286 = %dot_general3A_131, %while3A_287 = %broadcast_in_dim3A_142, %while3A_288 = %broadcast_in_dim3A_148, %while3A_289 = %dot_general3A_150) -> (vector<256x1xf32>, vector<256x1xf32>, vector<256x32xf32>, vector<256x1xf32>, vector<256x1xf32>, vector<256x32xf32>, vector<256x1xf32>, vector<256x1xf32>, vector<256x32xf32>, vector<256x1xf32>, vector<256x1xf32>, vector<256x32xf32>)  : i32 {
        %rem3A = arith.constant 3 : i32
        %rem3A_290 = arith.remsi %while3A_277, %rem3A : i32
        %add3A_291 = arith.addi %get3A_7, %while3A_277 : i32
        %ge3A_292 = arith.cmpi sge, %add3A_291, %arg0 : i32
        %convert_element_type3A_293 = arith.extui %ge3A_292 : i1 to i32
        %add3A_294 = arith.addi %add3A_291, %convert_element_type3A_293 : i32
        %add3A_295 = arith.constant 2 : i32
        %add3A_296 = arith.addi %while3A_277, %add3A_295 : i32
        %lt3A_297 = arith.cmpi slt, %add3A_296, %sub3A : i32
        %convert_element_type3A_298 = arith.extui %lt3A_297 : i1 to i32
        %cond3A_299 = arith.constant 0 : i32
        %cond3A_300 = arith.cmpi ne, %convert_element_type3A_298, %cond3A_299 : i32
        scf.if %cond3A_300 {
          %add3A_465 = arith.constant 2 : i32
          %add3A_466 = arith.addi %while3A_277, %add3A_465 : i32
          %rem3A_467 = arith.constant 3 : i32
          %rem3A_468 = arith.remsi %add3A_466, %rem3A_467 : i32
          %add3A_469 = arith.addi %get3A_7, %add3A_466 : i32
          %ge3A_470 = arith.cmpi sge, %add3A_469, %arg0 : i32
          %convert_element_type3A_471 = arith.extui %ge3A_470 : i1 to i32
          %add3A_472 = arith.addi %add3A_469, %convert_element_type3A_471 : i32
          %mul3A_473 = arith.constant 256 : i32
          %mul3A_474 = arith.muli %add3A_472, %mul3A_473 : i32
          %dma_start3A = tpu.memref_slice %arg23[%rem3A_468] : memref<3x!tpu.dma_semaphore, #tpu.memory_space<semaphore_mem>> -> memref<1x!tpu.dma_semaphore, #tpu.memory_space<semaphore_mem>>
          %dma_start3A_475 = tpu.memref_squeeze %dma_start3A : memref<1x!tpu.dma_semaphore, #tpu.memory_space<semaphore_mem>> -> memref<!tpu.dma_semaphore, #tpu.memory_space<semaphore_mem>>
          %dma_start3A_476 = arith.constant 0 : i32
          %dma_start3A_477 = arith.constant 0 : i32
          %dma_start3A_478 = tpu.memref_slice %arg22[%rem3A_468, %dma_start3A_476, %dma_start3A_477] : memref<3x256x128xf32, #tpu.memory_space<vmem>> -> memref<1x256x128xf32, #tpu.memory_space<vmem>>
          %dma_start3A_479 = tpu.memref_squeeze %dma_start3A_478 : memref<1x256x128xf32, #tpu.memory_space<vmem>> -> memref<256x128xf32, #tpu.memory_space<vmem>>
          %dma_start3A_480 = arith.constant 0 : i32
          %dma_start3A_481 = tpu.memref_slice %arg4[%mul3A_474, %dma_start3A_480] : memref<32768x128xf32, #tpu.memory_space<hbm>> -> memref<256x128xf32, #tpu.memory_space<hbm>>
          tpu.enqueue_dma source(%dma_start3A_481 : memref<256x128xf32, #tpu.memory_space<hbm>>) target(%dma_start3A_479 : memref<256x128xf32, #tpu.memory_space<vmem>>) target_semaphore(%dma_start3A_475 : memref<!tpu.dma_semaphore, #tpu.memory_space<semaphore_mem>>)
        } else {
        }
        %mul3A_301 = arith.constant 256 : i32
        %mul3A_302 = arith.muli %add3A_294, %mul3A_301 : i32
        %dma_wait3A = tpu.memref_slice %arg23[%rem3A_290] : memref<3x!tpu.dma_semaphore, #tpu.memory_space<semaphore_mem>> -> memref<1x!tpu.dma_semaphore, #tpu.memory_space<semaphore_mem>>
        %dma_wait3A_303 = tpu.memref_squeeze %dma_wait3A : memref<1x!tpu.dma_semaphore, #tpu.memory_space<semaphore_mem>> -> memref<!tpu.dma_semaphore, #tpu.memory_space<semaphore_mem>>
        %dma_wait3A_304 = arith.constant 0 : i32
        %dma_wait3A_305 = arith.constant 0 : i32
        %dma_wait3A_306 = tpu.memref_slice %arg22[%rem3A_290, %dma_wait3A_304, %dma_wait3A_305] : memref<3x256x128xf32, #tpu.memory_space<vmem>> -> memref<1x256x128xf32, #tpu.memory_space<vmem>>
        %dma_wait3A_307 = tpu.memref_squeeze %dma_wait3A_306 : memref<1x256x128xf32, #tpu.memory_space<vmem>> -> memref<256x128xf32, #tpu.memory_space<vmem>>
        %dma_wait3A_308 = arith.constant 0 : i32
        %dma_wait3A_309 = tpu.memref_slice %arg4[%mul3A_302, %dma_wait3A_308] : memref<32768x128xf32, #tpu.memory_space<hbm>> -> memref<256x128xf32, #tpu.memory_space<hbm>>
        tpu.wait_dma2 semaphore(%dma_wait3A_303 : memref<!tpu.dma_semaphore, #tpu.memory_space<semaphore_mem>>) src(%dma_wait3A_309 : memref<256x128xf32, #tpu.memory_space<hbm>>) dst(%dma_wait3A_307 : memref<256x128xf32, #tpu.memory_space<vmem>>)
        %get3A_310 = arith.index_cast %rem3A_290 : i32 to index
        %get3A_311 = arith.constant 0 : index
        %get3A_312 = arith.constant 0 : index
        %get3A_313 = vector.load %arg22[%get3A_310, %get3A_311, %get3A_312] : memref<3x256x128xf32, #tpu.memory_space<vmem>>, vector<1x256x128xf32>
        %get3A_314 = vector.shape_cast %get3A_313 : vector<1x256x128xf32> to vector<256x128xf32>
        %reduce_sum3A_315 = arith.constant dense<0.000000e+00> : vector<256xf32>
        %reduce_sum3A_316 = vector.multi_reduction <add>, %get3A_314, %reduce_sum3A_315 [1] : vector<256x128xf32> to vector<256xf32>
        %broadcast_in_dim3A_317 = vector.shape_cast %reduce_sum3A_316 : vector<256xf32> to vector<256x1xf32>
        %div3A_318 = arith.constant 1.280000e+02 : f32
        %div3A_319 = vector.broadcast %div3A_318 : f32 to vector<256x1xf32>
        %div3A_320 = arith.divf %broadcast_in_dim3A_317, %div3A_319 : vector<256x1xf32>
        %sub3A_321 = vector.broadcast %div3A_320 : vector<256x1xf32> to vector<256x128xf32>
        %sub3A_322 = arith.subf %get3A_314, %sub3A_321 : vector<256x128xf32>
        %mul3A_323 = arith.mulf %sub3A_322, %sub3A_322 : vector<256x128xf32>
        %reduce_sum3A_324 = arith.constant dense<0.000000e+00> : vector<256xf32>
        %reduce_sum3A_325 = vector.multi_reduction <add>, %mul3A_323, %reduce_sum3A_324 [1] : vector<256x128xf32> to vector<256xf32>
        %broadcast_in_dim3A_326 = vector.shape_cast %reduce_sum3A_325 : vector<256xf32> to vector<256x1xf32>
        %div3A_327 = arith.constant 1.280000e+02 : f32
        %div3A_328 = vector.broadcast %div3A_327 : f32 to vector<256x1xf32>
        %div3A_329 = arith.divf %broadcast_in_dim3A_326, %div3A_328 : vector<256x1xf32>
        %add3A_330 = arith.constant 9.99999974E-6 : f32
        %add3A_331 = vector.broadcast %add3A_330 : f32 to vector<256x1xf32>
        %add3A_332 = arith.addf %div3A_329, %add3A_331 : vector<256x1xf32>
        %rsqrt3A_333 = math.rsqrt %add3A_332 : vector<256x1xf32>
        %mul3A_334 = vector.broadcast %rsqrt3A_333 : vector<256x1xf32> to vector<256x128xf32>
        %mul3A_335 = arith.mulf %sub3A_322, %mul3A_334 : vector<256x128xf32>
        %mul3A_336 = vector.broadcast %get3A_21 : vector<1x128xf32> to vector<256x128xf32>
        %mul3A_337 = arith.mulf %mul3A_335, %mul3A_336 : vector<256x128xf32>
        %add3A_338 = vector.broadcast %get3A_24 : vector<1x128xf32> to vector<256x128xf32>
        %add3A_339 = arith.addf %mul3A_337, %add3A_338 : vector<256x128xf32>
        %slice3A_340 = vector.extract_strided_slice %get3A_27 {offsets = [0, 128], sizes = [128, 256], strides = [1, 1]} : vector<128x384xf32> to vector<128x256xf32>
        %dot_general3A_341 = arith.constant dense<0.000000e+00> : vector<256x256xf32>
        %dot_general3A_342 = tpu.matmul %add3A_339, %slice3A_340, %dot_general3A_341 {dimension_numbers = #tpu.dot_dimension_numbers<[1], [0], [0], [1], [0, 0, 1, 1], [], []>, transpose_lhs_hint = false} : vector<256x128xf32>, vector<128x256xf32>, vector<256x256xf32> -> vector<256x256xf32>
        %slice3A_343 = vector.extract_strided_slice %get3A_30 {offsets = [0, 128], sizes = [1, 256], strides = [1, 1]} : vector<1x384xf32> to vector<1x256xf32>
        %add3A_344 = vector.broadcast %slice3A_343 : vector<1x256xf32> to vector<256x256xf32>
        %add3A_345 = arith.addf %dot_general3A_342, %add3A_344 : vector<256x256xf32>
        %slice3A_346 = vector.extract_strided_slice %add3A_345 {offsets = [0, 0], sizes = [256, 128], strides = [1, 1]} : vector<256x256xf32> to vector<256x128xf32>
        %slice3A_347 = vector.extract_strided_slice %add3A_345 {offsets = [0, 128], sizes = [256, 128], strides = [1, 1]} : vector<256x256xf32> to vector<256x128xf32>
        %get3A_348 = arith.index_cast %add3A_294 : i32 to index
        %get3A_349 = arith.constant 0 : index
        %get3A_350 = arith.constant 0 : index
        %get3A_351 = vector.load %arg6[%get3A_348, %get3A_349, %get3A_350] : memref<128x1x256xi32, #tpu.memory_space<vmem>>, vector<1x1x256xi32>
        %get3A_352 = vector.shape_cast %get3A_351 : vector<1x1x256xi32> to vector<1x256xi32>
        %convert_element_type3A_353 = arith.sitofp %get3A_352 : vector<1x256xi32> to vector<1x256xf32>
        %eq3A_354 = vector.broadcast %dot_general3A_75 : vector<256x1xf32> to vector<256x256xf32>
        %eq3A_355 = vector.broadcast %convert_element_type3A_353 : vector<1x256xf32> to vector<256x256xf32>
        %eq3A_356 = arith.cmpf oeq, %eq3A_354, %eq3A_355 : vector<256x256xf32>
        %slice3A_357 = vector.extract_strided_slice %mul3A_62 {offsets = [0, 0], sizes = [256, 32], strides = [1, 1]} : vector<256x128xf32> to vector<256x32xf32>
        %slice3A_358 = vector.extract_strided_slice %slice3A_346 {offsets = [0, 0], sizes = [256, 32], strides = [1, 1]} : vector<256x128xf32> to vector<256x32xf32>
        %slice3A_359 = vector.extract_strided_slice %slice3A_347 {offsets = [0, 0], sizes = [256, 32], strides = [1, 1]} : vector<256x128xf32> to vector<256x32xf32>
        %dot_general3A_360 = arith.constant dense<0.000000e+00> : vector<256x256xf32>
        %dot_general3A_361 = tpu.matmul %slice3A_357, %slice3A_358, %dot_general3A_360 {dimension_numbers = #tpu.dot_dimension_numbers<[1], [1], [0], [0], [0, 0, 1, 0], [], []>, transpose_lhs_hint = false} : vector<256x32xf32>, vector<256x32xf32>, vector<256x256xf32> -> vector<256x256xf32>
        %jit3A_362 = arith.constant -1.000000e+09 : f32
        %broadcast_in_dim3A_363 = vector.broadcast %jit3A_362 : f32 to vector<256x256xf32>
        %select_n3A_364 = arith.select %eq3A_356, %dot_general3A_361, %broadcast_in_dim3A_363 : vector<256x256xi1>, vector<256x256xf32>
        %reduce_max3A_365 = arith.constant dense<0xFF800000> : vector<256xf32>
        %reduce_max3A_366 = vector.multi_reduction <maximumf>, %select_n3A_364, %reduce_max3A_365 [1] : vector<256x256xf32> to vector<256xf32>
        %broadcast_in_dim3A_367 = vector.shape_cast %reduce_max3A_366 : vector<256xf32> to vector<256x1xf32>
        %max3A_368 = arith.maximumf %while3A_278, %broadcast_in_dim3A_367 : vector<256x1xf32>
        %sub3A_369 = arith.subf %while3A_278, %max3A_368 : vector<256x1xf32>
        %exp3A_370 = math.exp %sub3A_369 : vector<256x1xf32>
        %sub3A_371 = vector.broadcast %max3A_368 : vector<256x1xf32> to vector<256x256xf32>
        %sub3A_372 = arith.subf %select_n3A_364, %sub3A_371 : vector<256x256xf32>
        %exp3A_373 = math.exp %sub3A_372 : vector<256x256xf32>
        %mul3A_374 = arith.mulf %while3A_279, %exp3A_370 : vector<256x1xf32>
        %reduce_sum3A_375 = arith.constant dense<0.000000e+00> : vector<256xf32>
        %reduce_sum3A_376 = vector.multi_reduction <add>, %exp3A_373, %reduce_sum3A_375 [1] : vector<256x256xf32> to vector<256xf32>
        %broadcast_in_dim3A_377 = vector.shape_cast %reduce_sum3A_376 : vector<256xf32> to vector<256x1xf32>
        %add3A_378 = arith.addf %mul3A_374, %broadcast_in_dim3A_377 : vector<256x1xf32>
        %mul3A_379 = vector.broadcast %exp3A_370 : vector<256x1xf32> to vector<256x32xf32>
        %mul3A_380 = arith.mulf %while3A_280, %mul3A_379 : vector<256x32xf32>
        %dot_general3A_381 = arith.constant dense<0.000000e+00> : vector<256x32xf32>
        %dot_general3A_382 = tpu.matmul %exp3A_373, %slice3A_359, %dot_general3A_381 {dimension_numbers = #tpu.dot_dimension_numbers<[1], [0], [0], [1], [0, 0, 1, 1], [], []>, transpose_lhs_hint = false} : vector<256x256xf32>, vector<256x32xf32>, vector<256x32xf32> -> vector<256x32xf32>
        %add3A_383 = arith.addf %mul3A_380, %dot_general3A_382 : vector<256x32xf32>
        %slice3A_384 = vector.extract_strided_slice %mul3A_62 {offsets = [0, 32], sizes = [256, 32], strides = [1, 1]} : vector<256x128xf32> to vector<256x32xf32>
        %slice3A_385 = vector.extract_strided_slice %slice3A_346 {offsets = [0, 32], sizes = [256, 32], strides = [1, 1]} : vector<256x128xf32> to vector<256x32xf32>
        %slice3A_386 = vector.extract_strided_slice %slice3A_347 {offsets = [0, 32], sizes = [256, 32], strides = [1, 1]} : vector<256x128xf32> to vector<256x32xf32>
        %dot_general3A_387 = arith.constant dense<0.000000e+00> : vector<256x256xf32>
        %dot_general3A_388 = tpu.matmul %slice3A_384, %slice3A_385, %dot_general3A_387 {dimension_numbers = #tpu.dot_dimension_numbers<[1], [1], [0], [0], [0, 0, 1, 0], [], []>, transpose_lhs_hint = false} : vector<256x32xf32>, vector<256x32xf32>, vector<256x256xf32> -> vector<256x256xf32>
        %jit3A_389 = arith.constant -1.000000e+09 : f32
        %broadcast_in_dim3A_390 = vector.broadcast %jit3A_389 : f32 to vector<256x256xf32>
        %select_n3A_391 = arith.select %eq3A_356, %dot_general3A_388, %broadcast_in_dim3A_390 : vector<256x256xi1>, vector<256x256xf32>
        %reduce_max3A_392 = arith.constant dense<0xFF800000> : vector<256xf32>
        %reduce_max3A_393 = vector.multi_reduction <maximumf>, %select_n3A_391, %reduce_max3A_392 [1] : vector<256x256xf32> to vector<256xf32>
        %broadcast_in_dim3A_394 = vector.shape_cast %reduce_max3A_393 : vector<256xf32> to vector<256x1xf32>
        %max3A_395 = arith.maximumf %while3A_281, %broadcast_in_dim3A_394 : vector<256x1xf32>
        %sub3A_396 = arith.subf %while3A_281, %max3A_395 : vector<256x1xf32>
        %exp3A_397 = math.exp %sub3A_396 : vector<256x1xf32>
        %sub3A_398 = vector.broadcast %max3A_395 : vector<256x1xf32> to vector<256x256xf32>
        %sub3A_399 = arith.subf %select_n3A_391, %sub3A_398 : vector<256x256xf32>
        %exp3A_400 = math.exp %sub3A_399 : vector<256x256xf32>
        %mul3A_401 = arith.mulf %while3A_282, %exp3A_397 : vector<256x1xf32>
        %reduce_sum3A_402 = arith.constant dense<0.000000e+00> : vector<256xf32>
        %reduce_sum3A_403 = vector.multi_reduction <add>, %exp3A_400, %reduce_sum3A_402 [1] : vector<256x256xf32> to vector<256xf32>
        %broadcast_in_dim3A_404 = vector.shape_cast %reduce_sum3A_403 : vector<256xf32> to vector<256x1xf32>
        %add3A_405 = arith.addf %mul3A_401, %broadcast_in_dim3A_404 : vector<256x1xf32>
        %mul3A_406 = vector.broadcast %exp3A_397 : vector<256x1xf32> to vector<256x32xf32>
        %mul3A_407 = arith.mulf %while3A_283, %mul3A_406 : vector<256x32xf32>
        %dot_general3A_408 = arith.constant dense<0.000000e+00> : vector<256x32xf32>
        %dot_general3A_409 = tpu.matmul %exp3A_400, %slice3A_386, %dot_general3A_408 {dimension_numbers = #tpu.dot_dimension_numbers<[1], [0], [0], [1], [0, 0, 1, 1], [], []>, transpose_lhs_hint = false} : vector<256x256xf32>, vector<256x32xf32>, vector<256x32xf32> -> vector<256x32xf32>
        %add3A_410 = arith.addf %mul3A_407, %dot_general3A_409 : vector<256x32xf32>
        %slice3A_411 = vector.extract_strided_slice %mul3A_62 {offsets = [0, 64], sizes = [256, 32], strides = [1, 1]} : vector<256x128xf32> to vector<256x32xf32>
        %slice3A_412 = vector.extract_strided_slice %slice3A_346 {offsets = [0, 64], sizes = [256, 32], strides = [1, 1]} : vector<256x128xf32> to vector<256x32xf32>
        %slice3A_413 = vector.extract_strided_slice %slice3A_347 {offsets = [0, 64], sizes = [256, 32], strides = [1, 1]} : vector<256x128xf32> to vector<256x32xf32>
        %dot_general3A_414 = arith.constant dense<0.000000e+00> : vector<256x256xf32>
        %dot_general3A_415 = tpu.matmul %slice3A_411, %slice3A_412, %dot_general3A_414 {dimension_numbers = #tpu.dot_dimension_numbers<[1], [1], [0], [0], [0, 0, 1, 0], [], []>, transpose_lhs_hint = false} : vector<256x32xf32>, vector<256x32xf32>, vector<256x256xf32> -> vector<256x256xf32>
        %jit3A_416 = arith.constant -1.000000e+09 : f32
        %broadcast_in_dim3A_417 = vector.broadcast %jit3A_416 : f32 to vector<256x256xf32>
        %select_n3A_418 = arith.select %eq3A_356, %dot_general3A_415, %broadcast_in_dim3A_417 : vector<256x256xi1>, vector<256x256xf32>
        %reduce_max3A_419 = arith.constant dense<0xFF800000> : vector<256xf32>
        %reduce_max3A_420 = vector.multi_reduction <maximumf>, %select_n3A_418, %reduce_max3A_419 [1] : vector<256x256xf32> to vector<256xf32>
        %broadcast_in_dim3A_421 = vector.shape_cast %reduce_max3A_420 : vector<256xf32> to vector<256x1xf32>
        %max3A_422 = arith.maximumf %while3A_284, %broadcast_in_dim3A_421 : vector<256x1xf32>
        %sub3A_423 = arith.subf %while3A_284, %max3A_422 : vector<256x1xf32>
        %exp3A_424 = math.exp %sub3A_423 : vector<256x1xf32>
        %sub3A_425 = vector.broadcast %max3A_422 : vector<256x1xf32> to vector<256x256xf32>
        %sub3A_426 = arith.subf %select_n3A_418, %sub3A_425 : vector<256x256xf32>
        %exp3A_427 = math.exp %sub3A_426 : vector<256x256xf32>
        %mul3A_428 = arith.mulf %while3A_285, %exp3A_424 : vector<256x1xf32>
        %reduce_sum3A_429 = arith.constant dense<0.000000e+00> : vector<256xf32>
        %reduce_sum3A_430 = vector.multi_reduction <add>, %exp3A_427, %reduce_sum3A_429 [1] : vector<256x256xf32> to vector<256xf32>
        %broadcast_in_dim3A_431 = vector.shape_cast %reduce_sum3A_430 : vector<256xf32> to vector<256x1xf32>
        %add3A_432 = arith.addf %mul3A_428, %broadcast_in_dim3A_431 : vector<256x1xf32>
        %mul3A_433 = vector.broadcast %exp3A_424 : vector<256x1xf32> to vector<256x32xf32>
        %mul3A_434 = arith.mulf %while3A_286, %mul3A_433 : vector<256x32xf32>
        %dot_general3A_435 = arith.constant dense<0.000000e+00> : vector<256x32xf32>
        %dot_general3A_436 = tpu.matmul %exp3A_427, %slice3A_413, %dot_general3A_435 {dimension_numbers = #tpu.dot_dimension_numbers<[1], [0], [0], [1], [0, 0, 1, 1], [], []>, transpose_lhs_hint = false} : vector<256x256xf32>, vector<256x32xf32>, vector<256x32xf32> -> vector<256x32xf32>
        %add3A_437 = arith.addf %mul3A_434, %dot_general3A_436 : vector<256x32xf32>
        %slice3A_438 = vector.extract_strided_slice %mul3A_62 {offsets = [0, 96], sizes = [256, 32], strides = [1, 1]} : vector<256x128xf32> to vector<256x32xf32>
        %slice3A_439 = vector.extract_strided_slice %slice3A_346 {offsets = [0, 96], sizes = [256, 32], strides = [1, 1]} : vector<256x128xf32> to vector<256x32xf32>
        %slice3A_440 = vector.extract_strided_slice %slice3A_347 {offsets = [0, 96], sizes = [256, 32], strides = [1, 1]} : vector<256x128xf32> to vector<256x32xf32>
        %dot_general3A_441 = arith.constant dense<0.000000e+00> : vector<256x256xf32>
        %dot_general3A_442 = tpu.matmul %slice3A_438, %slice3A_439, %dot_general3A_441 {dimension_numbers = #tpu.dot_dimension_numbers<[1], [1], [0], [0], [0, 0, 1, 0], [], []>, transpose_lhs_hint = false} : vector<256x32xf32>, vector<256x32xf32>, vector<256x256xf32> -> vector<256x256xf32>
        %jit3A_443 = arith.constant -1.000000e+09 : f32
        %broadcast_in_dim3A_444 = vector.broadcast %jit3A_443 : f32 to vector<256x256xf32>
        %select_n3A_445 = arith.select %eq3A_356, %dot_general3A_442, %broadcast_in_dim3A_444 : vector<256x256xi1>, vector<256x256xf32>
        %reduce_max3A_446 = arith.constant dense<0xFF800000> : vector<256xf32>
        %reduce_max3A_447 = vector.multi_reduction <maximumf>, %select_n3A_445, %reduce_max3A_446 [1] : vector<256x256xf32> to vector<256xf32>
        %broadcast_in_dim3A_448 = vector.shape_cast %reduce_max3A_447 : vector<256xf32> to vector<256x1xf32>
        %max3A_449 = arith.maximumf %while3A_287, %broadcast_in_dim3A_448 : vector<256x1xf32>
        %sub3A_450 = arith.subf %while3A_287, %max3A_449 : vector<256x1xf32>
        %exp3A_451 = math.exp %sub3A_450 : vector<256x1xf32>
        %sub3A_452 = vector.broadcast %max3A_449 : vector<256x1xf32> to vector<256x256xf32>
        %sub3A_453 = arith.subf %select_n3A_445, %sub3A_452 : vector<256x256xf32>
        %exp3A_454 = math.exp %sub3A_453 : vector<256x256xf32>
        %mul3A_455 = arith.mulf %while3A_288, %exp3A_451 : vector<256x1xf32>
        %reduce_sum3A_456 = arith.constant dense<0.000000e+00> : vector<256xf32>
        %reduce_sum3A_457 = vector.multi_reduction <add>, %exp3A_454, %reduce_sum3A_456 [1] : vector<256x256xf32> to vector<256xf32>
        %broadcast_in_dim3A_458 = vector.shape_cast %reduce_sum3A_457 : vector<256xf32> to vector<256x1xf32>
        %add3A_459 = arith.addf %mul3A_455, %broadcast_in_dim3A_458 : vector<256x1xf32>
        %mul3A_460 = vector.broadcast %exp3A_451 : vector<256x1xf32> to vector<256x32xf32>
        %mul3A_461 = arith.mulf %while3A_289, %mul3A_460 : vector<256x32xf32>
        %dot_general3A_462 = arith.constant dense<0.000000e+00> : vector<256x32xf32>
        %dot_general3A_463 = tpu.matmul %exp3A_454, %slice3A_440, %dot_general3A_462 {dimension_numbers = #tpu.dot_dimension_numbers<[1], [0], [0], [1], [0, 0, 1, 1], [], []>, transpose_lhs_hint = false} : vector<256x256xf32>, vector<256x32xf32>, vector<256x32xf32> -> vector<256x32xf32>
        %add3A_464 = arith.addf %mul3A_461, %dot_general3A_463 : vector<256x32xf32>
        scf.yield %max3A_368, %add3A_378, %add3A_383, %max3A_395, %add3A_405, %add3A_410, %max3A_422, %add3A_432, %add3A_437, %max3A_449, %add3A_459, %add3A_464 : vector<256x1xf32>, vector<256x1xf32>, vector<256x32xf32>, vector<256x1xf32>, vector<256x1xf32>, vector<256x32xf32>, vector<256x1xf32>, vector<256x1xf32>, vector<256x32xf32>, vector<256x1xf32>, vector<256x1xf32>, vector<256x32xf32>
      }
      %while3A_159 = arith.constant 1 : i32
      %while3A_160:12 = scf.for %while3A_277 = %while3A_156 to %while3A_152 step %while3A_159 iter_args(%while3A_278 = %while3A_158#0, %while3A_279 = %while3A_158#1, %while3A_280 = %while3A_158#2, %while3A_281 = %while3A_158#3, %while3A_282 = %while3A_158#4, %while3A_283 = %while3A_158#5, %while3A_284 = %while3A_158#6, %while3A_285 = %while3A_158#7, %while3A_286 = %while3A_158#8, %while3A_287 = %while3A_158#9, %while3A_288 = %while3A_158#10, %while3A_289 = %while3A_158#11) -> (vector<256x1xf32>, vector<256x1xf32>, vector<256x32xf32>, vector<256x1xf32>, vector<256x1xf32>, vector<256x32xf32>, vector<256x1xf32>, vector<256x1xf32>, vector<256x32xf32>, vector<256x1xf32>, vector<256x1xf32>, vector<256x32xf32>)  : i32 {
        %rem3A = arith.constant 3 : i32
        %rem3A_290 = arith.remsi %while3A_277, %rem3A : i32
        %add3A_291 = arith.addi %get3A_7, %while3A_277 : i32
        %ge3A_292 = arith.cmpi sge, %add3A_291, %arg0 : i32
        %convert_element_type3A_293 = arith.extui %ge3A_292 : i1 to i32
        %add3A_294 = arith.addi %add3A_291, %convert_element_type3A_293 : i32
        %add3A_295 = arith.constant 2 : i32
        %add3A_296 = arith.addi %while3A_277, %add3A_295 : i32
        %lt3A_297 = arith.cmpi slt, %add3A_296, %sub3A : i32
        %convert_element_type3A_298 = arith.extui %lt3A_297 : i1 to i32
        %cond3A_299 = arith.constant 0 : i32
        %cond3A_300 = arith.cmpi ne, %convert_element_type3A_298, %cond3A_299 : i32
        scf.if %cond3A_300 {
          %add3A_465 = arith.constant 2 : i32
          %add3A_466 = arith.addi %while3A_277, %add3A_465 : i32
          %rem3A_467 = arith.constant 3 : i32
          %rem3A_468 = arith.remsi %add3A_466, %rem3A_467 : i32
          %add3A_469 = arith.addi %get3A_7, %add3A_466 : i32
          %ge3A_470 = arith.cmpi sge, %add3A_469, %arg0 : i32
          %convert_element_type3A_471 = arith.extui %ge3A_470 : i1 to i32
          %add3A_472 = arith.addi %add3A_469, %convert_element_type3A_471 : i32
          %mul3A_473 = arith.constant 256 : i32
          %mul3A_474 = arith.muli %add3A_472, %mul3A_473 : i32
          %dma_start3A = tpu.memref_slice %arg23[%rem3A_468] : memref<3x!tpu.dma_semaphore, #tpu.memory_space<semaphore_mem>> -> memref<1x!tpu.dma_semaphore, #tpu.memory_space<semaphore_mem>>
          %dma_start3A_475 = tpu.memref_squeeze %dma_start3A : memref<1x!tpu.dma_semaphore, #tpu.memory_space<semaphore_mem>> -> memref<!tpu.dma_semaphore, #tpu.memory_space<semaphore_mem>>
          %dma_start3A_476 = arith.constant 0 : i32
          %dma_start3A_477 = arith.constant 0 : i32
          %dma_start3A_478 = tpu.memref_slice %arg22[%rem3A_468, %dma_start3A_476, %dma_start3A_477] : memref<3x256x128xf32, #tpu.memory_space<vmem>> -> memref<1x256x128xf32, #tpu.memory_space<vmem>>
          %dma_start3A_479 = tpu.memref_squeeze %dma_start3A_478 : memref<1x256x128xf32, #tpu.memory_space<vmem>> -> memref<256x128xf32, #tpu.memory_space<vmem>>
          %dma_start3A_480 = arith.constant 0 : i32
          %dma_start3A_481 = tpu.memref_slice %arg4[%mul3A_474, %dma_start3A_480] : memref<32768x128xf32, #tpu.memory_space<hbm>> -> memref<256x128xf32, #tpu.memory_space<hbm>>
          tpu.enqueue_dma source(%dma_start3A_481 : memref<256x128xf32, #tpu.memory_space<hbm>>) target(%dma_start3A_479 : memref<256x128xf32, #tpu.memory_space<vmem>>) target_semaphore(%dma_start3A_475 : memref<!tpu.dma_semaphore, #tpu.memory_space<semaphore_mem>>)
        } else {
        }
        %mul3A_301 = arith.constant 256 : i32
        %mul3A_302 = arith.muli %add3A_294, %mul3A_301 : i32
        %dma_wait3A = tpu.memref_slice %arg23[%rem3A_290] : memref<3x!tpu.dma_semaphore, #tpu.memory_space<semaphore_mem>> -> memref<1x!tpu.dma_semaphore, #tpu.memory_space<semaphore_mem>>
        %dma_wait3A_303 = tpu.memref_squeeze %dma_wait3A : memref<1x!tpu.dma_semaphore, #tpu.memory_space<semaphore_mem>> -> memref<!tpu.dma_semaphore, #tpu.memory_space<semaphore_mem>>
        %dma_wait3A_304 = arith.constant 0 : i32
        %dma_wait3A_305 = arith.constant 0 : i32
        %dma_wait3A_306 = tpu.memref_slice %arg22[%rem3A_290, %dma_wait3A_304, %dma_wait3A_305] : memref<3x256x128xf32, #tpu.memory_space<vmem>> -> memref<1x256x128xf32, #tpu.memory_space<vmem>>
        %dma_wait3A_307 = tpu.memref_squeeze %dma_wait3A_306 : memref<1x256x128xf32, #tpu.memory_space<vmem>> -> memref<256x128xf32, #tpu.memory_space<vmem>>
        %dma_wait3A_308 = arith.constant 0 : i32
        %dma_wait3A_309 = tpu.memref_slice %arg4[%mul3A_302, %dma_wait3A_308] : memref<32768x128xf32, #tpu.memory_space<hbm>> -> memref<256x128xf32, #tpu.memory_space<hbm>>
        tpu.wait_dma2 semaphore(%dma_wait3A_303 : memref<!tpu.dma_semaphore, #tpu.memory_space<semaphore_mem>>) src(%dma_wait3A_309 : memref<256x128xf32, #tpu.memory_space<hbm>>) dst(%dma_wait3A_307 : memref<256x128xf32, #tpu.memory_space<vmem>>)
        %get3A_310 = arith.index_cast %rem3A_290 : i32 to index
        %get3A_311 = arith.constant 0 : index
        %get3A_312 = arith.constant 0 : index
        %get3A_313 = vector.load %arg22[%get3A_310, %get3A_311, %get3A_312] : memref<3x256x128xf32, #tpu.memory_space<vmem>>, vector<1x256x128xf32>
        %get3A_314 = vector.shape_cast %get3A_313 : vector<1x256x128xf32> to vector<256x128xf32>
        %reduce_sum3A_315 = arith.constant dense<0.000000e+00> : vector<256xf32>
        %reduce_sum3A_316 = vector.multi_reduction <add>, %get3A_314, %reduce_sum3A_315 [1] : vector<256x128xf32> to vector<256xf32>
        %broadcast_in_dim3A_317 = vector.shape_cast %reduce_sum3A_316 : vector<256xf32> to vector<256x1xf32>
        %div3A_318 = arith.constant 1.280000e+02 : f32
        %div3A_319 = vector.broadcast %div3A_318 : f32 to vector<256x1xf32>
        %div3A_320 = arith.divf %broadcast_in_dim3A_317, %div3A_319 : vector<256x1xf32>
        %sub3A_321 = vector.broadcast %div3A_320 : vector<256x1xf32> to vector<256x128xf32>
        %sub3A_322 = arith.subf %get3A_314, %sub3A_321 : vector<256x128xf32>
        %mul3A_323 = arith.mulf %sub3A_322, %sub3A_322 : vector<256x128xf32>
        %reduce_sum3A_324 = arith.constant dense<0.000000e+00> : vector<256xf32>
        %reduce_sum3A_325 = vector.multi_reduction <add>, %mul3A_323, %reduce_sum3A_324 [1] : vector<256x128xf32> to vector<256xf32>
        %broadcast_in_dim3A_326 = vector.shape_cast %reduce_sum3A_325 : vector<256xf32> to vector<256x1xf32>
        %div3A_327 = arith.constant 1.280000e+02 : f32
        %div3A_328 = vector.broadcast %div3A_327 : f32 to vector<256x1xf32>
        %div3A_329 = arith.divf %broadcast_in_dim3A_326, %div3A_328 : vector<256x1xf32>
        %add3A_330 = arith.constant 9.99999974E-6 : f32
        %add3A_331 = vector.broadcast %add3A_330 : f32 to vector<256x1xf32>
        %add3A_332 = arith.addf %div3A_329, %add3A_331 : vector<256x1xf32>
        %rsqrt3A_333 = math.rsqrt %add3A_332 : vector<256x1xf32>
        %mul3A_334 = vector.broadcast %rsqrt3A_333 : vector<256x1xf32> to vector<256x128xf32>
        %mul3A_335 = arith.mulf %sub3A_322, %mul3A_334 : vector<256x128xf32>
        %mul3A_336 = vector.broadcast %get3A_21 : vector<1x128xf32> to vector<256x128xf32>
        %mul3A_337 = arith.mulf %mul3A_335, %mul3A_336 : vector<256x128xf32>
        %add3A_338 = vector.broadcast %get3A_24 : vector<1x128xf32> to vector<256x128xf32>
        %add3A_339 = arith.addf %mul3A_337, %add3A_338 : vector<256x128xf32>
        %slice3A_340 = vector.extract_strided_slice %get3A_27 {offsets = [0, 128], sizes = [128, 256], strides = [1, 1]} : vector<128x384xf32> to vector<128x256xf32>
        %dot_general3A_341 = arith.constant dense<0.000000e+00> : vector<256x256xf32>
        %dot_general3A_342 = tpu.matmul %add3A_339, %slice3A_340, %dot_general3A_341 {dimension_numbers = #tpu.dot_dimension_numbers<[1], [0], [0], [1], [0, 0, 1, 1], [], []>, transpose_lhs_hint = false} : vector<256x128xf32>, vector<128x256xf32>, vector<256x256xf32> -> vector<256x256xf32>
        %slice3A_343 = vector.extract_strided_slice %get3A_30 {offsets = [0, 128], sizes = [1, 256], strides = [1, 1]} : vector<1x384xf32> to vector<1x256xf32>
        %add3A_344 = vector.broadcast %slice3A_343 : vector<1x256xf32> to vector<256x256xf32>
        %add3A_345 = arith.addf %dot_general3A_342, %add3A_344 : vector<256x256xf32>
        %slice3A_346 = vector.extract_strided_slice %add3A_345 {offsets = [0, 0], sizes = [256, 128], strides = [1, 1]} : vector<256x256xf32> to vector<256x128xf32>
        %slice3A_347 = vector.extract_strided_slice %add3A_345 {offsets = [0, 128], sizes = [256, 128], strides = [1, 1]} : vector<256x256xf32> to vector<256x128xf32>
        %get3A_348 = arith.index_cast %add3A_294 : i32 to index
        %get3A_349 = arith.constant 0 : index
        %get3A_350 = arith.constant 0 : index
        %get3A_351 = vector.load %arg6[%get3A_348, %get3A_349, %get3A_350] : memref<128x1x256xi32, #tpu.memory_space<vmem>>, vector<1x1x256xi32>
        %get3A_352 = vector.shape_cast %get3A_351 : vector<1x1x256xi32> to vector<1x256xi32>
        %convert_element_type3A_353 = arith.sitofp %get3A_352 : vector<1x256xi32> to vector<1x256xf32>
        %eq3A_354 = vector.broadcast %dot_general3A_75 : vector<256x1xf32> to vector<256x256xf32>
        %eq3A_355 = vector.broadcast %convert_element_type3A_353 : vector<1x256xf32> to vector<256x256xf32>
        %eq3A_356 = arith.cmpf oeq, %eq3A_354, %eq3A_355 : vector<256x256xf32>
        %slice3A_357 = vector.extract_strided_slice %mul3A_62 {offsets = [0, 0], sizes = [256, 32], strides = [1, 1]} : vector<256x128xf32> to vector<256x32xf32>
        %slice3A_358 = vector.extract_strided_slice %slice3A_346 {offsets = [0, 0], sizes = [256, 32], strides = [1, 1]} : vector<256x128xf32> to vector<256x32xf32>
        %slice3A_359 = vector.extract_strided_slice %slice3A_347 {offsets = [0, 0], sizes = [256, 32], strides = [1, 1]} : vector<256x128xf32> to vector<256x32xf32>
        %dot_general3A_360 = arith.constant dense<0.000000e+00> : vector<256x256xf32>
        %dot_general3A_361 = tpu.matmul %slice3A_357, %slice3A_358, %dot_general3A_360 {dimension_numbers = #tpu.dot_dimension_numbers<[1], [1], [0], [0], [0, 0, 1, 0], [], []>, transpose_lhs_hint = false} : vector<256x32xf32>, vector<256x32xf32>, vector<256x256xf32> -> vector<256x256xf32>
        %jit3A_362 = arith.constant -1.000000e+09 : f32
        %broadcast_in_dim3A_363 = vector.broadcast %jit3A_362 : f32 to vector<256x256xf32>
        %select_n3A_364 = arith.select %eq3A_356, %dot_general3A_361, %broadcast_in_dim3A_363 : vector<256x256xi1>, vector<256x256xf32>
        %reduce_max3A_365 = arith.constant dense<0xFF800000> : vector<256xf32>
        %reduce_max3A_366 = vector.multi_reduction <maximumf>, %select_n3A_364, %reduce_max3A_365 [1] : vector<256x256xf32> to vector<256xf32>
        %broadcast_in_dim3A_367 = vector.shape_cast %reduce_max3A_366 : vector<256xf32> to vector<256x1xf32>
        %max3A_368 = arith.maximumf %while3A_278, %broadcast_in_dim3A_367 : vector<256x1xf32>
        %sub3A_369 = arith.subf %while3A_278, %max3A_368 : vector<256x1xf32>
        %exp3A_370 = math.exp %sub3A_369 : vector<256x1xf32>
        %sub3A_371 = vector.broadcast %max3A_368 : vector<256x1xf32> to vector<256x256xf32>
        %sub3A_372 = arith.subf %select_n3A_364, %sub3A_371 : vector<256x256xf32>
        %exp3A_373 = math.exp %sub3A_372 : vector<256x256xf32>
        %mul3A_374 = arith.mulf %while3A_279, %exp3A_370 : vector<256x1xf32>
        %reduce_sum3A_375 = arith.constant dense<0.000000e+00> : vector<256xf32>
        %reduce_sum3A_376 = vector.multi_reduction <add>, %exp3A_373, %reduce_sum3A_375 [1] : vector<256x256xf32> to vector<256xf32>
        %broadcast_in_dim3A_377 = vector.shape_cast %reduce_sum3A_376 : vector<256xf32> to vector<256x1xf32>
        %add3A_378 = arith.addf %mul3A_374, %broadcast_in_dim3A_377 : vector<256x1xf32>
        %mul3A_379 = vector.broadcast %exp3A_370 : vector<256x1xf32> to vector<256x32xf32>
        %mul3A_380 = arith.mulf %while3A_280, %mul3A_379 : vector<256x32xf32>
        %dot_general3A_381 = arith.constant dense<0.000000e+00> : vector<256x32xf32>
        %dot_general3A_382 = tpu.matmul %exp3A_373, %slice3A_359, %dot_general3A_381 {dimension_numbers = #tpu.dot_dimension_numbers<[1], [0], [0], [1], [0, 0, 1, 1], [], []>, transpose_lhs_hint = false} : vector<256x256xf32>, vector<256x32xf32>, vector<256x32xf32> -> vector<256x32xf32>
        %add3A_383 = arith.addf %mul3A_380, %dot_general3A_382 : vector<256x32xf32>
        %slice3A_384 = vector.extract_strided_slice %mul3A_62 {offsets = [0, 32], sizes = [256, 32], strides = [1, 1]} : vector<256x128xf32> to vector<256x32xf32>
        %slice3A_385 = vector.extract_strided_slice %slice3A_346 {offsets = [0, 32], sizes = [256, 32], strides = [1, 1]} : vector<256x128xf32> to vector<256x32xf32>
        %slice3A_386 = vector.extract_strided_slice %slice3A_347 {offsets = [0, 32], sizes = [256, 32], strides = [1, 1]} : vector<256x128xf32> to vector<256x32xf32>
        %dot_general3A_387 = arith.constant dense<0.000000e+00> : vector<256x256xf32>
        %dot_general3A_388 = tpu.matmul %slice3A_384, %slice3A_385, %dot_general3A_387 {dimension_numbers = #tpu.dot_dimension_numbers<[1], [1], [0], [0], [0, 0, 1, 0], [], []>, transpose_lhs_hint = false} : vector<256x32xf32>, vector<256x32xf32>, vector<256x256xf32> -> vector<256x256xf32>
        %jit3A_389 = arith.constant -1.000000e+09 : f32
        %broadcast_in_dim3A_390 = vector.broadcast %jit3A_389 : f32 to vector<256x256xf32>
        %select_n3A_391 = arith.select %eq3A_356, %dot_general3A_388, %broadcast_in_dim3A_390 : vector<256x256xi1>, vector<256x256xf32>
        %reduce_max3A_392 = arith.constant dense<0xFF800000> : vector<256xf32>
        %reduce_max3A_393 = vector.multi_reduction <maximumf>, %select_n3A_391, %reduce_max3A_392 [1] : vector<256x256xf32> to vector<256xf32>
        %broadcast_in_dim3A_394 = vector.shape_cast %reduce_max3A_393 : vector<256xf32> to vector<256x1xf32>
        %max3A_395 = arith.maximumf %while3A_281, %broadcast_in_dim3A_394 : vector<256x1xf32>
        %sub3A_396 = arith.subf %while3A_281, %max3A_395 : vector<256x1xf32>
        %exp3A_397 = math.exp %sub3A_396 : vector<256x1xf32>
        %sub3A_398 = vector.broadcast %max3A_395 : vector<256x1xf32> to vector<256x256xf32>
        %sub3A_399 = arith.subf %select_n3A_391, %sub3A_398 : vector<256x256xf32>
        %exp3A_400 = math.exp %sub3A_399 : vector<256x256xf32>
        %mul3A_401 = arith.mulf %while3A_282, %exp3A_397 : vector<256x1xf32>
        %reduce_sum3A_402 = arith.constant dense<0.000000e+00> : vector<256xf32>
        %reduce_sum3A_403 = vector.multi_reduction <add>, %exp3A_400, %reduce_sum3A_402 [1] : vector<256x256xf32> to vector<256xf32>
        %broadcast_in_dim3A_404 = vector.shape_cast %reduce_sum3A_403 : vector<256xf32> to vector<256x1xf32>
        %add3A_405 = arith.addf %mul3A_401, %broadcast_in_dim3A_404 : vector<256x1xf32>
        %mul3A_406 = vector.broadcast %exp3A_397 : vector<256x1xf32> to vector<256x32xf32>
        %mul3A_407 = arith.mulf %while3A_283, %mul3A_406 : vector<256x32xf32>
        %dot_general3A_408 = arith.constant dense<0.000000e+00> : vector<256x32xf32>
        %dot_general3A_409 = tpu.matmul %exp3A_400, %slice3A_386, %dot_general3A_408 {dimension_numbers = #tpu.dot_dimension_numbers<[1], [0], [0], [1], [0, 0, 1, 1], [], []>, transpose_lhs_hint = false} : vector<256x256xf32>, vector<256x32xf32>, vector<256x32xf32> -> vector<256x32xf32>
        %add3A_410 = arith.addf %mul3A_407, %dot_general3A_409 : vector<256x32xf32>
        %slice3A_411 = vector.extract_strided_slice %mul3A_62 {offsets = [0, 64], sizes = [256, 32], strides = [1, 1]} : vector<256x128xf32> to vector<256x32xf32>
        %slice3A_412 = vector.extract_strided_slice %slice3A_346 {offsets = [0, 64], sizes = [256, 32], strides = [1, 1]} : vector<256x128xf32> to vector<256x32xf32>
        %slice3A_413 = vector.extract_strided_slice %slice3A_347 {offsets = [0, 64], sizes = [256, 32], strides = [1, 1]} : vector<256x128xf32> to vector<256x32xf32>
        %dot_general3A_414 = arith.constant dense<0.000000e+00> : vector<256x256xf32>
        %dot_general3A_415 = tpu.matmul %slice3A_411, %slice3A_412, %dot_general3A_414 {dimension_numbers = #tpu.dot_dimension_numbers<[1], [1], [0], [0], [0, 0, 1, 0], [], []>, transpose_lhs_hint = false} : vector<256x32xf32>, vector<256x32xf32>, vector<256x256xf32> -> vector<256x256xf32>
        %jit3A_416 = arith.constant -1.000000e+09 : f32
        %broadcast_in_dim3A_417 = vector.broadcast %jit3A_416 : f32 to vector<256x256xf32>
        %select_n3A_418 = arith.select %eq3A_356, %dot_general3A_415, %broadcast_in_dim3A_417 : vector<256x256xi1>, vector<256x256xf32>
        %reduce_max3A_419 = arith.constant dense<0xFF800000> : vector<256xf32>
        %reduce_max3A_420 = vector.multi_reduction <maximumf>, %select_n3A_418, %reduce_max3A_419 [1] : vector<256x256xf32> to vector<256xf32>
        %broadcast_in_dim3A_421 = vector.shape_cast %reduce_max3A_420 : vector<256xf32> to vector<256x1xf32>
        %max3A_422 = arith.maximumf %while3A_284, %broadcast_in_dim3A_421 : vector<256x1xf32>
        %sub3A_423 = arith.subf %while3A_284, %max3A_422 : vector<256x1xf32>
        %exp3A_424 = math.exp %sub3A_423 : vector<256x1xf32>
        %sub3A_425 = vector.broadcast %max3A_422 : vector<256x1xf32> to vector<256x256xf32>
        %sub3A_426 = arith.subf %select_n3A_418, %sub3A_425 : vector<256x256xf32>
        %exp3A_427 = math.exp %sub3A_426 : vector<256x256xf32>
        %mul3A_428 = arith.mulf %while3A_285, %exp3A_424 : vector<256x1xf32>
        %reduce_sum3A_429 = arith.constant dense<0.000000e+00> : vector<256xf32>
        %reduce_sum3A_430 = vector.multi_reduction <add>, %exp3A_427, %reduce_sum3A_429 [1] : vector<256x256xf32> to vector<256xf32>
        %broadcast_in_dim3A_431 = vector.shape_cast %reduce_sum3A_430 : vector<256xf32> to vector<256x1xf32>
        %add3A_432 = arith.addf %mul3A_428, %broadcast_in_dim3A_431 : vector<256x1xf32>
        %mul3A_433 = vector.broadcast %exp3A_424 : vector<256x1xf32> to vector<256x32xf32>
        %mul3A_434 = arith.mulf %while3A_286, %mul3A_433 : vector<256x32xf32>
        %dot_general3A_435 = arith.constant dense<0.000000e+00> : vector<256x32xf32>
        %dot_general3A_436 = tpu.matmul %exp3A_427, %slice3A_413, %dot_general3A_435 {dimension_numbers = #tpu.dot_dimension_numbers<[1], [0], [0], [1], [0, 0, 1, 1], [], []>, transpose_lhs_hint = false} : vector<256x256xf32>, vector<256x32xf32>, vector<256x32xf32> -> vector<256x32xf32>
        %add3A_437 = arith.addf %mul3A_434, %dot_general3A_436 : vector<256x32xf32>
        %slice3A_438 = vector.extract_strided_slice %mul3A_62 {offsets = [0, 96], sizes = [256, 32], strides = [1, 1]} : vector<256x128xf32> to vector<256x32xf32>
        %slice3A_439 = vector.extract_strided_slice %slice3A_346 {offsets = [0, 96], sizes = [256, 32], strides = [1, 1]} : vector<256x128xf32> to vector<256x32xf32>
        %slice3A_440 = vector.extract_strided_slice %slice3A_347 {offsets = [0, 96], sizes = [256, 32], strides = [1, 1]} : vector<256x128xf32> to vector<256x32xf32>
        %dot_general3A_441 = arith.constant dense<0.000000e+00> : vector<256x256xf32>
        %dot_general3A_442 = tpu.matmul %slice3A_438, %slice3A_439, %dot_general3A_441 {dimension_numbers = #tpu.dot_dimension_numbers<[1], [1], [0], [0], [0, 0, 1, 0], [], []>, transpose_lhs_hint = false} : vector<256x32xf32>, vector<256x32xf32>, vector<256x256xf32> -> vector<256x256xf32>
        %jit3A_443 = arith.constant -1.000000e+09 : f32
        %broadcast_in_dim3A_444 = vector.broadcast %jit3A_443 : f32 to vector<256x256xf32>
        %select_n3A_445 = arith.select %eq3A_356, %dot_general3A_442, %broadcast_in_dim3A_444 : vector<256x256xi1>, vector<256x256xf32>
        %reduce_max3A_446 = arith.constant dense<0xFF800000> : vector<256xf32>
        %reduce_max3A_447 = vector.multi_reduction <maximumf>, %select_n3A_445, %reduce_max3A_446 [1] : vector<256x256xf32> to vector<256xf32>
        %broadcast_in_dim3A_448 = vector.shape_cast %reduce_max3A_447 : vector<256xf32> to vector<256x1xf32>
        %max3A_449 = arith.maximumf %while3A_287, %broadcast_in_dim3A_448 : vector<256x1xf32>
        %sub3A_450 = arith.subf %while3A_287, %max3A_449 : vector<256x1xf32>
        %exp3A_451 = math.exp %sub3A_450 : vector<256x1xf32>
        %sub3A_452 = vector.broadcast %max3A_449 : vector<256x1xf32> to vector<256x256xf32>
        %sub3A_453 = arith.subf %select_n3A_445, %sub3A_452 : vector<256x256xf32>
        %exp3A_454 = math.exp %sub3A_453 : vector<256x256xf32>
        %mul3A_455 = arith.mulf %while3A_288, %exp3A_451 : vector<256x1xf32>
        %reduce_sum3A_456 = arith.constant dense<0.000000e+00> : vector<256xf32>
        %reduce_sum3A_457 = vector.multi_reduction <add>, %exp3A_454, %reduce_sum3A_456 [1] : vector<256x256xf32> to vector<256xf32>
        %broadcast_in_dim3A_458 = vector.shape_cast %reduce_sum3A_457 : vector<256xf32> to vector<256x1xf32>
        %add3A_459 = arith.addf %mul3A_455, %broadcast_in_dim3A_458 : vector<256x1xf32>
        %mul3A_460 = vector.broadcast %exp3A_451 : vector<256x1xf32> to vector<256x32xf32>
        %mul3A_461 = arith.mulf %while3A_289, %mul3A_460 : vector<256x32xf32>
        %dot_general3A_462 = arith.constant dense<0.000000e+00> : vector<256x32xf32>
        %dot_general3A_463 = tpu.matmul %exp3A_454, %slice3A_440, %dot_general3A_462 {dimension_numbers = #tpu.dot_dimension_numbers<[1], [0], [0], [1], [0, 0, 1, 1], [], []>, transpose_lhs_hint = false} : vector<256x256xf32>, vector<256x32xf32>, vector<256x32xf32> -> vector<256x32xf32>
        %add3A_464 = arith.addf %mul3A_461, %dot_general3A_463 : vector<256x32xf32>
        scf.yield %max3A_368, %add3A_378, %add3A_383, %max3A_395, %add3A_405, %add3A_410, %max3A_422, %add3A_432, %add3A_437, %max3A_449, %add3A_459, %add3A_464 : vector<256x1xf32>, vector<256x1xf32>, vector<256x32xf32>, vector<256x1xf32>, vector<256x1xf32>, vector<256x32xf32>, vector<256x1xf32>, vector<256x1xf32>, vector<256x32xf32>, vector<256x1xf32>, vector<256x1xf32>, vector<256x32xf32>
      }
      %div3A_161 = vector.broadcast %while3A_160#1 : vector<256x1xf32> to vector<256x32xf32>
      %div3A_162 = arith.divf %while3A_160#2, %div3A_161 : vector<256x32xf32>
      %div3A_163 = vector.broadcast %while3A_160#4 : vector<256x1xf32> to vector<256x32xf32>
      %div3A_164 = arith.divf %while3A_160#5, %div3A_163 : vector<256x32xf32>
      %div3A_165 = vector.broadcast %while3A_160#7 : vector<256x1xf32> to vector<256x32xf32>
      %div3A_166 = arith.divf %while3A_160#8, %div3A_165 : vector<256x32xf32>
      %div3A_167 = vector.broadcast %while3A_160#10 : vector<256x1xf32> to vector<256x32xf32>
      %div3A_168 = arith.divf %while3A_160#11, %div3A_167 : vector<256x32xf32>
      %concatenate3A = tpu.concatenate %div3A_162, %div3A_164, %div3A_166, %div3A_168 in 1 : vector<256x32xf32>, vector<256x32xf32>, vector<256x32xf32>, vector<256x32xf32> -> vector<256x128xf32>
      %get3A_169 = arith.constant 0 : index
      %get3A_170 = arith.constant 0 : index
      %get3A_171 = vector.load %arg9[%get3A_169, %get3A_170] : memref<128x128xf32, #tpu.memory_space<vmem>>, vector<128x128xf32>
      %dot_general3A_172 = arith.constant dense<0.000000e+00> : vector<256x128xf32>
      %dot_general3A_173 = tpu.matmul %concatenate3A, %get3A_171, %dot_general3A_172 {dimension_numbers = #tpu.dot_dimension_numbers<[1], [0], [0], [1], [0, 0, 1, 1], [], []>, transpose_lhs_hint = false} : vector<256x128xf32>, vector<128x128xf32>, vector<256x128xf32> -> vector<256x128xf32>
      %get3A_174 = arith.constant 0 : index
      %get3A_175 = arith.constant 0 : index
      %get3A_176 = vector.load %arg10[%get3A_174, %get3A_175] : memref<1x128xf32, #tpu.memory_space<vmem>>, vector<1x128xf32>
      %add3A_177 = vector.broadcast %get3A_176 : vector<1x128xf32> to vector<256x128xf32>
      %add3A_178 = arith.addf %dot_general3A_173, %add3A_177 : vector<256x128xf32>
      %add3A_179 = arith.addf %get3A_36, %add3A_178 : vector<256x128xf32>
      %get3A_180 = arith.constant 0 : index
      %get3A_181 = arith.constant 0 : index
      %get3A_182 = vector.load %arg13[%get3A_180, %get3A_181] : memref<1x128xf32, #tpu.memory_space<vmem>>, vector<1x128xf32>
      %get3A_183 = arith.constant 0 : index
      %get3A_184 = arith.constant 0 : index
      %get3A_185 = vector.load %arg14[%get3A_183, %get3A_184] : memref<1x128xf32, #tpu.memory_space<vmem>>, vector<1x128xf32>
      %reduce_sum3A_186 = arith.constant dense<0.000000e+00> : vector<256xf32>
      %reduce_sum3A_187 = vector.multi_reduction <add>, %add3A_179, %reduce_sum3A_186 [1] : vector<256x128xf32> to vector<256xf32>
      %broadcast_in_dim3A_188 = vector.shape_cast %reduce_sum3A_187 : vector<256xf32> to vector<256x1xf32>
      %div3A_189 = arith.constant 1.280000e+02 : f32
      %div3A_190 = vector.broadcast %div3A_189 : f32 to vector<256x1xf32>
      %div3A_191 = arith.divf %broadcast_in_dim3A_188, %div3A_190 : vector<256x1xf32>
      %sub3A_192 = vector.broadcast %div3A_191 : vector<256x1xf32> to vector<256x128xf32>
      %sub3A_193 = arith.subf %add3A_179, %sub3A_192 : vector<256x128xf32>
      %mul3A_194 = arith.mulf %sub3A_193, %sub3A_193 : vector<256x128xf32>
      %reduce_sum3A_195 = arith.constant dense<0.000000e+00> : vector<256xf32>
      %reduce_sum3A_196 = vector.multi_reduction <add>, %mul3A_194, %reduce_sum3A_195 [1] : vector<256x128xf32> to vector<256xf32>
      %broadcast_in_dim3A_197 = vector.shape_cast %reduce_sum3A_196 : vector<256xf32> to vector<256x1xf32>
      %div3A_198 = arith.constant 1.280000e+02 : f32
      %div3A_199 = vector.broadcast %div3A_198 : f32 to vector<256x1xf32>
      %div3A_200 = arith.divf %broadcast_in_dim3A_197, %div3A_199 : vector<256x1xf32>
      %add3A_201 = arith.constant 9.99999974E-6 : f32
      %add3A_202 = vector.broadcast %add3A_201 : f32 to vector<256x1xf32>
      %add3A_203 = arith.addf %div3A_200, %add3A_202 : vector<256x1xf32>
      %rsqrt3A_204 = math.rsqrt %add3A_203 : vector<256x1xf32>
      %mul3A_205 = vector.broadcast %rsqrt3A_204 : vector<256x1xf32> to vector<256x128xf32>
      %mul3A_206 = arith.mulf %sub3A_193, %mul3A_205 : vector<256x128xf32>
      %mul3A_207 = vector.broadcast %get3A_182 : vector<1x128xf32> to vector<256x128xf32>
      %mul3A_208 = arith.mulf %mul3A_206, %mul3A_207 : vector<256x128xf32>
      %add3A_209 = vector.broadcast %get3A_185 : vector<1x128xf32> to vector<256x128xf32>
      %add3A_210 = arith.addf %mul3A_208, %add3A_209 : vector<256x128xf32>
      %get3A_211 = arith.constant 0 : index
      %get3A_212 = arith.constant 0 : index
      %get3A_213 = vector.load %arg15[%get3A_211, %get3A_212] : memref<128x256xf32, #tpu.memory_space<vmem>>, vector<128x256xf32>
      %dot_general3A_214 = arith.constant dense<0.000000e+00> : vector<256x256xf32>
      %dot_general3A_215 = tpu.matmul %add3A_210, %get3A_213, %dot_general3A_214 {dimension_numbers = #tpu.dot_dimension_numbers<[1], [0], [0], [1], [0, 0, 1, 1], [], []>, transpose_lhs_hint = false} : vector<256x128xf32>, vector<128x256xf32>, vector<256x256xf32> -> vector<256x256xf32>
      %get3A_216 = arith.constant 0 : index
      %get3A_217 = arith.constant 0 : index
      %get3A_218 = vector.load %arg16[%get3A_216, %get3A_217] : memref<1x256xf32, #tpu.memory_space<vmem>>, vector<1x256xf32>
      %add3A_219 = vector.broadcast %get3A_218 : vector<1x256xf32> to vector<256x256xf32>
      %add3A_220 = arith.addf %dot_general3A_215, %add3A_219 : vector<256x256xf32>
      %max3A = arith.constant 0.000000e+00 : f32
      %max3A_221 = vector.broadcast %max3A : f32 to vector<256x256xf32>
      %max3A_222 = arith.maximumf %add3A_220, %max3A_221 : vector<256x256xf32>
      %get3A_223 = arith.constant 0 : index
      %get3A_224 = arith.constant 0 : index
      %get3A_225 = vector.load %arg17[%get3A_223, %get3A_224] : memref<256x128xf32, #tpu.memory_space<vmem>>, vector<256x128xf32>
      %dot_general3A_226 = arith.constant dense<0.000000e+00> : vector<256x128xf32>
      %dot_general3A_227 = tpu.matmul %max3A_222, %get3A_225, %dot_general3A_226 {dimension_numbers = #tpu.dot_dimension_numbers<[1], [0], [0], [1], [0, 0, 1, 1], [], []>, transpose_lhs_hint = false} : vector<256x256xf32>, vector<256x128xf32>, vector<256x128xf32> -> vector<256x128xf32>
      %get3A_228 = arith.constant 0 : index
      %get3A_229 = arith.constant 0 : index
      %get3A_230 = vector.load %arg18[%get3A_228, %get3A_229] : memref<1x128xf32, #tpu.memory_space<vmem>>, vector<1x128xf32>
      %add3A_231 = vector.broadcast %get3A_230 : vector<1x128xf32> to vector<256x128xf32>
      %add3A_232 = arith.addf %dot_general3A_227, %add3A_231 : vector<256x128xf32>
      %add3A_233 = arith.addf %add3A_179, %add3A_232 : vector<256x128xf32>
      %get3A_234 = arith.constant 0 : index
      %get3A_235 = arith.constant 0 : index
      %get3A_236 = vector.load %arg19[%get3A_234, %get3A_235] : memref<1x128xf32, #tpu.memory_space<vmem>>, vector<1x128xf32>
      %get3A_237 = arith.constant 0 : index
      %get3A_238 = arith.constant 0 : index
      %get3A_239 = vector.load %arg20[%get3A_237, %get3A_238] : memref<1x128xf32, #tpu.memory_space<vmem>>, vector<1x128xf32>
      %reduce_sum3A_240 = arith.constant dense<0.000000e+00> : vector<256xf32>
      %reduce_sum3A_241 = vector.multi_reduction <add>, %add3A_233, %reduce_sum3A_240 [1] : vector<256x128xf32> to vector<256xf32>
      %broadcast_in_dim3A_242 = vector.shape_cast %reduce_sum3A_241 : vector<256xf32> to vector<256x1xf32>
      %div3A_243 = arith.constant 1.280000e+02 : f32
      %div3A_244 = vector.broadcast %div3A_243 : f32 to vector<256x1xf32>
      %div3A_245 = arith.divf %broadcast_in_dim3A_242, %div3A_244 : vector<256x1xf32>
      %sub3A_246 = vector.broadcast %div3A_245 : vector<256x1xf32> to vector<256x128xf32>
      %sub3A_247 = arith.subf %add3A_233, %sub3A_246 : vector<256x128xf32>
      %mul3A_248 = arith.mulf %sub3A_247, %sub3A_247 : vector<256x128xf32>
      %reduce_sum3A_249 = arith.constant dense<0.000000e+00> : vector<256xf32>
      %reduce_sum3A_250 = vector.multi_reduction <add>, %mul3A_248, %reduce_sum3A_249 [1] : vector<256x128xf32> to vector<256xf32>
      %broadcast_in_dim3A_251 = vector.shape_cast %reduce_sum3A_250 : vector<256xf32> to vector<256x1xf32>
      %div3A_252 = arith.constant 1.280000e+02 : f32
      %div3A_253 = vector.broadcast %div3A_252 : f32 to vector<256x1xf32>
      %div3A_254 = arith.divf %broadcast_in_dim3A_251, %div3A_253 : vector<256x1xf32>
      %add3A_255 = arith.constant 9.99999974E-6 : f32
      %add3A_256 = vector.broadcast %add3A_255 : f32 to vector<256x1xf32>
      %add3A_257 = arith.addf %div3A_254, %add3A_256 : vector<256x1xf32>
      %rsqrt3A_258 = math.rsqrt %add3A_257 : vector<256x1xf32>
      %mul3A_259 = vector.broadcast %rsqrt3A_258 : vector<256x1xf32> to vector<256x128xf32>
      %mul3A_260 = arith.mulf %sub3A_247, %mul3A_259 : vector<256x128xf32>
      %mul3A_261 = vector.broadcast %get3A_236 : vector<1x128xf32> to vector<256x128xf32>
      %mul3A_262 = arith.mulf %mul3A_260, %mul3A_261 : vector<256x128xf32>
      %add3A_263 = vector.broadcast %get3A_239 : vector<1x128xf32> to vector<256x128xf32>
      %add3A_264 = arith.addf %mul3A_262, %add3A_263 : vector<256x128xf32>
      %iota3A_265 = tpu.iota {dimensions = array<i32: 0>} : vector<256x1xi32>
      %add3A_266 = vector.broadcast %mul3A_1 : i32 to vector<256x1xi32>
      %add3A_267 = arith.addi %add3A_266, %iota3A_265 : vector<256x1xi32>
      %lt3A_268 = vector.broadcast %get3A_0 : i32 to vector<256x1xi32>
      %lt3A_269 = arith.cmpi slt, %add3A_267, %lt3A_268 : vector<256x1xi32>
      %jit3A_270 = arith.constant 0.000000e+00 : f32
      %broadcast_in_dim3A_271 = vector.shape_cast %lt3A_269 : vector<256x1xi1> to vector<256x1xi1>
      %broadcast_in_dim3A_272 = vector.broadcast %broadcast_in_dim3A_271 : vector<256x1xi1> to vector<256x128xi1>
      %broadcast_in_dim3A_273 = vector.broadcast %jit3A_270 : f32 to vector<256x128xf32>
      %select_n3A_274 = arith.select %broadcast_in_dim3A_272, %add3A_264, %broadcast_in_dim3A_273 : vector<256x128xi1>, vector<256x128xf32>
      %swap3A = arith.constant 0 : index
      %swap3A_275 = arith.constant 0 : index
      %swap3A_276 = vector.load %arg21[%swap3A, %swap3A_275] : memref<256x128xf32, #tpu.memory_space<vmem>>, vector<256x128xf32>
      tpu.vector_store %arg21[%swap3A, %swap3A_275], %select_n3A_274 {strides = array<i32>} : memref<256x128xf32, #tpu.memory_space<vmem>>, vector<256x128xf32>,
    } else {
    }
    return
  }
  func.func @transform_0(%arg0: i32) -> i32 {
    %c0_i32 = arith.constant 0 : i32
    %c0_i32_0 = arith.constant 0 : i32
    return %c0_i32 : i32
  }
  func.func @transform_1(%arg0: i32) -> i32 {
    %c0_i32 = arith.constant 0 : i32
    %c0_i32_0 = arith.constant 0 : i32
    return %c0_i32 : i32
  }
  func.func @transform_2(%arg0: i32) -> i32 {
    %c0_i32 = arith.constant 0 : i32
    %c0_i32_0 = arith.constant 0 : i32
    return %c0_i32 : i32
  }
  func.func @transform_4(%arg0: i32) -> (i32, i32) {
    %c0_i32 = arith.constant 0 : i32
    %c0_i32_0 = arith.constant 0 : i32
    return %arg0, %c0_i32 : i32, i32
  }
  func.func @transform_5(%arg0: i32) -> (i32, i32, i32) {
    %c0_i32 = arith.constant 0 : i32
    %c0_i32_0 = arith.constant 0 : i32
    %c0_i32_1 = arith.constant 0 : i32
    %c0_i32_2 = arith.constant 0 : i32
    return %c0_i32, %c0_i32_0, %c0_i32_1 : i32, i32, i32
  }
  func.func @transform_6(%arg0: i32) -> (i32, i32) {
    %c0_i32 = arith.constant 0 : i32
    %c0_i32_0 = arith.constant 0 : i32
    %c0_i32_1 = arith.constant 0 : i32
    return %c0_i32, %c0_i32_0 : i32, i32
  }
  func.func @transform_7(%arg0: i32) -> (i32, i32) {
    %c0_i32 = arith.constant 0 : i32
    %c0_i32_0 = arith.constant 0 : i32
    %c0_i32_1 = arith.constant 0 : i32
    return %c0_i32, %c0_i32_0 : i32, i32
  }
  func.func @transform_8(%arg0: i32) -> (i32, i32) {
    %c0_i32 = arith.constant 0 : i32
    %c0_i32_0 = arith.constant 0 : i32
    %c0_i32_1 = arith.constant 0 : i32
    return %c0_i32, %c0_i32_0 : i32, i32
  }
  func.func @transform_9(%arg0: i32) -> (i32, i32) {
    %c0_i32 = arith.constant 0 : i32
    %c0_i32_0 = arith.constant 0 : i32
    %c0_i32_1 = arith.constant 0 : i32
    return %c0_i32, %c0_i32_0 : i32, i32
  }
  func.func @transform_10(%arg0: i32) -> (i32, i32) {
    %c0_i32 = arith.constant 0 : i32
    %c0_i32_0 = arith.constant 0 : i32
    %c0_i32_1 = arith.constant 0 : i32
    return %c0_i32, %c0_i32_0 : i32, i32
  }
  func.func @transform_11(%arg0: i32) -> (i32, i32) {
    %c0_i32 = arith.constant 0 : i32
    %c0_i32_0 = arith.constant 0 : i32
    %c0_i32_1 = arith.constant 0 : i32
    return %c0_i32, %c0_i32_0 : i32, i32
  }
  func.func @transform_12(%arg0: i32) -> (i32, i32) {
    %c0_i32 = arith.constant 0 : i32
    %c0_i32_0 = arith.constant 0 : i32
    %c0_i32_1 = arith.constant 0 : i32
    return %c0_i32, %c0_i32_0 : i32, i32
  }
  func.func @transform_13(%arg0: i32) -> (i32, i32) {
    %c0_i32 = arith.constant 0 : i32
    %c0_i32_0 = arith.constant 0 : i32
    %c0_i32_1 = arith.constant 0 : i32
    return %c0_i32, %c0_i32_0 : i32, i32
  }
  func.func @transform_14(%arg0: i32) -> (i32, i32) {
    %c0_i32 = arith.constant 0 : i32
    %c0_i32_0 = arith.constant 0 : i32
    %c0_i32_1 = arith.constant 0 : i32
    return %c0_i32, %c0_i32_0 : i32, i32
  }
  func.func @transform_15(%arg0: i32) -> (i32, i32) {
    %c0_i32 = arith.constant 0 : i32
    %c0_i32_0 = arith.constant 0 : i32
    %c0_i32_1 = arith.constant 0 : i32
    return %c0_i32, %c0_i32_0 : i32, i32
  }
  func.func @transform_16(%arg0: i32) -> (i32, i32) {
    %c0_i32 = arith.constant 0 : i32
    %c0_i32_0 = arith.constant 0 : i32
    %c0_i32_1 = arith.constant 0 : i32
    return %c0_i32, %c0_i32_0 : i32, i32
  }
  func.func @transform_17(%arg0: i32) -> (i32, i32) {
    %c0_i32 = arith.constant 0 : i32
    %c0_i32_0 = arith.constant 0 : i32
    %c0_i32_1 = arith.constant 0 : i32
    return %c0_i32, %c0_i32_0 : i32, i32
  }
  func.func @transform_18(%arg0: i32) -> (i32, i32) {
    %c0_i32 = arith.constant 0 : i32
    %c0_i32_0 = arith.constant 0 : i32
    %c0_i32_1 = arith.constant 0 : i32
    return %c0_i32, %c0_i32_0 : i32, i32
  }
  func.func @transform_19(%arg0: i32) -> (i32, i32) {
    %c0_i32 = arith.constant 0 : i32
    %c0_i32_0 = arith.constant 0 : i32
    %c0_i32_1 = arith.constant 0 : i32
    return %c0_i32, %c0_i32_0 : i32, i32
  }
  func.func @transform_20(%arg0: i32) -> (i32, i32) {
    %c0_i32 = arith.constant 0 : i32
    %c0_i32_0 = arith.constant 0 : i32
    return %arg0, %c0_i32 : i32, i32
  }
}

</mosaic_0001>

<sc_bundles>
// kernel: kernel.10.cloned.1.call-start
scs
__scs_entry_jumppad:
0x0: {  	(pc) =	sbr.rel $0x88, $3  }
0x1: {  	(tag) =	ssettag $0x0;
	lr =	simm.s32 $0x1  }
0x2: {  	[smem:$0x3F8E] =	sst lr;
	_ =	strace $0xD0000000  }
0x3: {  	_ = 	snop  }
0x4: {  	_ = 	snop  }
0x5: {  	_ = 	snop  }
0x6: {  	_ = 	snop  }
0x7: {  	_ = 	snop  }
__scs_overlays_trampoline_lowered:
0x8: {  	[smem:$0x3F9D] =	sst s0  }
0x9: {  	[smem:$0x3F9E] =	sst s1  }
0xa: {  	[smem:$0x3F9F] =	sst s2  }
0xb: {  	[smem:$0x3FA0] =	sst s3  }
0xc: {  	[smem:$0x3FA1] =	sst s4  }
0xd: {  	[smem:$0x3FA2] =	sst s5  }
0xe: {  	[smem:$0x3FA3] =	sst s6  }
0xf: {  	[smem:$0x3FA4] =	sst s7  }
0x10: {  	[smem:$0x3FA5] =	sst s8  }
0x11: {  	[smem:$0x3FA6] =	sst s9;
	s0 =	simm.s32 @!p0 $0x0  }
0x12: {  	s1 =	sld [smem:$0x3F8C];
	s0 =	simm.s32 @p0 $0x1  }
0x13: {  	[smem:$0x3FA7] =	sst s0;
	s0 =	simm.s32 @!p1 $0x0  }
0x14: {  	s2 =	sld [smem:$0x3F8B];
	s0 =	simm.s32 @p1 $0x1  }
0x15: {  	[smem:$0x3FA8] =	sst s0;
	s0 =	simm.s32 @!p2 $0x0  }
0x16: {  	s3 =	sld [smem:$0x3FDB];
	s0 =	simm.s32 @p2 $0x1  }
0x17: {  	s4 =	simm.s32 $0x1BF5;
	[smem:$0x3FAA] =	sst s0  }
0x18: {  	s0 =	sld [smem:$0x3F8D];
	_ =	swait.ge [sflag:s4], $0x0  }
0x19: {  	s7 =	sld [smem:$0x3F8E]  }
0x1a: {  	s8 =	sadd.s32 $0xFFFFE003, lr  }
0x1b: {  	s9 =	sadd.s32 $0xFFFFFEF7, lr;
	s5 =	simm.s32 $0xFFFFFFFF;
	p2 =	slt.u32 s8, $0xFFFFF086  }
0x1c: {  	p1 =	slt.u32 s9, $0xF7A;
	s5 =	simm.s32 @!p2 $0x0  }
0x1d: {  	s5 =	simm.s32 @p1 $0x1;
	p0 =	seq.s32 s7, s2  }
0x1e: {  	s7 =	smul.u32 @!p0 $0xF7A, s2;
	p2 =	seq.s32 @!p0 s5, $0x0  }
0x1f: {  	s9 =	smul.u32 $0xF7A, s1;
	s8 =	simm.s32 @!p0 $0x1BF5;
	p2 =	por !p2, p0  }
0x20: {  	[sflag:s8] =	ssyncset.s32 @!p0 $0xFFFFF086;
	s6 =	sadd.s32 @!p0 s3, s7;
	s7 =	simm.s32 @!p0 $0x108  }
0x21: {  	s3 =	sadd.s32 s3, s9;
	s6 =	sadd.s32 @!p0 $0x88, s6;
	s7 =	simm.s32 @p2 $0x1082  }
0x22: {  	[simem:s7], [sflag:s8] =	dma.local @!p0 [hbm:s6], $0xF7A  }
0x23: {  	s9 =	sor.u32 $0xD0000000, s2;
	s6 =	simm.s32 $0x108;
	_ =	swait.ge @!p0 [sflag:s8], $0x0  }
0x24: {  	s3 =	sadd.s32 $0x88, s3;
	s6 =	simm.s32 @!p1 $0x1082;
	[sflag:s4] =	ssyncset.s32 $0xFFFFF086  }
0x25: {  	[simem:s6], [sflag:s4] =	dma.local [hbm:s3], $0xF7A  }
0x26: {  	[smem:$0x3F8E] =	sst s1;
	(tag) =	ssettag s2;
	_ =	strace s9  }
0x27: {  	s1 =	sld [smem:$0x3F9E]  }
0x28: {  	s2 =	sld [smem:$0x3F9F]  }
0x29: {  	s4 =	sld [smem:$0x3FA1]  }
0x2a: {  	p0 =	seq.s32 s5, $0x0;
	s5 =	sld [smem:$0x3FA2]  }
0x2b: {  	s6 =	sld [smem:$0x3FA3]  }
0x2c: {  	s7 =	sld [smem:$0x3FA4]  }
0x2d: {  	s3 =	simm.s32 $0x108;
	s8 =	sld [smem:$0x3FA5]  }
0x2e: {  	s3 =	simm.s32 @!p0 $0x1082;
	s9 =	sld [smem:$0x3FA6]  }
0x2f: {  	lr =	sadd.s32 s0, s3;
	s0 =	sld [smem:$0x3F9D]  }
0x30: {  	s3 =	sld [smem:$0x3FA0]  }
0x31: {  	[smem:$0x3FA9] =	sst s10  }
0x32: {  	s10 =	sld [smem:$0x3FA7];
	_ =	sdelay $0x3  }
0x33: {  	p0 =	seq.s32 s10, $0x1;
	s10 =	sld [smem:$0x3FA9];
	_ =	sdelay $0x3  }
0x34: {  	[smem:$0x3FA9] =	sst s10  }
0x35: {  	s10 =	sld [smem:$0x3FA8];
	_ =	sdelay $0x3  }
0x36: {  	p1 =	seq.s32 s10, $0x1;
	s10 =	sld [smem:$0x3FA9];
	_ =	sdelay $0x3  }
0x37: {  	[smem:$0x3FA9] =	sst s10  }
0x38: {  	s10 =	sld [smem:$0x3FAA]  }
0x39: {  	_ = 	snop;
	(pc) =	sbr.ind lr, $3  }
0x3a: {  	_ = 	snop  }
0x3b: {  	_ = 	snop  }
0x3c: {  	p2 =	seq.s32 s10, $0x1;
	s10 =	sld [smem:$0x3FA9]  }
0x3d: {  	_ =	shalt  }
0x3e: {  	_ =	shalt  }
0x3f: {  	_ =	shalt  }
0x40: {  	_ =	shalt  }
0x41: {  	_ =	shalt  }
0x42: {  	_ =	shalt  }
0x43: {  	_ =	shalt  }
0x44: {  	_ =	shalt  }
0x45: {  	_ =	shalt  }
0x46: {  	_ =	shalt  }
0x47: {  	_ =	shalt  }
0x48: {  	_ =	shalt  }
0x49: {  	_ =	shalt  }
0x4a: {  	_ =	shalt  }
0x4b: {  	_ =	shalt  }
0x4c: {  	_ =	shalt  }
0x4d: {  	_ =	shalt  }
0x4e: {  	_ =	shalt  }
0x4f: {  	_ =	shalt  }
0x50: {  	_ =	shalt  }
0x51: {  	_ =	shalt  }
0x52: {  	_ =	shalt  }
0x53: {  	_ =	shalt  }
0x54: {  	_ =	shalt  }
0x55: {  	_ =	shalt  }
0x56: {  	_ =	shalt  }
0x57: {  	_ =	shalt  }
0x58: {  	_ =	shalt  }
0x59: {  	_ =	shalt  }
0x5a: {  	_ =	shalt  }
0x5b: {  	_ =	shalt  }
0x5c: {  	_ =	shalt  }
0x5d: {  	_ =	shalt  }
0x5e: {  	_ =	shalt  }
0x5f: {  	_ =	shalt  }
0x60: {  	_ =	shalt  }
0x61: {  	_ =	shalt  }
0x62: {  	_ =	shalt  }
0x63: {  	_ =	shalt  }
0x64: {  	_ =	shalt  }
0x65: {  	_ =	shalt  }
0x66: {  	_ =	shalt  }
0x67: {  	_ =	shalt  }
0x68: {  	_ =	shalt  }
0x69: {  	_ =	shalt  }
0x6a: {  	_ =	shalt  }
0x6b: {  	_ =	shalt  }
0x6c: {  	_ =	shalt  }
0x6d: {  	_ =	shalt  }
0x6e: {  	_ =	shalt  }
0x6f: {  	_ =	shalt  }
0x70: {  	_ =	shalt  }
0x71: {  	_ =	shalt  }
0x72: {  	_ =	shalt  }
0x73: {  	_ =	shalt  }
0x74: {  	_ =	shalt  }
0x75: {  	_ =	shalt  }
0x76: {  	_ =	shalt  }
0x77: {  	_ =	shalt  }
0x78: {  	_ =	shalt  }
0x79: {  	_ =	shalt  }
0x7a: {  	_ =	shalt  }
0x7b: {  	_ =	shalt  }
0x7c: {  	_ =	shalt  }
0x7d: {  	_ =	shalt  }
0x7e: {  	_ =	shalt  }
0x7f: {  	_ =	shalt  }
0x80: {  	_ =	shalt  }
0x81: {  	_ =	shalt  }
0x82: {  	_ =	shalt  }
0x83: {  	_ =	shalt  }
0x84: {  	_ =	shalt  }
0x85: {  	_ =	shalt  }
0x86: {  	_ =	shalt  }
0x87: {  	_ =	shalt  }
.Lfunc_end0:
.L_simem_size_0:
called_computation.1_lowered:
.L_overlay_start_0:
0x88: {  	s2 =	sld [smem:$0x3FD9]  }
0x89: {  	s3 =	sld [smem:$0x3FFE];
	_ =	sdelay $0x1  }
0x8a: {  	s1 =	srdreg.scid  }
0x8b: {  	s0 =	sand.u32 $0x1, s1  }
0x8c: {  	s17 =	sshll.u32 s0, $0xA;
	s2 =	sadd.s32 s3, s2  }
0x8d: {  	s2 =	sadd.s32 s2, s17  }
0x8e: {  	[smem:$0x3FB5] =	sst s2  }
0x8f: {  	_ = 	snop  }
0x90: {  	s2 =	sld [smem:$0x3FD0];
	(tm) =	ssettm $0x1  }
0x91: {  	s18 =	sld [smem:$0x3FFB];
	_ =	sdelay $0x3  }
0x92: {  	_ =	strace s18  }
0x93: {  	s3 =	sld [smem:$0x3FFC];
	_ =	sdelay $0x3  }
0x94: {  	_ =	strace s3  }
0x95: {  	s3 =	sld [smem:$0x3FFD];
	_ =	sdelay $0x3  }
0x96: {  	_ =	strace s3  }
0x97: {  	_ =	strace $0x8FFFFFFF  }
0x98: {  	s19 =	sld [smem:$0x3FDB];
	_ =	sdelay $0x1  }
0x99: {  	s4 =	simm.s32 $_scs_section_size  }
0x9a: {  	s5 =	simm.s32 $_size__tile_overlayer_lowered;
	s6 =	simm.s32 $_tile_overlayer_lowered  }
0x9b: {  	s22 =	simm.s32 $0x1BFF;
	s21 =	sshll.u32 s6, $0x1;
	s3 =	sadd.s32 s4, s19  }
0x9c: {  	s7 =	simm.s32 $0x0;
	s20 =	sshll.u32 s5, $0x1;
	s5 =	sadd.s32 s21, s3  }
0x9d: {  	[timem:s7], [sflag:s22] =	dma.local [hbm:s5], s20  }
0x9e: {  	_ =	swait.ge [sflag:s22], s20  }
0x9f: {  	s4 =	ssub.s32 $0x0, s20;
	[sflag:s22] =	ssyncset.done $0x0  }
0xa0: {  	[sflag:s22] =	ssyncadd.s32 s4;
	_ =	sdelay $0x1  }
0xa1: {  	s23 =	simm.s32 $0x1B8B  }
0xa2: {  	_ =	swait.ge [sflag:s23], $0x1  }
0xa3: {  	[sflag:s23] =	ssyncset.done $0x0  }
0xa4: {  	s25 =	simm.s32 $0x1B8E;
	s24 =	sld [smem:$0x3FFE];
	[sflag:s23] =	ssyncadd.s32 $0xFFFFFFFF  }
0xa5: {  	s26 =	simm.s32 $execute0_lowered;
	[smem:$0x3FD2] =	sst s25  }
0xa6: {  	s5 =	sshll.u32 s26, $0x1;
	_ =	strace $0x80000049;
	[dreg:$0x1] =	wrdreg $0xFFFFFFFF  }
0xa7: {  	s28 =	simm.s32 $_size_execute0_lowered;
	s3 =	sadd.s32 s3, s5;
	[dreg:$0x0] =	wrdreg $0x0  }
0xa8: {  	s5 =	sshll.u32 s28, $0x1;
	[dreg:$0x2] =	wrdreg s3  }
0xa9: {  	[dreg:$0x3] =	wrdreg s5  }
0xaa: {  	[dreg:$0x4] =	wrdreg $0xC0  }
0xab: {  	_ =	task [dreg:s7], $0x5FFFF  }
0xac: {  	[dreg:$0x1] =	wrdreg $0xFFFFFFFF  }
0xad: {  	[dreg:$0x0] =	wrdreg $0x60  }
0xae: {  	[dreg:$0x2] =	wrdreg s24  }
0xaf: {  	[dreg:$0x3] =	wrdreg s2  }
0xb0: {  	[dreg:$0x4] =	wrdreg $0x9  }
0xb1: {  	_ =	task.clear_ibuf [dreg:s7], $0x5FFFF;
	_ =	strace $0x90000049  }
0xb2: {  	s29 =	simm.s32 $0x9;
	_ =	strace $0x8000004B  }
0xb3: {  	_ =	swait.ge [sflag:s29], $0x1  }
0xb4: {  	[sflag:s29] =	ssyncadd.s32 $0xFFFFFFFF  }
0xb5: {  	_ =	strace $0x9000004B  }
0xb6: {  	_ =	sfence  }
0xb7: {  	s30 =	sld [smem:$0x0];
	_ =	sdelay $0x2  }
0xb8: {  	s31 =	sshll.u32 s1, $0xD;
	s1 =	sshrl.u32 s1, $0x2  }
0xb9: {  	s3 =	sand.u32 $0x4000, s31;
	s1 =	sadd.s32 s1, s30  }
0xba: {  	s0 =	sor.u32 s3, s0;
	s1 =	sshll.u32 s1, $0x11  }
0xbb: {  	s0 =	sor.u32 s1, s0  }
0xbc: {  	s0 =	sadd.s32 $0x8F2B, s0  }
0xbd: {  	[sflag:s0] =	ssyncadd.remote.s32 $0x1  }
0xbe: {  	_ =	sfence.sel $0xFFFF  }
0xbf: {  	[dreg:$0x0] =	wrdreg $0xFFFFFFFF;
	(pc) =	sbr.abs _section_cstart, $3  }
0xc0: {  	[dreg:$0x1] =	wrdreg $0xFFFFFFFF  }
0xc1: {  	_ =	task.clear_ibuf [dreg:s7], $0x2FFFF;
	_ =	strace $0x9FFFFFFF  }
0xc2: {  	(tm) =	ssettm $0x7FFFFFFF  }
0xc3: {  	_ =	shalt  }
tec
execute0_lowered:
.L_overlay_start_1:
0x0: {  	(tag) =	ssettag $0x1  }
0x1: {  	s8 =	rddreg [dreg:$0x0];
	s3 =	srdreg.scid  }
0x2: {  	s2 =	simm.s32 $0x0;
	s1 =	stileid.u32;
	s30 =	sand.u32 $0x1, s3  }
0x3: {  	[smem:$0x7FF] =	sst s2;
	s26 =	sshll.u32 s1, $0xB;
	s4 =	sshll.u32 s30, $0xA  }
0x4: {  	s29 =	rddreg [dreg:$0x1];
	_ =	strace $0x8000004A;
	s28 =	sor.u32 s4, s26  }
0x5: {  	s26 =	sadd.s32 $0x1600, s8;
	s3 =	sshrl.u32 s28, $0x3;
	s17 =	sor.u32 $0x80, s28  }
0x6: {  	s4 =	simm.s32 $0x8000;
	s3 =	sadd.s32 s26, s3;
	s5 =	sshrl.u32 s17, $0x3  }
0x7: {  	[tilespmem:s4], [sflag:$0x3] =	stream.linear.gather [hbm4b:s3+s2], $0x80, $0x38;
	[tilespmem:$0x8100] =	vst v63  }
0x8: {  	s6 =	simm.s32 $0x8080;
	s7 =	simm.s32 $0x3;
	s5 =	sadd.s32 s26, s5  }
0x9: {  	[tilespmem:s6], [sflag:$0x4] =	stream.linear.gather [hbm4b:s5+s2], $0x80, $0x38;
	[tilespmem:$0x8100] =	vst v63  }
0xa: {  	_ =	swait.ge [sflag:s7], $0x80  }
0xb: {  	s9 =	simm.s32 $0x80;
	[sflag:s7] =	ssyncset.done $0x0  }
0xc: {  	s10 =	simm.s32 $0x4;
	s8 =	sadd.s32 $0x2600, s8;
	[sflag:s7] =	ssyncadd.s32 $0xFFFFFF80  }
0xd: {  	[tilespmem:s2], [sflag:$0x1] =	stream.indirect.gather [hbm4b:s8+s9], $0x80, s4, s9, $0xb8;
	[tilespmem:$0x8100] =	vst v63  }
0xe: {  	_ =	swait.ge [sflag:s10], $0x80  }
0xf: {  	[sflag:s10] =	ssyncset.done $0x0  }
0x10: {  	s11 =	simm.s32 $0x4000;
	s12 =	simm.s32 $0x1;
	[sflag:s10] =	ssyncadd.s32 $0xFFFFFF80  }
0x11: {  	[tilespmem:s11], [sflag:$0x2] =	stream.indirect.gather [hbm4b:s8+s9], $0x80, s6, s9, $0xb8;
	[tilespmem:$0x8100] =	vst v63  }
0x12: {  	_ =	swait.ge [sflag:s12], $0x4000  }
0x13: {  	s13 =	sshll.u32 s28, $0x4;
	[sflag:s12] =	ssyncset.done $0x0  }
0x14: {  	s14 =	sadd.s32 s29, s13;
	s13 =	simm.s32 $0x5;
	[sflag:s12] =	ssyncadd.s32 $0xFFFFC000  }
0x15: {  	[hbm4b:s14+s2] =	stream.linear.scatter [tilespmem:s2], [sflag:$0x5], $0x4000, $0x38;
	[tilespmem:$0x8100] =	vst v63  }
0x16: {  	s19 =	sor.u32 $0x100, s28;
	_ =	swait.ge [sflag:s13], $0x4000  }
0x17: {  	s15 =	sshrl.u32 s19, $0x3;
	[sflag:s13] =	ssyncset.done $0x0  }
0x18: {  	s15 =	sadd.s32 s26, s15;
	[sflag:s13] =	ssyncadd.s32 $0xFFFFC000  }
0x19: {  	[tilespmem:s4], [sflag:$0x3] =	stream.linear.gather [hbm4b:s15+s2], $0x80, $0x38;
	[tilespmem:$0x8100] =	vst v63  }
0x1a: {  	_ =	swait.ge [sflag:s7], $0x80  }
0x1b: {  	[sflag:s7] =	ssyncset.done $0x0  }
0x1c: {  	s16 =	simm.s32 $0x2;
	[sflag:s7] =	ssyncadd.s32 $0xFFFFFF80  }
0x1d: {  	[tilespmem:s2], [sflag:$0x1] =	stream.indirect.gather [hbm4b:s8+s9], $0x80, s4, s9, $0xb8;
	[tilespmem:$0x8100] =	vst v63  }
0x1e: {  	_ =	swait.ge [sflag:s16], $0x4000  }
0x1f: {  	s17 =	sshll.u32 s17, $0x4;
	[sflag:s16] =	ssyncset.done $0x0  }
0x20: {  	s17 =	sadd.s32 s29, s17;
	[sflag:s16] =	ssyncadd.s32 $0xFFFFC000  }
0x21: {  	[hbm4b:s17+s2] =	stream.linear.scatter [tilespmem:s11], [sflag:$0x5], $0x4000, $0x38;
	[tilespmem:$0x8100] =	vst v63  }
0x22: {  	s21 =	sor.u32 $0x180, s28;
	_ =	swait.ge [sflag:s13], $0x4000  }
0x23: {  	s18 =	sshrl.u32 s21, $0x3;
	[sflag:s13] =	ssyncset.done $0x0  }
0x24: {  	s18 =	sadd.s32 s26, s18;
	[sflag:s13] =	ssyncadd.s32 $0xFFFFC000  }
0x25: {  	[tilespmem:s6], [sflag:$0x4] =	stream.linear.gather [hbm4b:s18+s2], $0x80, $0x38;
	[tilespmem:$0x8100] =	vst v63  }
0x26: {  	_ =	swait.ge [sflag:s10], $0x80  }
0x27: {  	[sflag:s10] =	ssyncset.done $0x0  }
0x28: {  	[sflag:s10] =	ssyncadd.s32 $0xFFFFFF80  }
0x29: {  	[tilespmem:s11], [sflag:$0x2] =	stream.indirect.gather [hbm4b:s8+s9], $0x80, s6, s9, $0xb8;
	[tilespmem:$0x8100] =	vst v63  }
0x2a: {  	_ =	swait.ge [sflag:s12], $0x4000  }
0x2b: {  	s19 =	sshll.u32 s19, $0x4;
	[sflag:s12] =	ssyncset.done $0x0  }
0x2c: {  	s19 =	sadd.s32 s29, s19;
	[sflag:s12] =	ssyncadd.s32 $0xFFFFC000  }
0x2d: {  	[hbm4b:s19+s2] =	stream.linear.scatter [tilespmem:s2], [sflag:$0x5], $0x4000, $0x38;
	[tilespmem:$0x8100] =	vst v63  }
0x2e: {  	s23 =	sor.u32 $0x200, s28;
	_ =	swait.ge [sflag:s13], $0x4000  }
0x2f: {  	s20 =	sshrl.u32 s23, $0x3;
	[sflag:s13] =	ssyncset.done $0x0  }
0x30: {  	s20 =	sadd.s32 s26, s20;
	[sflag:s13] =	ssyncadd.s32 $0xFFFFC000  }
0x31: {  	[tilespmem:s4], [sflag:$0x3] =	stream.linear.gather [hbm4b:s20+s2], $0x80, $0x38;
	[tilespmem:$0x8100] =	vst v63  }
0x32: {  	_ =	swait.ge [sflag:s7], $0x80  }
0x33: {  	[sflag:s7] =	ssyncset.done $0x0  }
0x34: {  	[sflag:s7] =	ssyncadd.s32 $0xFFFFFF80  }
0x35: {  	[tilespmem:s2], [sflag:$0x1] =	stream.indirect.gather [hbm4b:s8+s9], $0x80, s4, s9, $0xb8;
	[tilespmem:$0x8100] =	vst v63  }
0x36: {  	_ =	swait.ge [sflag:s16], $0x4000  }
0x37: {  	s21 =	sshll.u32 s21, $0x4;
	[sflag:s16] =	ssyncset.done $0x0  }
0x38: {  	s21 =	sadd.s32 s29, s21;
	[sflag:s16] =	ssyncadd.s32 $0xFFFFC000  }
0x39: {  	[hbm4b:s21+s2] =	stream.linear.scatter [tilespmem:s11], [sflag:$0x5], $0x4000, $0x38;
	[tilespmem:$0x8100] =	vst v63  }
0x3a: {  	s25 =	sor.u32 $0x280, s28;
	_ =	swait.ge [sflag:s13], $0x4000  }
0x3b: {  	s22 =	sshrl.u32 s25, $0x3;
	[sflag:s13] =	ssyncset.done $0x0  }
0x3c: {  	s22 =	sadd.s32 s26, s22;
	[sflag:s13] =	ssyncadd.s32 $0xFFFFC000  }
0x3d: {  	[tilespmem:s6], [sflag:$0x4] =	stream.linear.gather [hbm4b:s22+s2], $0x80, $0x38;
	[tilespmem:$0x8100] =	vst v63  }
0x3e: {  	_ =	swait.ge [sflag:s10], $0x80  }
0x3f: {  	[sflag:s10] =	ssyncset.done $0x0  }
0x40: {  	[sflag:s10] =	ssyncadd.s32 $0xFFFFFF80  }
0x41: {  	[tilespmem:s11], [sflag:$0x2] =	stream.indirect.gather [hbm4b:s8+s9], $0x80, s6, s9, $0xb8;
	[tilespmem:$0x8100] =	vst v63  }
0x42: {  	_ =	swait.ge [sflag:s12], $0x4000  }
0x43: {  	s23 =	sshll.u32 s23, $0x4;
	[sflag:s12] =	ssyncset.done $0x0  }
0x44: {  	s23 =	sadd.s32 s29, s23;
	[sflag:s12] =	ssyncadd.s32 $0xFFFFC000  }
0x45: {  	[hbm4b:s23+s2] =	stream.linear.scatter [tilespmem:s2], [sflag:$0x5], $0x4000, $0x38;
	[tilespmem:$0x8100] =	vst v63  }
0x46: {  	s31 =	sor.u32 $0x300, s28;
	_ =	swait.ge [sflag:s13], $0x4000  }
0x47: {  	s24 =	sshrl.u32 s31, $0x3;
	[sflag:s13] =	ssyncset.done $0x0  }
0x48: {  	s24 =	sadd.s32 s26, s24;
	[sflag:s13] =	ssyncadd.s32 $0xFFFFC000  }
0x49: {  	[tilespmem:s4], [sflag:$0x3] =	stream.linear.gather [hbm4b:s24+s2], $0x80, $0x38;
	[tilespmem:$0x8100] =	vst v63  }
0x4a: {  	_ =	swait.ge [sflag:s7], $0x80  }
0x4b: {  	[sflag:s7] =	ssyncset.done $0x0  }
0x4c: {  	[sflag:s7] =	ssyncadd.s32 $0xFFFFFF80  }
0x4d: {  	[tilespmem:s2], [sflag:$0x1] =	stream.indirect.gather [hbm4b:s8+s9], $0x80, s4, s9, $0xb8;
	[tilespmem:$0x8100] =	vst v63  }
0x4e: {  	_ =	swait.ge [sflag:s16], $0x4000  }
0x4f: {  	s25 =	sshll.u32 s25, $0x4;
	[sflag:s16] =	ssyncset.done $0x0  }
0x50: {  	s25 =	sadd.s32 s29, s25;
	[sflag:s16] =	ssyncadd.s32 $0xFFFFC000  }
0x51: {  	[hbm4b:s25+s2] =	stream.linear.scatter [tilespmem:s11], [sflag:$0x5], $0x4000, $0x38;
	[tilespmem:$0x8100] =	vst v63  }
0x52: {  	s0 =	sor.u32 $0x380, s28;
	_ =	swait.ge [sflag:s13], $0x4000  }
0x53: {  	s28 =	sshrl.u32 s0, $0x3;
	[sflag:s13] =	ssyncset.done $0x0  }
0x54: {  	s26 =	sadd.s32 s26, s28;
	[sflag:s13] =	ssyncadd.s32 $0xFFFFC000  }
0x55: {  	[tilespmem:s6], [sflag:$0x4] =	stream.linear.gather [hbm4b:s26+s2], $0x80, $0x38;
	[tilespmem:$0x8100] =	vst v63  }
0x56: {  	_ =	swait.ge [sflag:s10], $0x80  }
0x57: {  	[sflag:s10] =	ssyncset.done $0x0  }
0x58: {  	[sflag:s10] =	ssyncadd.s32 $0xFFFFFF80  }
0x59: {  	[tilespmem:s11], [sflag:$0x2] =	stream.indirect.gather [hbm4b:s8+s9], $0x80, s6, s9, $0xb8;
	[tilespmem:$0x8100] =	vst v63  }
0x5a: {  	_ =	swait.ge [sflag:s12], $0x4000  }
0x5b: {  	s28 =	sshll.u32 s31, $0x4;
	[sflag:s12] =	ssyncset.done $0x0  }
0x5c: {  	s30 =	ssub.s32 $0x2, s30;
	s28 =	sadd.s32 s29, s28;
	[sflag:s12] =	ssyncadd.s32 $0xFFFFC000  }
0x5d: {  	[hbm4b:s28+s2] =	stream.linear.scatter [tilespmem:s2], [sflag:$0x5], $0x4000, $0x38;
	[tilespmem:$0x8100] =	vst v63  }
0x5e: {  	s31 =	sshrl.u32 s30, $0x1;
	_ =	swait.ge [sflag:s13], $0x4000  }
0x5f: {  	s30 =	ssub.s32 s30, s31;
	[sflag:s13] =	ssyncset.done $0x0  }
0x60: {  	s31 =	smax.u32 s30, $0x1;
	[sflag:s13] =	ssyncadd.s32 $0xFFFFC000  }
0x61: {  	p0 =	sne.s32 s31, $0x1;
	_ =	swait.ge [sflag:s16], $0x4000  }
.Ltmp0:
0x62: {  	s0 =	sshll.u32 s0, $0x4;
	[sflag:s16] =	ssyncset.done $0x0;
	(pc) =	sbr.rel @!p0 .LBB2_2-.Ltmp0, $4  }
0x63: {  	s29 =	sadd.s32 s29, s0;
	[sflag:s16] =	ssyncadd.s32 $0xFFFFC000  }
0x64: {  	[hbm4b:s29+s2] =	stream.linear.scatter [tilespmem:s11], [sflag:$0x5], $0x4000, $0x38;
	[tilespmem:$0x8100] =	vst v63  }
0x65: {  	_ =	swait.ge [sflag:s13], $0x4000  }
0x66: {  	s30 =	sadd.s32 $0xFFFFFFFF, s31;
	[sflag:s13] =	ssyncset.done $0x0  }
.LBB2_1:
0x67: {  	p0 =	sne.s32 s30, $0x1;
	s30 =	sadd.s32 $0xFFFFFFFF, s30;
	[sflag:s13] =	ssyncadd.s32 $0xFFFFC000  }
0x68: {  	[tilespmem:s4], [sflag:$0x3] =	stream.linear.gather [hbm4b:s3+s2], $0x80, $0x38;
	[tilespmem:$0x8100] =	vst v63  }
0x69: {  	_ = 	snop  }
0x6a: {  	[tilespmem:s6], [sflag:$0x4] =	stream.linear.gather [hbm4b:s5+s2], $0x80, $0x38;
	[tilespmem:$0x8100] =	vst v63  }
0x6b: {  	_ =	swait.ge [sflag:s7], $0x80  }
0x6c: {  	[sflag:s7] =	ssyncset.done $0x0  }
0x6d: {  	[sflag:s7] =	ssyncadd.s32 $0xFFFFFF80  }
0x6e: {  	[tilespmem:s2], [sflag:$0x1] =	stream.indirect.gather [hbm4b:s8+s9], $0x80, s4, s9, $0xb8;
	[tilespmem:$0x8100] =	vst v63  }
0x6f: {  	_ =	swait.ge [sflag:s10], $0x80  }
0x70: {  	[sflag:s10] =	ssyncset.done $0x0  }
0x71: {  	[sflag:s10] =	ssyncadd.s32 $0xFFFFFF80  }
0x72: {  	[tilespmem:s11], [sflag:$0x2] =	stream.indirect.gather [hbm4b:s8+s9], $0x80, s6, s9, $0xb8;
	[tilespmem:$0x8100] =	vst v63  }
0x73: {  	_ =	swait.ge [sflag:s12], $0x4000  }
0x74: {  	[sflag:s12] =	ssyncset.done $0x0  }
0x75: {  	[sflag:s12] =	ssyncadd.s32 $0xFFFFC000  }
0x76: {  	[hbm4b:s14+s2] =	stream.linear.scatter [tilespmem:s2], [sflag:$0x5], $0x4000, $0x38;
	[tilespmem:$0x8100] =	vst v63  }
0x77: {  	_ =	swait.ge [sflag:s13], $0x4000  }
0x78: {  	[sflag:s13] =	ssyncset.done $0x0  }
0x79: {  	[sflag:s13] =	ssyncadd.s32 $0xFFFFC000  }
0x7a: {  	[tilespmem:s4], [sflag:$0x3] =	stream.linear.gather [hbm4b:s15+s2], $0x80, $0x38;
	[tilespmem:$0x8100] =	vst v63  }
0x7b: {  	_ =	swait.ge [sflag:s7], $0x80  }
0x7c: {  	[sflag:s7] =	ssyncset.done $0x0  }
0x7d: {  	[sflag:s7] =	ssyncadd.s32 $0xFFFFFF80  }
0x7e: {  	[tilespmem:s2], [sflag:$0x1] =	stream.indirect.gather [hbm4b:s8+s9], $0x80, s4, s9, $0xb8;
	[tilespmem:$0x8100] =	vst v63  }
0x7f: {  	_ =	swait.ge [sflag:s16], $0x4000  }
0x80: {  	[sflag:s16] =	ssyncset.done $0x0  }
0x81: {  	[sflag:s16] =	ssyncadd.s32 $0xFFFFC000  }
0x82: {  	[hbm4b:s17+s2] =	stream.linear.scatter [tilespmem:s11], [sflag:$0x5], $0x4000, $0x38;
	[tilespmem:$0x8100] =	vst v63  }
0x83: {  	_ =	swait.ge [sflag:s13], $0x4000  }
0x84: {  	[sflag:s13] =	ssyncset.done $0x0  }
0x85: {  	[sflag:s13] =	ssyncadd.s32 $0xFFFFC000  }
0x86: {  	[tilespmem:s6], [sflag:$0x4] =	stream.linear.gather [hbm4b:s18+s2], $0x80, $0x38;
	[tilespmem:$0x8100] =	vst v63  }
0x87: {  	_ =	swait.ge [sflag:s10], $0x80  }
0x88: {  	[sflag:s10] =	ssyncset.done $0x0  }
0x89: {  	[sflag:s10] =	ssyncadd.s32 $0xFFFFFF80  }
0x8a: {  	[tilespmem:s11], [sflag:$0x2] =	stream.indirect.gather [hbm4b:s8+s9], $0x80, s6, s9, $0xb8;
	[tilespmem:$0x8100] =	vst v63  }
0x8b: {  	_ =	swait.ge [sflag:s12], $0x4000  }
0x8c: {  	[sflag:s12] =	ssyncset.done $0x0  }
0x8d: {  	[sflag:s12] =	ssyncadd.s32 $0xFFFFC000  }
0x8e: {  	[hbm4b:s19+s2] =	stream.linear.scatter [tilespmem:s2], [sflag:$0x5], $0x4000, $0x38;
	[tilespmem:$0x8100] =	vst v63  }
0x8f: {  	_ =	swait.ge [sflag:s13], $0x4000  }
0x90: {  	[sflag:s13] =	ssyncset.done $0x0  }
0x91: {  	[sflag:s13] =	ssyncadd.s32 $0xFFFFC000  }
0x92: {  	[tilespmem:s4], [sflag:$0x3] =	stream.linear.gather [hbm4b:s20+s2], $0x80, $0x38;
	[tilespmem:$0x8100] =	vst v63  }
0x93: {  	_ =	swait.ge [sflag:s7], $0x80  }
0x94: {  	[sflag:s7] =	ssyncset.done $0x0  }
0x95: {  	[sflag:s7] =	ssyncadd.s32 $0xFFFFFF80  }
0x96: {  	[tilespmem:s2], [sflag:$0x1] =	stream.indirect.gather [hbm4b:s8+s9], $0x80, s4, s9, $0xb8;
	[tilespmem:$0x8100] =	vst v63  }
0x97: {  	_ =	swait.ge [sflag:s16], $0x4000  }
0x98: {  	[sflag:s16] =	ssyncset.done $0x0  }
0x99: {  	[sflag:s16] =	ssyncadd.s32 $0xFFFFC000  }
0x9a: {  	[hbm4b:s21+s2] =	stream.linear.scatter [tilespmem:s11], [sflag:$0x5], $0x4000, $0x38;
	[tilespmem:$0x8100] =	vst v63  }
0x9b: {  	_ =	swait.ge [sflag:s13], $0x4000  }
0x9c: {  	[sflag:s13] =	ssyncset.done $0x0  }
0x9d: {  	[sflag:s13] =	ssyncadd.s32 $0xFFFFC000  }
0x9e: {  	[tilespmem:s6], [sflag:$0x4] =	stream.linear.gather [hbm4b:s22+s2], $0x80, $0x38;
	[tilespmem:$0x8100] =	vst v63  }
0x9f: {  	_ =	swait.ge [sflag:s10], $0x80  }
0xa0: {  	[sflag:s10] =	ssyncset.done $0x0  }
0xa1: {  	[sflag:s10] =	ssyncadd.s32 $0xFFFFFF80  }
0xa2: {  	[tilespmem:s11], [sflag:$0x2] =	stream.indirect.gather [hbm4b:s8+s9], $0x80, s6, s9, $0xb8;
	[tilespmem:$0x8100] =	vst v63  }
0xa3: {  	_ =	swait.ge [sflag:s12], $0x4000  }
0xa4: {  	[sflag:s12] =	ssyncset.done $0x0  }
0xa5: {  	[sflag:s12] =	ssyncadd.s32 $0xFFFFC000  }
0xa6: {  	[hbm4b:s23+s2] =	stream.linear.scatter [tilespmem:s2], [sflag:$0x5], $0x4000, $0x38;
	[tilespmem:$0x8100] =	vst v63  }
0xa7: {  	_ =	swait.ge [sflag:s13], $0x4000  }
0xa8: {  	[sflag:s13] =	ssyncset.done $0x0  }
0xa9: {  	[sflag:s13] =	ssyncadd.s32 $0xFFFFC000  }
0xaa: {  	[tilespmem:s4], [sflag:$0x3] =	stream.linear.gather [hbm4b:s24+s2], $0x80, $0x38;
	[tilespmem:$0x8100] =	vst v63  }
0xab: {  	_ =	swait.ge [sflag:s7], $0x80  }
0xac: {  	[sflag:s7] =	ssyncset.done $0x0  }
0xad: {  	[sflag:s7] =	ssyncadd.s32 $0xFFFFFF80  }
0xae: {  	[tilespmem:s2], [sflag:$0x1] =	stream.indirect.gather [hbm4b:s8+s9], $0x80, s4, s9, $0xb8;
	[tilespmem:$0x8100] =	vst v63  }
0xaf: {  	_ =	swait.ge [sflag:s16], $0x4000  }
0xb0: {  	[sflag:s16] =	ssyncset.done $0x0  }
0xb1: {  	[sflag:s16] =	ssyncadd.s32 $0xFFFFC000  }
0xb2: {  	[hbm4b:s25+s2] =	stream.linear.scatter [tilespmem:s11], [sflag:$0x5], $0x4000, $0x38;
	[tilespmem:$0x8100] =	vst v63  }
0xb3: {  	_ =	swait.ge [sflag:s13], $0x4000  }
0xb4: {  	[sflag:s13] =	ssyncset.done $0x0  }
0xb5: {  	[sflag:s13] =	ssyncadd.s32 $0xFFFFC000  }
0xb6: {  	[tilespmem:s6], [sflag:$0x4] =	stream.linear.gather [hbm4b:s26+s2], $0x80, $0x38;
	[tilespmem:$0x8100] =	vst v63  }
0xb7: {  	_ =	swait.ge [sflag:s10], $0x80  }
0xb8: {  	[sflag:s10] =	ssyncset.done $0x0  }
0xb9: {  	[sflag:s10] =	ssyncadd.s32 $0xFFFFFF80  }
0xba: {  	[tilespmem:s11], [sflag:$0x2] =	stream.indirect.gather [hbm4b:s8+s9], $0x80, s6, s9, $0xb8;
	[tilespmem:$0x8100] =	vst v63  }
0xbb: {  	_ =	swait.ge [sflag:s12], $0x4000  }
0xbc: {  	[sflag:s12] =	ssyncset.done $0x0  }
0xbd: {  	[sflag:s12] =	ssyncadd.s32 $0xFFFFC000  }
0xbe: {  	[hbm4b:s28+s2] =	stream.linear.scatter [tilespmem:s2], [sflag:$0x5], $0x4000, $0x38;
	[tilespmem:$0x8100] =	vst v63  }
0xbf: {  	_ =	swait.ge [sflag:s13], $0x4000  }
0xc0: {  	[sflag:s13] =	ssyncset.done $0x0  }
0xc1: {  	[sflag:s13] =	ssyncadd.s32 $0xFFFFC000  }
0xc2: {  	_ =	swait.ge [sflag:s16], $0x4000  }
.Ltmp1:
0xc3: {  	[sflag:s16] =	ssyncset.done $0x0;
	(pc) =	sbr.rel @p0 .LBB2_1-.Ltmp1, $4  }
0xc4: {  	[sflag:s16] =	ssyncadd.s32 $0xFFFFC000  }
0xc5: {  	[hbm4b:s29+s2] =	stream.linear.scatter [tilespmem:s11], [sflag:$0x5], $0x4000, $0x38;
	[tilespmem:$0x8100] =	vst v63  }
0xc6: {  	_ =	swait.ge [sflag:s13], $0x4000  }
0xc7: {  	[sflag:s13] =	ssyncset.done $0x0  }
.LBB2_2:
0xc8: {  	[sflag:s13] =	ssyncadd.s32 $0xFFFFC000  }
0xc9: {  	_ =	sfence.sel $0x180000  }
0xca: {  	[bflag:$0x0] =	sbarrier.arrive $0xFFFF  }
0xcb: {  	_ =	strace $0x9000004A  }
0xcc: {  	[bflag:$0x2] =	sbarrier.arrive $0xFFFF  }
0xcd: {  	p0 =	sne.s32 s1, $0x0;
	s0 =	rddreg [dreg:$0x2]  }
0xce: {  	s0 =	sadd.s32 @!p0 $0x100000, s0  }
0xcf: {  	[sflag:s0] =	ssyncadd.tile.s32 @!p0 $0x1;
	_ =	shalt  }
.Lfunc_end2:
_tile_overlayer_lowered:
.L_overlay_start_2:
0xd0: {  	(tag) =	ssettag $0x2  }
0xd1: {  	s0 =	rddreg [dreg:$0x0];
	s2 =	stileid.u32  }
0xd2: {  	s1 =	rddreg [dreg:$0x1];
	p0 =	sne.s32 s2, $0x0  }
0xd3: {  	s3 =	rddreg [dreg:$0x2];
	[bflag:$0x3] =	sbarrier.arrive $0xFFFF;
	s2 =	simm.s32 @!p0 $0x1C05  }
0xd4: {  	[timem:s3], [sflag:s2] =	dma.local @!p0 [hbm:s0], s1  }
0xd5: {  	s0 =	simm.s32 @!p0 $0x5  }
0xd6: {  	_ =	swait.ge @!p0 [sflag:s0], s1  }
0xd7: {  	s1 =	ssub.s32 @!p0 $0x0, s1;
	[sflag:s0] =	ssyncset.done @!p0 $0x0  }
0xd8: {  	[sflag:s0] =	ssyncadd.s32 @!p0 s1  }
0xd9: {  	[bflag:$0x3] =	sbarrier.arrive $0xFFFF  }
0xda: {  	_ =	shalt  }

// kernel: kernel.7.cloned.1.call-start
scs
__scs_entry_jumppad:
0x0: {  	(pc) =	sbr.rel $0x88, $3  }
0x1: {  	(tag) =	ssettag $0x0;
	lr =	simm.s32 $0x1  }
0x2: {  	[smem:$0x3F8E] =	sst lr;
	_ =	strace $0xD0000000  }
0x3: {  	_ = 	snop  }
0x4: {  	_ = 	snop  }
0x5: {  	_ = 	snop  }
0x6: {  	_ = 	snop  }
0x7: {  	_ = 	snop  }
__scs_overlays_trampoline_lowered:
0x8: {  	[smem:$0x3F9D] =	sst s0  }
0x9: {  	[smem:$0x3F9E] =	sst s1  }
0xa: {  	[smem:$0x3F9F] =	sst s2  }
0xb: {  	[smem:$0x3FA0] =	sst s3  }
0xc: {  	[smem:$0x3FA1] =	sst s4  }
0xd: {  	[smem:$0x3FA2] =	sst s5  }
0xe: {  	[smem:$0x3FA3] =	sst s6  }
0xf: {  	[smem:$0x3FA4] =	sst s7  }
0x10: {  	[smem:$0x3FA5] =	sst s8  }
0x11: {  	[smem:$0x3FA6] =	sst s9;
	s0 =	simm.s32 @!p0 $0x0  }
0x12: {  	s1 =	sld [smem:$0x3F8C];
	s0 =	simm.s32 @p0 $0x1  }
0x13: {  	[smem:$0x3FA7] =	sst s0;
	s0 =	simm.s32 @!p1 $0x0  }
0x14: {  	s2 =	sld [smem:$0x3F8B];
	s0 =	simm.s32 @p1 $0x1  }
0x15: {  	[smem:$0x3FA8] =	sst s0;
	s0 =	simm.s32 @!p2 $0x0  }
0x16: {  	s3 =	sld [smem:$0x3FDB];
	s0 =	simm.s32 @p2 $0x1  }
0x17: {  	s4 =	simm.s32 $0x1BF5;
	[smem:$0x3FAA] =	sst s0  }
0x18: {  	s0 =	sld [smem:$0x3F8D];
	_ =	swait.ge [sflag:s4], $0x0  }
0x19: {  	s7 =	sld [smem:$0x3F8E]  }
0x1a: {  	s8 =	sadd.s32 $0xFFFFE003, lr  }
0x1b: {  	s9 =	sadd.s32 $0xFFFFFEF7, lr;
	s5 =	simm.s32 $0xFFFFFFFF;
	p2 =	slt.u32 s8, $0xFFFFF086  }
0x1c: {  	p1 =	slt.u32 s9, $0xF7A;
	s5 =	simm.s32 @!p2 $0x0  }
0x1d: {  	s5 =	simm.s32 @p1 $0x1;
	p0 =	seq.s32 s7, s2  }
0x1e: {  	s7 =	smul.u32 @!p0 $0xF7A, s2;
	p2 =	seq.s32 @!p0 s5, $0x0  }
0x1f: {  	s9 =	smul.u32 $0xF7A, s1;
	s8 =	simm.s32 @!p0 $0x1BF5;
	p2 =	por !p2, p0  }
0x20: {  	[sflag:s8] =	ssyncset.s32 @!p0 $0xFFFFF086;
	s6 =	sadd.s32 @!p0 s3, s7;
	s7 =	simm.s32 @!p0 $0x108  }
0x21: {  	s3 =	sadd.s32 s3, s9;
	s6 =	sadd.s32 @!p0 $0x88, s6;
	s7 =	simm.s32 @p2 $0x1082  }
0x22: {  	[simem:s7], [sflag:s8] =	dma.local @!p0 [hbm:s6], $0xF7A  }
0x23: {  	s9 =	sor.u32 $0xD0000000, s2;
	s6 =	simm.s32 $0x108;
	_ =	swait.ge @!p0 [sflag:s8], $0x0  }
0x24: {  	s3 =	sadd.s32 $0x88, s3;
	s6 =	simm.s32 @!p1 $0x1082;
	[sflag:s4] =	ssyncset.s32 $0xFFFFF086  }
0x25: {  	[simem:s6], [sflag:s4] =	dma.local [hbm:s3], $0xF7A  }
0x26: {  	[smem:$0x3F8E] =	sst s1;
	(tag) =	ssettag s2;
	_ =	strace s9  }
0x27: {  	s1 =	sld [smem:$0x3F9E]  }
0x28: {  	s2 =	sld [smem:$0x3F9F]  }
0x29: {  	s4 =	sld [smem:$0x3FA1]  }
0x2a: {  	p0 =	seq.s32 s5, $0x0;
	s5 =	sld [smem:$0x3FA2]  }
0x2b: {  	s6 =	sld [smem:$0x3FA3]  }
0x2c: {  	s7 =	sld [smem:$0x3FA4]  }
0x2d: {  	s3 =	simm.s32 $0x108;
	s8 =	sld [smem:$0x3FA5]  }
0x2e: {  	s3 =	simm.s32 @!p0 $0x1082;
	s9 =	sld [smem:$0x3FA6]  }
0x2f: {  	lr =	sadd.s32 s0, s3;
	s0 =	sld [smem:$0x3F9D]  }
0x30: {  	s3 =	sld [smem:$0x3FA0]  }
0x31: {  	[smem:$0x3FA9] =	sst s10  }
0x32: {  	s10 =	sld [smem:$0x3FA7];
	_ =	sdelay $0x3  }
0x33: {  	p0 =	seq.s32 s10, $0x1;
	s10 =	sld [smem:$0x3FA9];
	_ =	sdelay $0x3  }
0x34: {  	[smem:$0x3FA9] =	sst s10  }
0x35: {  	s10 =	sld [smem:$0x3FA8];
	_ =	sdelay $0x3  }
0x36: {  	p1 =	seq.s32 s10, $0x1;
	s10 =	sld [smem:$0x3FA9];
	_ =	sdelay $0x3  }
0x37: {  	[smem:$0x3FA9] =	sst s10  }
0x38: {  	s10 =	sld [smem:$0x3FAA]  }
0x39: {  	_ = 	snop;
	(pc) =	sbr.ind lr, $3  }
0x3a: {  	_ = 	snop  }
0x3b: {  	_ = 	snop  }
0x3c: {  	p2 =	seq.s32 s10, $0x1;
	s10 =	sld [smem:$0x3FA9]  }
0x3d: {  	_ =	shalt  }
0x3e: {  	_ =	shalt  }
0x3f: {  	_ =	shalt  }
0x40: {  	_ =	shalt  }
0x41: {  	_ =	shalt  }
0x42: {  	_ =	shalt  }
0x43: {  	_ =	shalt  }
0x44: {  	_ =	shalt  }
0x45: {  	_ =	shalt  }
0x46: {  	_ =	shalt  }
0x47: {  	_ =	shalt  }
0x48: {  	_ =	shalt  }
0x49: {  	_ =	shalt  }
0x4a: {  	_ =	shalt  }
0x4b: {  	_ =	shalt  }
0x4c: {  	_ =	shalt  }
0x4d: {  	_ =	shalt  }
0x4e: {  	_ =	shalt  }
0x4f: {  	_ =	shalt  }
0x50: {  	_ =	shalt  }
0x51: {  	_ =	shalt  }
0x52: {  	_ =	shalt  }
0x53: {  	_ =	shalt  }
0x54: {  	_ =	shalt  }
0x55: {  	_ =	shalt  }
0x56: {  	_ =	shalt  }
0x57: {  	_ =	shalt  }
0x58: {  	_ =	shalt  }
0x59: {  	_ =	shalt  }
0x5a: {  	_ =	shalt  }
0x5b: {  	_ =	shalt  }
0x5c: {  	_ =	shalt  }
0x5d: {  	_ =	shalt  }
0x5e: {  	_ =	shalt  }
0x5f: {  	_ =	shalt  }
0x60: {  	_ =	shalt  }
0x61: {  	_ =	shalt  }
0x62: {  	_ =	shalt  }
0x63: {  	_ =	shalt  }
0x64: {  	_ =	shalt  }
0x65: {  	_ =	shalt  }
0x66: {  	_ =	shalt  }
0x67: {  	_ =	shalt  }
0x68: {  	_ =	shalt  }
0x69: {  	_ =	shalt  }
0x6a: {  	_ =	shalt  }
0x6b: {  	_ =	shalt  }
0x6c: {  	_ =	shalt  }
0x6d: {  	_ =	shalt  }
0x6e: {  	_ =	shalt  }
0x6f: {  	_ =	shalt  }
0x70: {  	_ =	shalt  }
0x71: {  	_ =	shalt  }
0x72: {  	_ =	shalt  }
0x73: {  	_ =	shalt  }
0x74: {  	_ =	shalt  }
0x75: {  	_ =	shalt  }
0x76: {  	_ =	shalt  }
0x77: {  	_ =	shalt  }
0x78: {  	_ =	shalt  }
0x79: {  	_ =	shalt  }
0x7a: {  	_ =	shalt  }
0x7b: {  	_ =	shalt  }
0x7c: {  	_ =	shalt  }
0x7d: {  	_ =	shalt  }
0x7e: {  	_ =	shalt  }
0x7f: {  	_ =	shalt  }
0x80: {  	_ =	shalt  }
0x81: {  	_ =	shalt  }
0x82: {  	_ =	shalt  }
0x83: {  	_ =	shalt  }
0x84: {  	_ =	shalt  }
0x85: {  	_ =	shalt  }
0x86: {  	_ =	shalt  }
0x87: {  	_ =	shalt  }
.Lfunc_end0:
.L_simem_size_0:
called_computation_lowered:
.L_overlay_start_0:
0x88: {  	s2 =	sld [smem:$0x3FD9]  }
0x89: {  	s3 =	sld [smem:$0x3FFE];
	_ =	sdelay $0x1  }
0x8a: {  	s1 =	srdreg.scid  }
0x8b: {  	s0 =	sand.u32 $0x1, s1  }
0x8c: {  	s17 =	sshll.u32 s0, $0xA;
	s2 =	sadd.s32 s3, s2  }
0x8d: {  	s2 =	sadd.s32 s2, s17  }
0x8e: {  	[smem:$0x3FB5] =	sst s2  }
0x8f: {  	_ = 	snop  }
0x90: {  	s2 =	sld [smem:$0x3FD0];
	(tm) =	ssettm $0x1  }
0x91: {  	s18 =	sld [smem:$0x3FFB];
	_ =	sdelay $0x3  }
0x92: {  	_ =	strace s18  }
0x93: {  	s3 =	sld [smem:$0x3FFC];
	_ =	sdelay $0x3  }
0x94: {  	_ =	strace s3  }
0x95: {  	s3 =	sld [smem:$0x3FFD];
	_ =	sdelay $0x3  }
0x96: {  	_ =	strace s3  }
0x97: {  	_ =	strace $0x8FFFFFFF  }
0x98: {  	s19 =	sld [smem:$0x3FDB];
	_ =	sdelay $0x1  }
0x99: {  	s4 =	simm.s32 $_scs_section_size  }
0x9a: {  	s5 =	simm.s32 $_size__tile_overlayer_lowered;
	s6 =	simm.s32 $_tile_overlayer_lowered  }
0x9b: {  	s22 =	simm.s32 $0x1BFF;
	s21 =	sshll.u32 s6, $0x1;
	s3 =	sadd.s32 s4, s19  }
0x9c: {  	s7 =	simm.s32 $0x0;
	s20 =	sshll.u32 s5, $0x1;
	s5 =	sadd.s32 s21, s3  }
0x9d: {  	[timem:s7], [sflag:s22] =	dma.local [hbm:s5], s20  }
0x9e: {  	_ =	swait.ge [sflag:s22], s20  }
0x9f: {  	s4 =	ssub.s32 $0x0, s20;
	[sflag:s22] =	ssyncset.done $0x0  }
0xa0: {  	[sflag:s22] =	ssyncadd.s32 s4;
	_ =	sdelay $0x1  }
0xa1: {  	s23 =	simm.s32 $0x1B8B  }
0xa2: {  	_ =	swait.ge [sflag:s23], $0x1  }
0xa3: {  	[sflag:s23] =	ssyncset.done $0x0  }
0xa4: {  	s25 =	simm.s32 $0x1B8E;
	s24 =	sld [smem:$0x3FFE];
	[sflag:s23] =	ssyncadd.s32 $0xFFFFFFFF  }
0xa5: {  	s26 =	simm.s32 $execute0_lowered;
	[smem:$0x3FD2] =	sst s25  }
0xa6: {  	s5 =	sshll.u32 s26, $0x1;
	_ =	strace $0x80000046;
	[dreg:$0x1] =	wrdreg $0xFFFFFFFF  }
0xa7: {  	s28 =	simm.s32 $_size_execute0_lowered;
	s3 =	sadd.s32 s3, s5;
	[dreg:$0x0] =	wrdreg $0x0  }
0xa8: {  	s5 =	sshll.u32 s28, $0x1;
	[dreg:$0x2] =	wrdreg s3  }
0xa9: {  	[dreg:$0x3] =	wrdreg s5  }
0xaa: {  	[dreg:$0x4] =	wrdreg $0xC0  }
0xab: {  	_ =	task [dreg:s7], $0x5FFFF  }
0xac: {  	[dreg:$0x1] =	wrdreg $0xFFFFFFFF  }
0xad: {  	[dreg:$0x0] =	wrdreg $0x60  }
0xae: {  	[dreg:$0x2] =	wrdreg s2  }
0xaf: {  	[dreg:$0x3] =	wrdreg s24  }
0xb0: {  	[dreg:$0x4] =	wrdreg $0x9  }
0xb1: {  	_ =	task.clear_ibuf [dreg:s7], $0x5FFFF;
	_ =	strace $0x90000046  }
0xb2: {  	s29 =	simm.s32 $0x9;
	_ =	strace $0x80000048  }
0xb3: {  	_ =	swait.ge [sflag:s29], $0x1  }
0xb4: {  	[sflag:s29] =	ssyncadd.s32 $0xFFFFFFFF  }
0xb5: {  	_ =	strace $0x90000048  }
0xb6: {  	_ =	sfence  }
0xb7: {  	s30 =	sld [smem:$0x0];
	_ =	sdelay $0x2  }
0xb8: {  	s31 =	sshll.u32 s1, $0xD;
	s1 =	sshrl.u32 s1, $0x2  }
0xb9: {  	s3 =	sand.u32 $0x4000, s31;
	s1 =	sadd.s32 s1, s30  }
0xba: {  	s0 =	sor.u32 s3, s0;
	s1 =	sshll.u32 s1, $0x11  }
0xbb: {  	s0 =	sor.u32 s1, s0  }
0xbc: {  	s0 =	sadd.s32 $0x8F2B, s0  }
0xbd: {  	[sflag:s0] =	ssyncadd.remote.s32 $0x1  }
0xbe: {  	_ =	sfence.sel $0xFFFF  }
0xbf: {  	[dreg:$0x0] =	wrdreg $0xFFFFFFFF;
	(pc) =	sbr.abs _section_cstart, $3  }
0xc0: {  	[dreg:$0x1] =	wrdreg $0xFFFFFFFF  }
0xc1: {  	_ =	task.clear_ibuf [dreg:s7], $0x2FFFF;
	_ =	strace $0x9FFFFFFF  }
0xc2: {  	(tm) =	ssettm $0x7FFFFFFF  }
0xc3: {  	_ =	shalt  }
tec
execute0_lowered:
.L_overlay_start_1:
0x0: {  	(tag) =	ssettag $0x1  }
0x1: {  	s1 =	srdreg.scid  }
0x2: {  	s28 =	rddreg [dreg:$0x0];
	s0 =	stileid.u32  }
0x3: {  	s12 =	rddreg [dreg:$0x1];
	s2 =	simm.s32 $0x0;
	s29 =	sand.u32 $0x1, s1  }
0x4: {  	s3 =	sshll.u32 s0, $0xB;
	s1 =	rddreg [dreg:$0x2];
	s4 =	sshll.u32 s29, $0xA  }
0x5: {  	[smem:$0x7FF] =	sst s2;
	s26 =	sadd.s32 $0x1600, s12;
	s30 =	sor.u32 s4, s3  }
0x6: {  	_ =	strace $0x80000047;
	s4 =	simm.s32 $0x8000;
	s3 =	sshrl.u32 s30, $0x3  }
0x7: {  	s5 =	sshll.u32 s30, $0x4;
	s7 =	sor.u32 $0x80, s30;
	s3 =	sadd.s32 s26, s3  }
0x8: {  	[tilespmem:s4], [sflag:$0x3] =	stream.linear.gather [hbm4b:s3+s2], $0x80, $0x38;
	[tilespmem:$0x8100] =	vst v63  }
0x9: {  	s5 =	sadd.s32 s28, s5;
	s6 =	sshrl.u32 s7, $0x3  }
0xa: {  	[tilespmem:s2], [sflag:$0x1] =	stream.linear.gather [hbm4b:s5+s2], $0x4000, $0x38;
	[tilespmem:$0x8100] =	vst v63  }
0xb: {  	s8 =	sshll.u32 s7, $0x4;
	s7 =	simm.s32 $0x8080;
	s6 =	sadd.s32 s26, s6  }
0xc: {  	[tilespmem:s7], [sflag:$0x4] =	stream.linear.gather [hbm4b:s6+s2], $0x80, $0x38;
	[tilespmem:$0x8100] =	vst v63  }
0xd: {  	s9 =	simm.s32 $0x4000;
	s10 =	simm.s32 $0x3;
	s8 =	sadd.s32 s28, s8  }
0xe: {  	[tilespmem:s9], [sflag:$0x2] =	stream.linear.gather [hbm4b:s8+s2], $0x4000, $0x38;
	[tilespmem:$0x8100] =	vst v63  }
0xf: {  	_ =	swait.ge [sflag:s10], $0x80  }
0x10: {  	[sflag:s10] =	ssyncset.done $0x0  }
0x11: {  	s11 =	simm.s32 $0x1;
	[sflag:s10] =	ssyncadd.s32 $0xFFFFFF80  }
0x12: {  	_ =	swait.ge [sflag:s11], $0x4000  }
0x13: {  	[sflag:s11] =	ssyncset.done $0x0  }
0x14: {  	s13 =	simm.s32 $0x80;
	s12 =	sadd.s32 $0x2600, s12;
	[sflag:s11] =	ssyncadd.s32 $0xFFFFC000  }
0x15: {  	[hbm4b:s12+s13] =	stream.indirect.scatter [tilespmem:s2], [sflag:$0x1], $0x80, s4, s13, $0xb8;
	[tilespmem:$0x8100] =	vst v63  }
0x16: {  	s15 =	sor.u32 $0x100, s30;
	_ =	swait.ge [sflag:s11], $0x4000  }
0x17: {  	s14 =	sshrl.u32 s15, $0x3;
	[sflag:s11] =	ssyncset.done $0x0  }
0x18: {  	s15 =	sshll.u32 s15, $0x4;
	s14 =	sadd.s32 s26, s14;
	[sflag:s11] =	ssyncadd.s32 $0xFFFFC000  }
0x19: {  	[tilespmem:s4], [sflag:$0x3] =	stream.linear.gather [hbm4b:s14+s2], $0x80, $0x38;
	[tilespmem:$0x8100] =	vst v63  }
0x1a: {  	s16 =	simm.s32 $0x4;
	s15 =	sadd.s32 s28, s15  }
0x1b: {  	[tilespmem:s2], [sflag:$0x1] =	stream.linear.gather [hbm4b:s15+s2], $0x4000, $0x38;
	[tilespmem:$0x8100] =	vst v63  }
0x1c: {  	_ =	swait.ge [sflag:s16], $0x80  }
0x1d: {  	[sflag:s16] =	ssyncset.done $0x0  }
0x1e: {  	s17 =	simm.s32 $0x2;
	[sflag:s16] =	ssyncadd.s32 $0xFFFFFF80  }
0x1f: {  	_ =	swait.ge [sflag:s17], $0x4000  }
0x20: {  	[sflag:s17] =	ssyncset.done $0x0  }
0x21: {  	[sflag:s17] =	ssyncadd.s32 $0xFFFFC000  }
0x22: {  	[hbm4b:s12+s13] =	stream.indirect.scatter [tilespmem:s9], [sflag:$0x2], $0x80, s7, s13, $0xb8;
	[tilespmem:$0x8100] =	vst v63  }
0x23: {  	s19 =	sor.u32 $0x180, s30;
	_ =	swait.ge [sflag:s17], $0x4000  }
0x24: {  	s18 =	sshrl.u32 s19, $0x3;
	[sflag:s17] =	ssyncset.done $0x0  }
0x25: {  	s19 =	sshll.u32 s19, $0x4;
	s18 =	sadd.s32 s26, s18;
	[sflag:s17] =	ssyncadd.s32 $0xFFFFC000  }
0x26: {  	[tilespmem:s7], [sflag:$0x4] =	stream.linear.gather [hbm4b:s18+s2], $0x80, $0x38;
	[tilespmem:$0x8100] =	vst v63  }
0x27: {  	s19 =	sadd.s32 s28, s19  }
0x28: {  	[tilespmem:s9], [sflag:$0x2] =	stream.linear.gather [hbm4b:s19+s2], $0x4000, $0x38;
	[tilespmem:$0x8100] =	vst v63  }
0x29: {  	_ =	swait.ge [sflag:s10], $0x80  }
0x2a: {  	[sflag:s10] =	ssyncset.done $0x0  }
0x2b: {  	[sflag:s10] =	ssyncadd.s32 $0xFFFFFF80  }
0x2c: {  	_ =	swait.ge [sflag:s11], $0x4000  }
0x2d: {  	[sflag:s11] =	ssyncset.done $0x0  }
0x2e: {  	[sflag:s11] =	ssyncadd.s32 $0xFFFFC000  }
0x2f: {  	[hbm4b:s12+s13] =	stream.indirect.scatter [tilespmem:s2], [sflag:$0x1], $0x80, s4, s13, $0xb8;
	[tilespmem:$0x8100] =	vst v63  }
0x30: {  	s21 =	sor.u32 $0x200, s30;
	_ =	swait.ge [sflag:s11], $0x4000  }
0x31: {  	s20 =	sshrl.u32 s21, $0x3;
	[sflag:s11] =	ssyncset.done $0x0  }
0x32: {  	s21 =	sshll.u32 s21, $0x4;
	s20 =	sadd.s32 s26, s20;
	[sflag:s11] =	ssyncadd.s32 $0xFFFFC000  }
0x33: {  	[tilespmem:s4], [sflag:$0x3] =	stream.linear.gather [hbm4b:s20+s2], $0x80, $0x38;
	[tilespmem:$0x8100] =	vst v63  }
0x34: {  	s21 =	sadd.s32 s28, s21  }
0x35: {  	[tilespmem:s2], [sflag:$0x1] =	stream.linear.gather [hbm4b:s21+s2], $0x4000, $0x38;
	[tilespmem:$0x8100] =	vst v63  }
0x36: {  	_ =	swait.ge [sflag:s16], $0x80  }
0x37: {  	[sflag:s16] =	ssyncset.done $0x0  }
0x38: {  	[sflag:s16] =	ssyncadd.s32 $0xFFFFFF80  }
0x39: {  	_ =	swait.ge [sflag:s17], $0x4000  }
0x3a: {  	[sflag:s17] =	ssyncset.done $0x0  }
0x3b: {  	[sflag:s17] =	ssyncadd.s32 $0xFFFFC000  }
0x3c: {  	[hbm4b:s12+s13] =	stream.indirect.scatter [tilespmem:s9], [sflag:$0x2], $0x80, s7, s13, $0xb8;
	[tilespmem:$0x8100] =	vst v63  }
0x3d: {  	s23 =	sor.u32 $0x280, s30;
	_ =	swait.ge [sflag:s17], $0x4000  }
0x3e: {  	s22 =	sshrl.u32 s23, $0x3;
	[sflag:s17] =	ssyncset.done $0x0  }
0x3f: {  	s23 =	sshll.u32 s23, $0x4;
	s22 =	sadd.s32 s26, s22;
	[sflag:s17] =	ssyncadd.s32 $0xFFFFC000  }
0x40: {  	[tilespmem:s7], [sflag:$0x4] =	stream.linear.gather [hbm4b:s22+s2], $0x80, $0x38;
	[tilespmem:$0x8100] =	vst v63  }
0x41: {  	s23 =	sadd.s32 s28, s23  }
0x42: {  	[tilespmem:s9], [sflag:$0x2] =	stream.linear.gather [hbm4b:s23+s2], $0x4000, $0x38;
	[tilespmem:$0x8100] =	vst v63  }
0x43: {  	_ =	swait.ge [sflag:s10], $0x80  }
0x44: {  	[sflag:s10] =	ssyncset.done $0x0  }
0x45: {  	[sflag:s10] =	ssyncadd.s32 $0xFFFFFF80  }
0x46: {  	_ =	swait.ge [sflag:s11], $0x4000  }
0x47: {  	[sflag:s11] =	ssyncset.done $0x0  }
0x48: {  	[sflag:s11] =	ssyncadd.s32 $0xFFFFC000  }
0x49: {  	[hbm4b:s12+s13] =	stream.indirect.scatter [tilespmem:s2], [sflag:$0x1], $0x80, s4, s13, $0xb8;
	[tilespmem:$0x8100] =	vst v63  }
0x4a: {  	s25 =	sor.u32 $0x300, s30;
	_ =	swait.ge [sflag:s11], $0x4000  }
0x4b: {  	s24 =	sshrl.u32 s25, $0x3;
	[sflag:s11] =	ssyncset.done $0x0  }
0x4c: {  	s25 =	sshll.u32 s25, $0x4;
	s24 =	sadd.s32 s26, s24;
	[sflag:s11] =	ssyncadd.s32 $0xFFFFC000  }
0x4d: {  	[tilespmem:s4], [sflag:$0x3] =	stream.linear.gather [hbm4b:s24+s2], $0x80, $0x38;
	[tilespmem:$0x8100] =	vst v63  }
0x4e: {  	s25 =	sadd.s32 s28, s25  }
0x4f: {  	[tilespmem:s2], [sflag:$0x1] =	stream.linear.gather [hbm4b:s25+s2], $0x4000, $0x38;
	[tilespmem:$0x8100] =	vst v63  }
0x50: {  	_ =	swait.ge [sflag:s16], $0x80  }
0x51: {  	[sflag:s16] =	ssyncset.done $0x0  }
0x52: {  	[sflag:s16] =	ssyncadd.s32 $0xFFFFFF80  }
0x53: {  	_ =	swait.ge [sflag:s17], $0x4000  }
0x54: {  	[sflag:s17] =	ssyncset.done $0x0  }
0x55: {  	[sflag:s17] =	ssyncadd.s32 $0xFFFFC000  }
0x56: {  	[hbm4b:s12+s13] =	stream.indirect.scatter [tilespmem:s9], [sflag:$0x2], $0x80, s7, s13, $0xb8;
	[tilespmem:$0x8100] =	vst v63  }
0x57: {  	s30 =	sor.u32 $0x380, s30;
	_ =	swait.ge [sflag:s17], $0x4000  }
0x58: {  	s31 =	sshrl.u32 s30, $0x3;
	[sflag:s17] =	ssyncset.done $0x0  }
0x59: {  	s30 =	sshll.u32 s30, $0x4;
	s26 =	sadd.s32 s26, s31;
	[sflag:s17] =	ssyncadd.s32 $0xFFFFC000  }
0x5a: {  	[tilespmem:s7], [sflag:$0x4] =	stream.linear.gather [hbm4b:s26+s2], $0x80, $0x38;
	[tilespmem:$0x8100] =	vst v63  }
0x5b: {  	s28 =	sadd.s32 s28, s30  }
0x5c: {  	[tilespmem:s9], [sflag:$0x2] =	stream.linear.gather [hbm4b:s28+s2], $0x4000, $0x38;
	[tilespmem:$0x8100] =	vst v63  }
0x5d: {  	_ =	swait.ge [sflag:s10], $0x80  }
0x5e: {  	[sflag:s10] =	ssyncset.done $0x0  }
0x5f: {  	[sflag:s10] =	ssyncadd.s32 $0xFFFFFF80  }
0x60: {  	_ =	swait.ge [sflag:s11], $0x4000  }
0x61: {  	[sflag:s11] =	ssyncset.done $0x0  }
0x62: {  	[sflag:s11] =	ssyncadd.s32 $0xFFFFC000  }
0x63: {  	[hbm4b:s12+s13] =	stream.indirect.scatter [tilespmem:s2], [sflag:$0x1], $0x80, s4, s13, $0xb8;
	[tilespmem:$0x8100] =	vst v63  }
0x64: {  	_ =	swait.ge [sflag:s11], $0x4000  }
0x65: {  	[sflag:s11] =	ssyncset.done $0x0  }
0x66: {  	s29 =	ssub.s32 $0x2, s29;
	[sflag:s11] =	ssyncadd.s32 $0xFFFFC000  }
0x67: {  	s31 =	sshrl.u32 s29, $0x1;
	_ =	swait.ge [sflag:s16], $0x80  }
0x68: {  	s29 =	ssub.s32 s29, s31;
	[sflag:s16] =	ssyncset.done $0x0  }
0x69: {  	s29 =	smax.u32 s29, $0x1;
	[sflag:s16] =	ssyncadd.s32 $0xFFFFFF80  }
0x6a: {  	p0 =	sne.s32 s29, $0x1;
	_ =	swait.ge [sflag:s17], $0x4000  }
.Ltmp0:
0x6b: {  	[sflag:s17] =	ssyncset.done $0x0;
	(pc) =	sbr.rel @!p0 .LBB2_2-.Ltmp0, $4  }
0x6c: {  	[sflag:s17] =	ssyncadd.s32 $0xFFFFC000  }
0x6d: {  	[hbm4b:s12+s13] =	stream.indirect.scatter [tilespmem:s9], [sflag:$0x2], $0x80, s7, s13, $0xb8;
	[tilespmem:$0x8100] =	vst v63  }
0x6e: {  	_ =	swait.ge [sflag:s17], $0x4000  }
0x6f: {  	s29 =	sadd.s32 $0xFFFFFFFF, s29;
	[sflag:s17] =	ssyncset.done $0x0  }
.LBB2_1:
0x70: {  	p0 =	sne.s32 s29, $0x1;
	s29 =	sadd.s32 $0xFFFFFFFF, s29;
	[sflag:s17] =	ssyncadd.s32 $0xFFFFC000  }
0x71: {  	[tilespmem:s4], [sflag:$0x3] =	stream.linear.gather [hbm4b:s3+s2], $0x80, $0x38;
	[tilespmem:$0x8100] =	vst v63  }
0x72: {  	_ = 	snop  }
0x73: {  	[tilespmem:s2], [sflag:$0x1] =	stream.linear.gather [hbm4b:s5+s2], $0x4000, $0x38;
	[tilespmem:$0x8100] =	vst v63  }
0x74: {  	_ = 	snop  }
0x75: {  	[tilespmem:s7], [sflag:$0x4] =	stream.linear.gather [hbm4b:s6+s2], $0x80, $0x38;
	[tilespmem:$0x8100] =	vst v63  }
0x76: {  	_ = 	snop  }
0x77: {  	[tilespmem:s9], [sflag:$0x2] =	stream.linear.gather [hbm4b:s8+s2], $0x4000, $0x38;
	[tilespmem:$0x8100] =	vst v63  }
0x78: {  	_ =	swait.ge [sflag:s10], $0x80  }
0x79: {  	[sflag:s10] =	ssyncset.done $0x0  }
0x7a: {  	[sflag:s10] =	ssyncadd.s32 $0xFFFFFF80  }
0x7b: {  	_ =	swait.ge [sflag:s11], $0x4000  }
0x7c: {  	[sflag:s11] =	ssyncset.done $0x0  }
0x7d: {  	[sflag:s11] =	ssyncadd.s32 $0xFFFFC000  }
0x7e: {  	[hbm4b:s12+s13] =	stream.indirect.scatter [tilespmem:s2], [sflag:$0x1], $0x80, s4, s13, $0xb8;
	[tilespmem:$0x8100] =	vst v63  }
0x7f: {  	_ =	swait.ge [sflag:s11], $0x4000  }
0x80: {  	[sflag:s11] =	ssyncset.done $0x0  }
0x81: {  	[sflag:s11] =	ssyncadd.s32 $0xFFFFC000  }
0x82: {  	[tilespmem:s4], [sflag:$0x3] =	stream.linear.gather [hbm4b:s14+s2], $0x80, $0x38;
	[tilespmem:$0x8100] =	vst v63  }
0x83: {  	_ = 	snop  }
0x84: {  	[tilespmem:s2], [sflag:$0x1] =	stream.linear.gather [hbm4b:s15+s2], $0x4000, $0x38;
	[tilespmem:$0x8100] =	vst v63  }
0x85: {  	_ =	swait.ge [sflag:s16], $0x80  }
0x86: {  	[sflag:s16] =	ssyncset.done $0x0  }
0x87: {  	[sflag:s16] =	ssyncadd.s32 $0xFFFFFF80  }
0x88: {  	_ =	swait.ge [sflag:s17], $0x4000  }
0x89: {  	[sflag:s17] =	ssyncset.done $0x0  }
0x8a: {  	[sflag:s17] =	ssyncadd.s32 $0xFFFFC000  }
0x8b: {  	[hbm4b:s12+s13] =	stream.indirect.scatter [tilespmem:s9], [sflag:$0x2], $0x80, s7, s13, $0xb8;
	[tilespmem:$0x8100] =	vst v63  }
0x8c: {  	_ =	swait.ge [sflag:s17], $0x4000  }
0x8d: {  	[sflag:s17] =	ssyncset.done $0x0  }
0x8e: {  	[sflag:s17] =	ssyncadd.s32 $0xFFFFC000  }
0x8f: {  	[tilespmem:s7], [sflag:$0x4] =	stream.linear.gather [hbm4b:s18+s2], $0x80, $0x38;
	[tilespmem:$0x8100] =	vst v63  }
0x90: {  	_ = 	snop  }
0x91: {  	[tilespmem:s9], [sflag:$0x2] =	stream.linear.gather [hbm4b:s19+s2], $0x4000, $0x38;
	[tilespmem:$0x8100] =	vst v63  }
0x92: {  	_ =	swait.ge [sflag:s10], $0x80  }
0x93: {  	[sflag:s10] =	ssyncset.done $0x0  }
0x94: {  	[sflag:s10] =	ssyncadd.s32 $0xFFFFFF80  }
0x95: {  	_ =	swait.ge [sflag:s11], $0x4000  }
0x96: {  	[sflag:s11] =	ssyncset.done $0x0  }
0x97: {  	[sflag:s11] =	ssyncadd.s32 $0xFFFFC000  }
0x98: {  	[hbm4b:s12+s13] =	stream.indirect.scatter [tilespmem:s2], [sflag:$0x1], $0x80, s4, s13, $0xb8;
	[tilespmem:$0x8100] =	vst v63  }
0x99: {  	_ =	swait.ge [sflag:s11], $0x4000  }
0x9a: {  	[sflag:s11] =	ssyncset.done $0x0  }
0x9b: {  	[sflag:s11] =	ssyncadd.s32 $0xFFFFC000  }
0x9c: {  	[tilespmem:s4], [sflag:$0x3] =	stream.linear.gather [hbm4b:s20+s2], $0x80, $0x38;
	[tilespmem:$0x8100] =	vst v63  }
0x9d: {  	_ = 	snop  }
0x9e: {  	[tilespmem:s2], [sflag:$0x1] =	stream.linear.gather [hbm4b:s21+s2], $0x4000, $0x38;
	[tilespmem:$0x8100] =	vst v63  }
0x9f: {  	_ =	swait.ge [sflag:s16], $0x80  }
0xa0: {  	[sflag:s16] =	ssyncset.done $0x0  }
0xa1: {  	[sflag:s16] =	ssyncadd.s32 $0xFFFFFF80  }
0xa2: {  	_ =	swait.ge [sflag:s17], $0x4000  }
0xa3: {  	[sflag:s17] =	ssyncset.done $0x0  }
0xa4: {  	[sflag:s17] =	ssyncadd.s32 $0xFFFFC000  }
0xa5: {  	[hbm4b:s12+s13] =	stream.indirect.scatter [tilespmem:s9], [sflag:$0x2], $0x80, s7, s13, $0xb8;
	[tilespmem:$0x8100] =	vst v63  }
0xa6: {  	_ =	swait.ge [sflag:s17], $0x4000  }
0xa7: {  	[sflag:s17] =	ssyncset.done $0x0  }
0xa8: {  	[sflag:s17] =	ssyncadd.s32 $0xFFFFC000  }
0xa9: {  	[tilespmem:s7], [sflag:$0x4] =	stream.linear.gather [hbm4b:s22+s2], $0x80, $0x38;
	[tilespmem:$0x8100] =	vst v63  }
0xaa: {  	_ = 	snop  }
0xab: {  	[tilespmem:s9], [sflag:$0x2] =	stream.linear.gather [hbm4b:s23+s2], $0x4000, $0x38;
	[tilespmem:$0x8100] =	vst v63  }
0xac: {  	_ =	swait.ge [sflag:s10], $0x80  }
0xad: {  	[sflag:s10] =	ssyncset.done $0x0  }
0xae: {  	[sflag:s10] =	ssyncadd.s32 $0xFFFFFF80  }
0xaf: {  	_ =	swait.ge [sflag:s11], $0x4000  }
0xb0: {  	[sflag:s11] =	ssyncset.done $0x0  }
0xb1: {  	[sflag:s11] =	ssyncadd.s32 $0xFFFFC000  }
0xb2: {  	[hbm4b:s12+s13] =	stream.indirect.scatter [tilespmem:s2], [sflag:$0x1], $0x80, s4, s13, $0xb8;
	[tilespmem:$0x8100] =	vst v63  }
0xb3: {  	_ =	swait.ge [sflag:s11], $0x4000  }
0xb4: {  	[sflag:s11] =	ssyncset.done $0x0  }
0xb5: {  	[sflag:s11] =	ssyncadd.s32 $0xFFFFC000  }
0xb6: {  	[tilespmem:s4], [sflag:$0x3] =	stream.linear.gather [hbm4b:s24+s2], $0x80, $0x38;
	[tilespmem:$0x8100] =	vst v63  }
0xb7: {  	_ = 	snop  }
0xb8: {  	[tilespmem:s2], [sflag:$0x1] =	stream.linear.gather [hbm4b:s25+s2], $0x4000, $0x38;
	[tilespmem:$0x8100] =	vst v63  }
0xb9: {  	_ =	swait.ge [sflag:s16], $0x80  }
0xba: {  	[sflag:s16] =	ssyncset.done $0x0  }
0xbb: {  	[sflag:s16] =	ssyncadd.s32 $0xFFFFFF80  }
0xbc: {  	_ =	swait.ge [sflag:s17], $0x4000  }
0xbd: {  	[sflag:s17] =	ssyncset.done $0x0  }
0xbe: {  	[sflag:s17] =	ssyncadd.s32 $0xFFFFC000  }
0xbf: {  	[hbm4b:s12+s13] =	stream.indirect.scatter [tilespmem:s9], [sflag:$0x2], $0x80, s7, s13, $0xb8;
	[tilespmem:$0x8100] =	vst v63  }
0xc0: {  	_ =	swait.ge [sflag:s17], $0x4000  }
0xc1: {  	[sflag:s17] =	ssyncset.done $0x0  }
0xc2: {  	[sflag:s17] =	ssyncadd.s32 $0xFFFFC000  }
0xc3: {  	[tilespmem:s7], [sflag:$0x4] =	stream.linear.gather [hbm4b:s26+s2], $0x80, $0x38;
	[tilespmem:$0x8100] =	vst v63  }
0xc4: {  	_ = 	snop  }
0xc5: {  	[tilespmem:s9], [sflag:$0x2] =	stream.linear.gather [hbm4b:s28+s2], $0x4000, $0x38;
	[tilespmem:$0x8100] =	vst v63  }
0xc6: {  	_ =	swait.ge [sflag:s10], $0x80  }
0xc7: {  	[sflag:s10] =	ssyncset.done $0x0  }
0xc8: {  	[sflag:s10] =	ssyncadd.s32 $0xFFFFFF80  }
0xc9: {  	_ =	swait.ge [sflag:s11], $0x4000  }
0xca: {  	[sflag:s11] =	ssyncset.done $0x0  }
0xcb: {  	[sflag:s11] =	ssyncadd.s32 $0xFFFFC000  }
0xcc: {  	[hbm4b:s12+s13] =	stream.indirect.scatter [tilespmem:s2], [sflag:$0x1], $0x80, s4, s13, $0xb8;
	[tilespmem:$0x8100] =	vst v63  }
0xcd: {  	_ =	swait.ge [sflag:s11], $0x4000  }
0xce: {  	[sflag:s11] =	ssyncset.done $0x0  }
0xcf: {  	[sflag:s11] =	ssyncadd.s32 $0xFFFFC000  }
0xd0: {  	_ =	swait.ge [sflag:s16], $0x80  }
0xd1: {  	[sflag:s16] =	ssyncset.done $0x0  }
0xd2: {  	[sflag:s16] =	ssyncadd.s32 $0xFFFFFF80  }
0xd3: {  	_ =	swait.ge [sflag:s17], $0x4000  }
.Ltmp1:
0xd4: {  	[sflag:s17] =	ssyncset.done $0x0;
	(pc) =	sbr.rel @p0 .LBB2_1-.Ltmp1, $4  }
0xd5: {  	[sflag:s17] =	ssyncadd.s32 $0xFFFFC000  }
0xd6: {  	[hbm4b:s12+s13] =	stream.indirect.scatter [tilespmem:s9], [sflag:$0x2], $0x80, s7, s13, $0xb8;
	[tilespmem:$0x8100] =	vst v63  }
0xd7: {  	_ =	swait.ge [sflag:s17], $0x4000  }
0xd8: {  	[sflag:s17] =	ssyncset.done $0x0  }
.LBB2_2:
0xd9: {  	[sflag:s17] =	ssyncadd.s32 $0xFFFFC000  }
0xda: {  	_ =	sfence.sel $0x180000  }
0xdb: {  	[bflag:$0x0] =	sbarrier.arrive $0xFFFF  }
0xdc: {  	p0 =	sne.s32 s0, $0x0;
	_ =	strace $0x90000047  }
0xdd: {  	s0 =	sadd.s32 @!p0 $0x100000, s1;
	[bflag:$0x2] =	sbarrier.arrive $0xFFFF  }
0xde: {  	[sflag:s0] =	ssyncadd.tile.s32 @!p0 $0x1;
	_ =	shalt  }
.Lfunc_end2:
_tile_overlayer_lowered:
.L_overlay_start_2:
0xdf: {  	(tag) =	ssettag $0x2  }
0xe0: {  	s0 =	rddreg [dreg:$0x0];
	s2 =	stileid.u32  }
0xe1: {  	s1 =	rddreg [dreg:$0x1];
	p0 =	sne.s32 s2, $0x0  }
0xe2: {  	s3 =	rddreg [dreg:$0x2];
	[bflag:$0x3] =	sbarrier.arrive $0xFFFF;
	s2 =	simm.s32 @!p0 $0x1C05  }
0xe3: {  	[timem:s3], [sflag:s2] =	dma.local @!p0 [hbm:s0], s1  }
0xe4: {  	s0 =	simm.s32 @!p0 $0x5  }
0xe5: {  	_ =	swait.ge @!p0 [sflag:s0], s1  }
0xe6: {  	s1 =	ssub.s32 @!p0 $0x0, s1;
	[sflag:s0] =	ssyncset.done @!p0 $0x0  }
0xe7: {  	[sflag:s0] =	ssyncadd.s32 @!p0 s1  }
0xe8: {  	[bflag:$0x3] =	sbarrier.arrive $0xFFFF  }
0xe9: {  	_ =	shalt  }

</sc_bundles>
